<compile_context>
chip_gen: v7x
topology: tpu7x:2x2x1
jax: 0.10.2.dev20260603
libtpu: 0.0.44.dev20260713+nightly
codegen_flags: <defaults>
</compile_context>

<pallas_src>
import functools
import math

import jax
import jax.numpy as jnp
from jax import lax
from jax.experimental import pallas as pl
from jax.experimental.pallas import tpu as pltpu
from jax.experimental.pallas import tpu_sc as plsc

L = 16


def _signed_key(b):
    return b ^ (lax.shift_right_arithmetic(b, 31) & jnp.int32(0x7FFFFFFF))



def _matmul_t_body(x_ref, w_ref, o_ref):
    o_ref[...] = lax.dot_general(
        w_ref[...], x_ref[...], (((1,), (1,)), ((), ())),
        preferred_element_type=jnp.float32)


def _scores_t(x, w):
    B, D = x.shape
    O = w.shape[0]
    CB = 128
    return pl.pallas_call(
        _matmul_t_body,
        grid=(O // CB,),
        in_specs=[
            pl.BlockSpec((B, D), lambda j: (0, 0)),
            pl.BlockSpec((CB, D), lambda j: (j, 0)),
        ],
        out_specs=pl.BlockSpec((CB, B), lambda j: (j, 0)),
        out_shape=jax.ShapeDtypeStruct((O, B), jnp.float32),
    )(x, w)



def _sc_select_body(k_active, n, scores_hbm, thr_hbm,
                    data_a, data_b, lista_v, hist_v, totals_v, gsum_v, thr_v,
                    sem_a, sem_b):
    nv = n // L
    lane = lax.iota(jnp.int32, L)
    ones = jnp.ones((L,), jnp.int32)
    zeros = jnp.zeros((L,), jnp.int32)
    c = lax.axis_index("c")
    s = lax.axis_index("s")
    wid = s * 2 + c
    rpw = 32
    row0 = wid * rpw

    lane256 = lane * 256
    mmin = jnp.int32(-2147483648)
    rank0 = jnp.full((L,), k_active, jnp.int32)

    def take(vec, idx):
        return jnp.sum(jnp.where(lane == idx, vec, 0))

    def level(counts, rank):
        rT = lax.rev(counts, (0,))
        cT = plsc.cumsum(rT)
        m = cT >= rank
        pc = plsc.all_reduce_population_count(m)
        f = jnp.int32(16) - pc
        above = take(cT - rT, f)
        return pc - 1, rank - above

    def select_row(data_v, r):
        @plsc.parallel_loop(0, nv, unroll=8)
        def l1(i):
            b = plsc.bitcast(plsc.load_gather(data_v, [i * L + lane]), jnp.int32)
            d = lax.shift_right_logical(b, 24)
            plsc.addupdate_scatter(hist_v, [lane256 | (d ^ lane)], ones)

        @plsc.parallel_loop(0, 16, unroll=2)
        def red(g):
            acc = zeros
            raw = g * L + lane
            for l in range(L):
                acc = acc + plsc.load_gather(hist_v, [l * 256 + (raw ^ l)])
            flip = jnp.where(raw < 128, jnp.int32(0x80), jnp.int32(0xFF))
            plsc.store_scatter(totals_v, [raw ^ flip], acc)
            ukg = jnp.where(g < 8, g + 8, 15 - g)
            gtot = jnp.full((L,), jnp.sum(acc), jnp.int32)
            plsc.store_scatter(gsum_v, [jnp.full((L,), ukg, jnp.int32)],
                               gtot, mask=lane == 0)

        gs = gsum_v[...]
        gstar, rank_g = level(gs, rank0)
        T = plsc.load_gather(totals_v, [gstar * L + lane])
        dsub, rank2 = level(T, rank_g)
        d1 = gstar * L + dsub
        d1_raw = d1 ^ jnp.where(d1 >= 128, jnp.int32(0x80), jnp.int32(0xFF))

        cnts = plsc.load_gather(hist_v, [lane256 | (d1_raw ^ lane)])
        base = plsc.cumsum(cnts) - cnts
        n1 = jnp.sum(cnts)

        @plsc.parallel_loop(0, 256, unroll=8)
        def zb(i):
            plsc.store_scatter(hist_v, [lane256 | i], zeros)

        d1_sr = jnp.where(d1_raw >= 128, jnp.int32(-1), jnp.int32(0))

        @plsc.parallel_loop(0, nv, unroll=8, carry=base)
        def l2(i, off):
            b = plsc.bitcast(plsc.load_gather(data_v, [i * L + lane]), jnp.int32)
            m = lax.shift_right_logical(b, 24) == d1_raw
            val = b ^ d1_sr
            plsc.store_scatter(lista_v, [off], val, mask=m)
            return off + m.astype(jnp.int32)

        nv1 = (n1 + (L - 1)) // L

        def bit_step(bi, t):
            cand = t | lax.shift_left(jnp.int32(1), jnp.int32(23) - bi)

            @plsc.parallel_loop(0, nv1, carry=zeros)
            def cnt_loop(i, cntv):
                kv = plsc.load_gather(lista_v, [i * L + lane])
                low = kv & jnp.int32(0x00FFFFFF)
                ok = jnp.logical_and(low >= cand, i * L + lane < n1)
                return cntv + ok.astype(jnp.int32)
            return jnp.where(jnp.sum(cnt_loop) >= rank2, cand, t)

        t_low = lax.fori_loop(0, 24, bit_step, jnp.full((L,), 0, jnp.int32))
        kth = lax.shift_left(d1, 24) | t_low
        kth_s = kth ^ mmin

        plsc.store_scatter(thr_v, [jnp.full((L,), r, jnp.int32)],
                           kth_s, mask=lane == 0)

    @plsc.parallel_loop(0, 256, unroll=8)
    def zb0(i):
        plsc.store_scatter(hist_v, [lane256 | i], zeros)

    pltpu.make_async_copy(scores_hbm.at[row0], data_a, sem_a).start()
    pltpu.make_async_copy(scores_hbm.at[row0 + 1], data_b, sem_b).start()

    def do_pair(m, u):
        r = 2 * m
        pltpu.make_async_copy(scores_hbm.at[row0], data_a, sem_a).wait()
        select_row(data_a, r)
        nxt = row0 + lax.rem(r + 2, rpw)
        pltpu.make_async_copy(scores_hbm.at[nxt], data_a, sem_a).start()
        pltpu.make_async_copy(scores_hbm.at[row0 + 1], data_b, sem_b).wait()
        select_row(data_b, r + 1)
        nxt2 = row0 + lax.rem(r + 3, rpw)
        pltpu.make_async_copy(scores_hbm.at[nxt2], data_b, sem_b).start()
        return u
    lax.fori_loop(0, rpw // 2, do_pair, 0)

    pltpu.make_async_copy(scores_hbm.at[row0], data_a, sem_a).wait()
    pltpu.make_async_copy(scores_hbm.at[row0 + 1], data_b, sem_b).wait()

    pltpu.sync_copy(thr_v, thr_hbm.at[pl.ds(row0, rpw)])


def _select_thresholds(scores_t, k_active):
    O, B = scores_t.shape
    mesh = plsc.VectorSubcoreMesh(core_axis_name="c", subcore_axis_name="s")
    f = pl.kernel(
        functools.partial(_sc_select_body, k_active, B),
        mesh=mesh,
        compiler_params=pltpu.CompilerParams(needs_layout_passes=False),
        out_type=jax.ShapeDtypeStruct((O,), jnp.int32),
        scratch_types=[
            pltpu.VMEM((B,), jnp.float32),
            pltpu.VMEM((B,), jnp.float32),
            pltpu.VMEM((B,), jnp.int32),
            pltpu.VMEM((L * 256,), jnp.int32),
            pltpu.VMEM((256,), jnp.int32),
            pltpu.VMEM((16,), jnp.int32),
            pltpu.VMEM((32,), jnp.int32),
            pltpu.SemaphoreType.DMA,
            pltpu.SemaphoreType.DMA,
        ],
    )
    return f(scores_t)



def _mask_body(x_ref, w_ref, b_ref, t_ref, o_ref):
    x = x_ref[...]
    w = w_ref[...]
    sc = lax.dot_general(
        x, w, (((1,), (1,)), ((), ())), preferred_element_type=jnp.float32)
    ks = _signed_key(lax.bitcast_convert_type(sc, jnp.int32))
    keep = ks >= t_ref[...]
    o_ref[...] = jnp.where(keep, sc + b_ref[...], jnp.float32(0.0))


def _masked_out(x, w, bias2, thr2):
    B, D = x.shape
    O = w.shape[0]
    CB = 128
    return pl.pallas_call(
        _mask_body,
        grid=(O // CB,),
        in_specs=[
            pl.BlockSpec((B, D), lambda j: (0, 0)),
            pl.BlockSpec((CB, D), lambda j: (j, 0)),
            pl.BlockSpec((1, CB), lambda j: (0, j)),
            pl.BlockSpec((1, CB), lambda j: (0, j)),
        ],
        out_specs=pl.BlockSpec((B, CB), lambda j: (0, j)),
        out_shape=jax.ShapeDtypeStruct((B, O), jnp.float32),
    )(x, w, bias2, thr2)


@jax.jit
def kernel(input, weight, bias):
    B, D = input.shape
    O = weight.shape[0]
    k_active = math.ceil(0.5 * B)
    st = _scores_t(input, weight)
    thr = _select_thresholds(st, k_active)
    return _masked_out(input, weight, bias.reshape(1, O), thr.reshape(1, O))

# --- scband reference (transcript-rebuilt; emitter-appended) ---
"""Pipeline reference for scband-bandit-layer-19198503813586 (READ-ONLY COPY).

The authoritative reference and input builder live on the scoring server;
editing this copy changes nothing except your own understanding.
"""

import jax, jax.numpy as jnp
import numpy as np
import math

BATCH = 16384
INPUT_DIM = 128
OUTPUT_DIM = 1024
K_FRAC = 0.5
K_ACTIVE = math.ceil(K_FRAC * BATCH)  # ActiveSetSize = ceil(k * input_size) = 8192


def setup_inputs(seed: int = 0) -> dict:
    key = jax.random.key(seed)
    k1, k2, k3 = jax.random.split(key, 3)
    x = jax.random.normal(k1, (BATCH, INPUT_DIM), dtype=jnp.float32)
    # kaiming_uniform_(a=sqrt(5)) on [out, in] => bound = 1/sqrt(fan_in); bias same bound
    bound = 1.0 / math.sqrt(INPUT_DIM)
    weight = jax.random.uniform(k2, (OUTPUT_DIM, INPUT_DIM), dtype=jnp.float32, minval=-bound, maxval=bound)
    bias = jax.random.uniform(k3, (OUTPUT_DIM,), dtype=jnp.float32, minval=-bound, maxval=bound)
    return {"input": x, "weight": weight, "bias": bias}


def reference(input, weight, bias):
    # Training-mode forward with weights_are_query=True.
    # For each weight row j (query), BoundedME returns an (epsilon, delta)-approximate
    # set of the ActiveSetSize inputs with largest inner product <input_i, weight_j>.
    # Reference uses exact top-k (the epsilon=0 limit of BoundedME).
    # output[i, j] = <input_i, weight_j> + bias_j if i in top-K of column j else 0.
    B = input.shape[0]
    O = weight.shape[0]
    scores = jnp.matmul(input, weight.T)  # [B, O]
    # top K_ACTIVE rows per column
    _, idx = jax.lax.top_k(scores.T, K_ACTIVE)  # [O, K_ACTIVE]
    mask_t = jnp.zeros((O, B), dtype=jnp.float32).at[jnp.arange(O)[:, None], idx].set(1.0)
    mask = mask_t.T  # [B, O]
    output = mask * (scores + bias[None, :])
    return output

if __name__ == "__main__":
    import jax
    _d = setup_inputs()
    print(jax.jit(kernel)(*tuple(_d.values())))

</pallas_src>

<mosaic_0001>
#map = affine_map<(d0, d1) -> (0, 0)>
#map1 = affine_map<(d0, d1) -> (0)>
module attributes {stable_mosaic.version = 14 : i64} {
  func.func @_sc_select_body(%arg0: i32, %arg1: i32, %arg2: memref<1024x16384xf32, #tpu.memory_space<hbm>>, %arg3: memref<1024xi32, #tpu.memory_space<hbm>>, %arg4: memref<16384xf32, #tpu.memory_space<vmem>>, %arg5: memref<16384xf32, #tpu.memory_space<vmem>>, %arg6: memref<16384xi32, #tpu.memory_space<vmem>>, %arg7: memref<4096xi32, #tpu.memory_space<vmem>>, %arg8: memref<256xi32, #tpu.memory_space<vmem>>, %arg9: memref<16xi32, #tpu.memory_space<vmem>>, %arg10: memref<32xi32, #tpu.memory_space<vmem>>, %arg11: memref<!tpu.dma_semaphore, #tpu.memory_space<semaphore_mem>>, %arg12: memref<!tpu.dma_semaphore, #tpu.memory_space<semaphore_mem>>) attributes {dimension_semantics = [#tpu.dimension_semantics<core_parallel>, #tpu.dimension_semantics<subcore_parallel>], iteration_bounds = array<i64: 2, 16>, scalar_prefetch = 0 : i64, scratch_operands = 9 : i64, tpu.core_type = #tpu.core_type<sc_vector_subcore>, window_params = [{transform_indices = #map}, {transform_indices = #map1}]} {
    %iota3A = tpu.iota {dimensions = array<i32: 0>} : vector<16xi32>
    %broadcast_in_dim3A = arith.constant 1 : i32
    %broadcast_in_dim3A_0 = vector.broadcast %broadcast_in_dim3A : i32 to vector<16xi32>
    %broadcast_in_dim3A_1 = arith.constant 0 : i32
    %broadcast_in_dim3A_2 = vector.broadcast %broadcast_in_dim3A_1 : i32 to vector<16xi32>
    %mul3A = arith.constant 2 : i32
    %mul3A_3 = arith.muli %arg1, %mul3A : i32
    %add3A = arith.addi %mul3A_3, %arg0 : i32
    %mul3A_4 = arith.constant 32 : i32
    %mul3A_5 = arith.muli %add3A, %mul3A_4 : i32
    %mul3A_6 = arith.constant 256 : i32
    %mul3A_7 = vector.broadcast %mul3A_6 : i32 to vector<16xi32>
    %mul3A_8 = arith.muli %iota3A, %mul3A_7 : vector<16xi32>
    %broadcast_in_dim3A_9 = arith.constant 8192 : i32
    %broadcast_in_dim3A_10 = vector.broadcast %broadcast_in_dim3A_9 : i32 to vector<16xi32>
    %parallel_loop3A = arith.constant 0 : i32
    %parallel_loop3A_11 = arith.constant 256 : i32
    %parallel_loop3A_12 = arith.constant 1 : i32
    scf.for %parallel_loop3A_45 = %parallel_loop3A to %parallel_loop3A_11 step %parallel_loop3A_12  : i32 {
      %parallel_loop3A_46 = vector.broadcast %parallel_loop3A_45 : i32 to vector<16xi32>
      %parallel_loop3A_47 = arith.ori %mul3A_8, %parallel_loop3A_46 : vector<16xi32>
      tpu.vector_store_idx %arg7[%parallel_loop3A_47], %broadcast_in_dim3A_2 : memref<4096xi32, #tpu.memory_space<vmem>>[vector<16xi32>], vector<16xi32>,
    } {sc.loop_unroll_factor = 8 : i64, sc.parallel_access}
    %dma_start3A = arith.constant 0 : i32
    %dma_start3A_13 = tpu.memref_slice %arg2[%mul3A_5, %dma_start3A] : memref<1024x16384xf32, #tpu.memory_space<hbm>> -> memref<1x16384xf32, #tpu.memory_space<hbm>>
    %dma_start3A_14 = tpu.memref_squeeze %dma_start3A_13 : memref<1x16384xf32, #tpu.memory_space<hbm>> -> memref<16384xf32, #tpu.memory_space<hbm>>
    %dma_start3A_15 = arith.constant 0 : i32
    %dma_start3A_16 = tpu.memref_slice %arg2[%mul3A_5, %dma_start3A_15] : memref<1024x16384xf32, #tpu.memory_space<hbm>> -> memref<1x16384xf32, #tpu.memory_space<hbm>>
    %dma_start3A_17 = tpu.memref_squeeze %dma_start3A_16 : memref<1x16384xf32, #tpu.memory_space<hbm>> -> memref<16384xf32, #tpu.memory_space<hbm>>
    tpu.enqueue_dma source(%dma_start3A_17 : memref<16384xf32, #tpu.memory_space<hbm>>) target(%arg4 : memref<16384xf32, #tpu.memory_space<vmem>>) target_semaphore(%arg11 : memref<!tpu.dma_semaphore, #tpu.memory_space<semaphore_mem>>)
    %add3A_18 = arith.constant 1 : i32
    %add3A_19 = arith.addi %mul3A_5, %add3A_18 : i32
    %dma_start3A_20 = arith.constant 0 : i32
    %dma_start3A_21 = tpu.memref_slice %arg2[%add3A_19, %dma_start3A_20] : memref<1024x16384xf32, #tpu.memory_space<hbm>> -> memref<1x16384xf32, #tpu.memory_space<hbm>>
    %dma_start3A_22 = tpu.memref_squeeze %dma_start3A_21 : memref<1x16384xf32, #tpu.memory_space<hbm>> -> memref<16384xf32, #tpu.memory_space<hbm>>
    %dma_start3A_23 = arith.constant 0 : i32
    %dma_start3A_24 = tpu.memref_slice %arg2[%add3A_19, %dma_start3A_23] : memref<1024x16384xf32, #tpu.memory_space<hbm>> -> memref<1x16384xf32, #tpu.memory_space<hbm>>
    %dma_start3A_25 = tpu.memref_squeeze %dma_start3A_24 : memref<1x16384xf32, #tpu.memory_space<hbm>> -> memref<16384xf32, #tpu.memory_space<hbm>>
    tpu.enqueue_dma source(%dma_start3A_25 : memref<16384xf32, #tpu.memory_space<hbm>>) target(%arg5 : memref<16384xf32, #tpu.memory_space<vmem>>) target_semaphore(%arg12 : memref<!tpu.dma_semaphore, #tpu.memory_space<semaphore_mem>>)
    %scan3A = arith.constant 0 : i32
    %scan3A_26 = arith.constant -2147483648 : i32
    %scan3A_27 = arith.constant 0 : i32
    %scan3A_28 = arith.constant 16 : i32
    %scan3A_29 = arith.addi %scan3A_27, %scan3A_28 : i32
    %scan3A_30 = arith.constant 1 : i32
    scf.for %scan3A_45 = %scan3A_27 to %scan3A_29 step %scan3A_30  : i32 {
      %mul3A_46 = arith.constant 2 : i32
      %mul3A_47 = arith.muli %mul3A_46, %scan3A_45 : i32
      %dma_wait3A_48 = arith.constant 0 : i32
      %dma_wait3A_49 = tpu.memref_slice %arg2[%mul3A_5, %dma_wait3A_48] : memref<1024x16384xf32, #tpu.memory_space<hbm>> -> memref<1x16384xf32, #tpu.memory_space<hbm>>
      %dma_wait3A_50 = tpu.memref_squeeze %dma_wait3A_49 : memref<1x16384xf32, #tpu.memory_space<hbm>> -> memref<16384xf32, #tpu.memory_space<hbm>>
      %dma_wait3A_51 = arith.constant 0 : i32
      %dma_wait3A_52 = tpu.memref_slice %arg2[%mul3A_5, %dma_wait3A_51] : memref<1024x16384xf32, #tpu.memory_space<hbm>> -> memref<1x16384xf32, #tpu.memory_space<hbm>>
      %dma_wait3A_53 = tpu.memref_squeeze %dma_wait3A_52 : memref<1x16384xf32, #tpu.memory_space<hbm>> -> memref<16384xf32, #tpu.memory_space<hbm>>
      tpu.wait_dma2 semaphore(%arg11 : memref<!tpu.dma_semaphore, #tpu.memory_space<semaphore_mem>>) src(%dma_wait3A_53 : memref<16384xf32, #tpu.memory_space<hbm>>) dst(%arg4 : memref<16384xf32, #tpu.memory_space<vmem>>)
      %parallel_loop3A_54 = arith.constant 0 : i32
      %parallel_loop3A_55 = arith.constant 1024 : i32
      %parallel_loop3A_56 = arith.constant 1 : i32
      scf.for %parallel_loop3A_367 = %parallel_loop3A_54 to %parallel_loop3A_55 step %parallel_loop3A_56  : i32 {
        %parallel_loop3A_368 = arith.constant 16 : i32
        %parallel_loop3A_369 = arith.muli %parallel_loop3A_367, %parallel_loop3A_368 : i32
        %parallel_loop3A_370 = vector.broadcast %parallel_loop3A_369 : i32 to vector<16xi32>
        %parallel_loop3A_371 = arith.addi %parallel_loop3A_370, %iota3A : vector<16xi32>
        %parallel_loop3A_372 = tpu.vector_load_idx %arg4[%parallel_loop3A_371] : memref<16384xf32, #tpu.memory_space<vmem>>[vector<16xi32>], vector<16xf32>,
        %parallel_loop3A_373 = vector.bitcast %parallel_loop3A_372 : vector<16xf32> to vector<16xi32>
        %parallel_loop3A_374 = arith.constant 24 : i32
        %parallel_loop3A_375 = vector.broadcast %parallel_loop3A_374 : i32 to vector<16xi32>
        %parallel_loop3A_376 = arith.shrui %parallel_loop3A_373, %parallel_loop3A_375 : vector<16xi32>
        %parallel_loop3A_377 = arith.xori %parallel_loop3A_376, %iota3A : vector<16xi32>
        %parallel_loop3A_378 = arith.ori %mul3A_8, %parallel_loop3A_377 : vector<16xi32>
        tpu.vector_store_idx %arg7[%parallel_loop3A_378], %broadcast_in_dim3A_0 {add = true} : memref<4096xi32, #tpu.memory_space<vmem>>[vector<16xi32>], vector<16xi32>,
      } {sc.loop_unroll_factor = 8 : i64, sc.parallel_access}
      %parallel_loop3A_57 = arith.constant 0 : i32
      %parallel_loop3A_58 = arith.constant 16 : i32
      %parallel_loop3A_59 = arith.constant 1 : i32
      scf.for %parallel_loop3A_367 = %parallel_loop3A_57 to %parallel_loop3A_58 step %parallel_loop3A_59  : i32 {
        %parallel_loop3A_368 = arith.constant 16 : i32
        %parallel_loop3A_369 = arith.muli %parallel_loop3A_367, %parallel_loop3A_368 : i32
        %parallel_loop3A_370 = vector.broadcast %parallel_loop3A_369 : i32 to vector<16xi32>
        %parallel_loop3A_371 = arith.addi %parallel_loop3A_370, %iota3A : vector<16xi32>
        %parallel_loop3A_372 = arith.constant 0 : i32
        %parallel_loop3A_373 = vector.broadcast %parallel_loop3A_372 : i32 to vector<16xi32>
        %parallel_loop3A_374 = arith.xori %parallel_loop3A_371, %parallel_loop3A_373 : vector<16xi32>
        %parallel_loop3A_375 = arith.constant 0 : i32
        %parallel_loop3A_376 = vector.broadcast %parallel_loop3A_375 : i32 to vector<16xi32>
        %parallel_loop3A_377 = arith.addi %parallel_loop3A_376, %parallel_loop3A_374 : vector<16xi32>
        %parallel_loop3A_378 = tpu.vector_load_idx %arg7[%parallel_loop3A_377] : memref<4096xi32, #tpu.memory_space<vmem>>[vector<16xi32>], vector<16xi32>,
        %parallel_loop3A_379 = arith.addi %broadcast_in_dim3A_2, %parallel_loop3A_378 : vector<16xi32>
        %parallel_loop3A_380 = arith.constant 1 : i32
        %parallel_loop3A_381 = vector.broadcast %parallel_loop3A_380 : i32 to vector<16xi32>
        %parallel_loop3A_382 = arith.xori %parallel_loop3A_371, %parallel_loop3A_381 : vector<16xi32>
        %parallel_loop3A_383 = arith.constant 256 : i32
        %parallel_loop3A_384 = vector.broadcast %parallel_loop3A_383 : i32 to vector<16xi32>
        %parallel_loop3A_385 = arith.addi %parallel_loop3A_384, %parallel_loop3A_382 : vector<16xi32>
        %parallel_loop3A_386 = tpu.vector_load_idx %arg7[%parallel_loop3A_385] : memref<4096xi32, #tpu.memory_space<vmem>>[vector<16xi32>], vector<16xi32>,
        %parallel_loop3A_387 = arith.addi %parallel_loop3A_379, %parallel_loop3A_386 : vector<16xi32>
        %parallel_loop3A_388 = arith.constant 2 : i32
        %parallel_loop3A_389 = vector.broadcast %parallel_loop3A_388 : i32 to vector<16xi32>
        %parallel_loop3A_390 = arith.xori %parallel_loop3A_371, %parallel_loop3A_389 : vector<16xi32>
        %parallel_loop3A_391 = arith.constant 512 : i32
        %parallel_loop3A_392 = vector.broadcast %parallel_loop3A_391 : i32 to vector<16xi32>
        %parallel_loop3A_393 = arith.addi %parallel_loop3A_392, %parallel_loop3A_390 : vector<16xi32>
        %parallel_loop3A_394 = tpu.vector_load_idx %arg7[%parallel_loop3A_393] : memref<4096xi32, #tpu.memory_space<vmem>>[vector<16xi32>], vector<16xi32>,
        %parallel_loop3A_395 = arith.addi %parallel_loop3A_387, %parallel_loop3A_394 : vector<16xi32>
        %parallel_loop3A_396 = arith.constant 3 : i32
        %parallel_loop3A_397 = vector.broadcast %parallel_loop3A_396 : i32 to vector<16xi32>
        %parallel_loop3A_398 = arith.xori %parallel_loop3A_371, %parallel_loop3A_397 : vector<16xi32>
        %parallel_loop3A_399 = arith.constant 768 : i32
        %parallel_loop3A_400 = vector.broadcast %parallel_loop3A_399 : i32 to vector<16xi32>
        %parallel_loop3A_401 = arith.addi %parallel_loop3A_400, %parallel_loop3A_398 : vector<16xi32>
        %parallel_loop3A_402 = tpu.vector_load_idx %arg7[%parallel_loop3A_401] : memref<4096xi32, #tpu.memory_space<vmem>>[vector<16xi32>], vector<16xi32>,
        %parallel_loop3A_403 = arith.addi %parallel_loop3A_395, %parallel_loop3A_402 : vector<16xi32>
        %parallel_loop3A_404 = arith.constant 4 : i32
        %parallel_loop3A_405 = vector.broadcast %parallel_loop3A_404 : i32 to vector<16xi32>
        %parallel_loop3A_406 = arith.xori %parallel_loop3A_371, %parallel_loop3A_405 : vector<16xi32>
        %parallel_loop3A_407 = arith.constant 1024 : i32
        %parallel_loop3A_408 = vector.broadcast %parallel_loop3A_407 : i32 to vector<16xi32>
        %parallel_loop3A_409 = arith.addi %parallel_loop3A_408, %parallel_loop3A_406 : vector<16xi32>
        %parallel_loop3A_410 = tpu.vector_load_idx %arg7[%parallel_loop3A_409] : memref<4096xi32, #tpu.memory_space<vmem>>[vector<16xi32>], vector<16xi32>,
        %parallel_loop3A_411 = arith.addi %parallel_loop3A_403, %parallel_loop3A_410 : vector<16xi32>
        %parallel_loop3A_412 = arith.constant 5 : i32
        %parallel_loop3A_413 = vector.broadcast %parallel_loop3A_412 : i32 to vector<16xi32>
        %parallel_loop3A_414 = arith.xori %parallel_loop3A_371, %parallel_loop3A_413 : vector<16xi32>
        %parallel_loop3A_415 = arith.constant 1280 : i32
        %parallel_loop3A_416 = vector.broadcast %parallel_loop3A_415 : i32 to vector<16xi32>
        %parallel_loop3A_417 = arith.addi %parallel_loop3A_416, %parallel_loop3A_414 : vector<16xi32>
        %parallel_loop3A_418 = tpu.vector_load_idx %arg7[%parallel_loop3A_417] : memref<4096xi32, #tpu.memory_space<vmem>>[vector<16xi32>], vector<16xi32>,
        %parallel_loop3A_419 = arith.addi %parallel_loop3A_411, %parallel_loop3A_418 : vector<16xi32>
        %parallel_loop3A_420 = arith.constant 6 : i32
        %parallel_loop3A_421 = vector.broadcast %parallel_loop3A_420 : i32 to vector<16xi32>
        %parallel_loop3A_422 = arith.xori %parallel_loop3A_371, %parallel_loop3A_421 : vector<16xi32>
        %parallel_loop3A_423 = arith.constant 1536 : i32
        %parallel_loop3A_424 = vector.broadcast %parallel_loop3A_423 : i32 to vector<16xi32>
        %parallel_loop3A_425 = arith.addi %parallel_loop3A_424, %parallel_loop3A_422 : vector<16xi32>
        %parallel_loop3A_426 = tpu.vector_load_idx %arg7[%parallel_loop3A_425] : memref<4096xi32, #tpu.memory_space<vmem>>[vector<16xi32>], vector<16xi32>,
        %parallel_loop3A_427 = arith.addi %parallel_loop3A_419, %parallel_loop3A_426 : vector<16xi32>
        %parallel_loop3A_428 = arith.constant 7 : i32
        %parallel_loop3A_429 = vector.broadcast %parallel_loop3A_428 : i32 to vector<16xi32>
        %parallel_loop3A_430 = arith.xori %parallel_loop3A_371, %parallel_loop3A_429 : vector<16xi32>
        %parallel_loop3A_431 = arith.constant 1792 : i32
        %parallel_loop3A_432 = vector.broadcast %parallel_loop3A_431 : i32 to vector<16xi32>
        %parallel_loop3A_433 = arith.addi %parallel_loop3A_432, %parallel_loop3A_430 : vector<16xi32>
        %parallel_loop3A_434 = tpu.vector_load_idx %arg7[%parallel_loop3A_433] : memref<4096xi32, #tpu.memory_space<vmem>>[vector<16xi32>], vector<16xi32>,
        %parallel_loop3A_435 = arith.addi %parallel_loop3A_427, %parallel_loop3A_434 : vector<16xi32>
        %parallel_loop3A_436 = arith.constant 8 : i32
        %parallel_loop3A_437 = vector.broadcast %parallel_loop3A_436 : i32 to vector<16xi32>
        %parallel_loop3A_438 = arith.xori %parallel_loop3A_371, %parallel_loop3A_437 : vector<16xi32>
        %parallel_loop3A_439 = arith.constant 2048 : i32
        %parallel_loop3A_440 = vector.broadcast %parallel_loop3A_439 : i32 to vector<16xi32>
        %parallel_loop3A_441 = arith.addi %parallel_loop3A_440, %parallel_loop3A_438 : vector<16xi32>
        %parallel_loop3A_442 = tpu.vector_load_idx %arg7[%parallel_loop3A_441] : memref<4096xi32, #tpu.memory_space<vmem>>[vector<16xi32>], vector<16xi32>,
        %parallel_loop3A_443 = arith.addi %parallel_loop3A_435, %parallel_loop3A_442 : vector<16xi32>
        %parallel_loop3A_444 = arith.constant 9 : i32
        %parallel_loop3A_445 = vector.broadcast %parallel_loop3A_444 : i32 to vector<16xi32>
        %parallel_loop3A_446 = arith.xori %parallel_loop3A_371, %parallel_loop3A_445 : vector<16xi32>
        %parallel_loop3A_447 = arith.constant 2304 : i32
        %parallel_loop3A_448 = vector.broadcast %parallel_loop3A_447 : i32 to vector<16xi32>
        %parallel_loop3A_449 = arith.addi %parallel_loop3A_448, %parallel_loop3A_446 : vector<16xi32>
        %parallel_loop3A_450 = tpu.vector_load_idx %arg7[%parallel_loop3A_449] : memref<4096xi32, #tpu.memory_space<vmem>>[vector<16xi32>], vector<16xi32>,
        %parallel_loop3A_451 = arith.addi %parallel_loop3A_443, %parallel_loop3A_450 : vector<16xi32>
        %parallel_loop3A_452 = arith.constant 10 : i32
        %parallel_loop3A_453 = vector.broadcast %parallel_loop3A_452 : i32 to vector<16xi32>
        %parallel_loop3A_454 = arith.xori %parallel_loop3A_371, %parallel_loop3A_453 : vector<16xi32>
        %parallel_loop3A_455 = arith.constant 2560 : i32
        %parallel_loop3A_456 = vector.broadcast %parallel_loop3A_455 : i32 to vector<16xi32>
        %parallel_loop3A_457 = arith.addi %parallel_loop3A_456, %parallel_loop3A_454 : vector<16xi32>
        %parallel_loop3A_458 = tpu.vector_load_idx %arg7[%parallel_loop3A_457] : memref<4096xi32, #tpu.memory_space<vmem>>[vector<16xi32>], vector<16xi32>,
        %parallel_loop3A_459 = arith.addi %parallel_loop3A_451, %parallel_loop3A_458 : vector<16xi32>
        %parallel_loop3A_460 = arith.constant 11 : i32
        %parallel_loop3A_461 = vector.broadcast %parallel_loop3A_460 : i32 to vector<16xi32>
        %parallel_loop3A_462 = arith.xori %parallel_loop3A_371, %parallel_loop3A_461 : vector<16xi32>
        %parallel_loop3A_463 = arith.constant 2816 : i32
        %parallel_loop3A_464 = vector.broadcast %parallel_loop3A_463 : i32 to vector<16xi32>
        %parallel_loop3A_465 = arith.addi %parallel_loop3A_464, %parallel_loop3A_462 : vector<16xi32>
        %parallel_loop3A_466 = tpu.vector_load_idx %arg7[%parallel_loop3A_465] : memref<4096xi32, #tpu.memory_space<vmem>>[vector<16xi32>], vector<16xi32>,
        %parallel_loop3A_467 = arith.addi %parallel_loop3A_459, %parallel_loop3A_466 : vector<16xi32>
        %parallel_loop3A_468 = arith.constant 12 : i32
        %parallel_loop3A_469 = vector.broadcast %parallel_loop3A_468 : i32 to vector<16xi32>
        %parallel_loop3A_470 = arith.xori %parallel_loop3A_371, %parallel_loop3A_469 : vector<16xi32>
        %parallel_loop3A_471 = arith.constant 3072 : i32
        %parallel_loop3A_472 = vector.broadcast %parallel_loop3A_471 : i32 to vector<16xi32>
        %parallel_loop3A_473 = arith.addi %parallel_loop3A_472, %parallel_loop3A_470 : vector<16xi32>
        %parallel_loop3A_474 = tpu.vector_load_idx %arg7[%parallel_loop3A_473] : memref<4096xi32, #tpu.memory_space<vmem>>[vector<16xi32>], vector<16xi32>,
        %parallel_loop3A_475 = arith.addi %parallel_loop3A_467, %parallel_loop3A_474 : vector<16xi32>
        %parallel_loop3A_476 = arith.constant 13 : i32
        %parallel_loop3A_477 = vector.broadcast %parallel_loop3A_476 : i32 to vector<16xi32>
        %parallel_loop3A_478 = arith.xori %parallel_loop3A_371, %parallel_loop3A_477 : vector<16xi32>
        %parallel_loop3A_479 = arith.constant 3328 : i32
        %parallel_loop3A_480 = vector.broadcast %parallel_loop3A_479 : i32 to vector<16xi32>
        %parallel_loop3A_481 = arith.addi %parallel_loop3A_480, %parallel_loop3A_478 : vector<16xi32>
        %parallel_loop3A_482 = tpu.vector_load_idx %arg7[%parallel_loop3A_481] : memref<4096xi32, #tpu.memory_space<vmem>>[vector<16xi32>], vector<16xi32>,
        %parallel_loop3A_483 = arith.addi %parallel_loop3A_475, %parallel_loop3A_482 : vector<16xi32>
        %parallel_loop3A_484 = arith.constant 14 : i32
        %parallel_loop3A_485 = vector.broadcast %parallel_loop3A_484 : i32 to vector<16xi32>
        %parallel_loop3A_486 = arith.xori %parallel_loop3A_371, %parallel_loop3A_485 : vector<16xi32>
        %parallel_loop3A_487 = arith.constant 3584 : i32
        %parallel_loop3A_488 = vector.broadcast %parallel_loop3A_487 : i32 to vector<16xi32>
        %parallel_loop3A_489 = arith.addi %parallel_loop3A_488, %parallel_loop3A_486 : vector<16xi32>
        %parallel_loop3A_490 = tpu.vector_load_idx %arg7[%parallel_loop3A_489] : memref<4096xi32, #tpu.memory_space<vmem>>[vector<16xi32>], vector<16xi32>,
        %parallel_loop3A_491 = arith.addi %parallel_loop3A_483, %parallel_loop3A_490 : vector<16xi32>
        %parallel_loop3A_492 = arith.constant 15 : i32
        %parallel_loop3A_493 = vector.broadcast %parallel_loop3A_492 : i32 to vector<16xi32>
        %parallel_loop3A_494 = arith.xori %parallel_loop3A_371, %parallel_loop3A_493 : vector<16xi32>
        %parallel_loop3A_495 = arith.constant 3840 : i32
        %parallel_loop3A_496 = vector.broadcast %parallel_loop3A_495 : i32 to vector<16xi32>
        %parallel_loop3A_497 = arith.addi %parallel_loop3A_496, %parallel_loop3A_494 : vector<16xi32>
        %parallel_loop3A_498 = tpu.vector_load_idx %arg7[%parallel_loop3A_497] : memref<4096xi32, #tpu.memory_space<vmem>>[vector<16xi32>], vector<16xi32>,
        %parallel_loop3A_499 = arith.addi %parallel_loop3A_491, %parallel_loop3A_498 : vector<16xi32>
        %parallel_loop3A_500 = arith.constant 128 : i32
        %parallel_loop3A_501 = vector.broadcast %parallel_loop3A_500 : i32 to vector<16xi32>
        %parallel_loop3A_502 = arith.cmpi slt, %parallel_loop3A_371, %parallel_loop3A_501 : vector<16xi32>
        %parallel_loop3A_503 = arith.constant 128 : i32
        %parallel_loop3A_504 = arith.constant 255 : i32
        %parallel_loop3A_505 = vector.broadcast %parallel_loop3A_503 : i32 to vector<16xi32>
        %parallel_loop3A_506 = vector.broadcast %parallel_loop3A_504 : i32 to vector<16xi32>
        %parallel_loop3A_507 = arith.select %parallel_loop3A_502, %parallel_loop3A_505, %parallel_loop3A_506 : vector<16xi1>, vector<16xi32>
        %parallel_loop3A_508 = arith.xori %parallel_loop3A_371, %parallel_loop3A_507 : vector<16xi32>
        tpu.vector_store_idx %arg8[%parallel_loop3A_508], %parallel_loop3A_499 : memref<256xi32, #tpu.memory_space<vmem>>[vector<16xi32>], vector<16xi32>,
        %parallel_loop3A_509 = arith.constant 8 : i32
        %parallel_loop3A_510 = arith.cmpi slt, %parallel_loop3A_367, %parallel_loop3A_509 : i32
        %parallel_loop3A_511 = arith.constant 8 : i32
        %parallel_loop3A_512 = arith.addi %parallel_loop3A_367, %parallel_loop3A_511 : i32
        %parallel_loop3A_513 = arith.constant 15 : i32
        %parallel_loop3A_514 = arith.subi %parallel_loop3A_513, %parallel_loop3A_367 : i32
        %parallel_loop3A_515 = arith.select %parallel_loop3A_510, %parallel_loop3A_512, %parallel_loop3A_514 : i32
        %parallel_loop3A_516 = arith.constant true
        %parallel_loop3A_517 = vector.broadcast %parallel_loop3A_516 : i1 to vector<16xi1>
        %parallel_loop3A_518 = tpu.scan <sum>, %parallel_loop3A_499 masked %parallel_loop3A_517 : vector<16xi32>, vector<16xi1> -> vector<16xi32>
        %parallel_loop3A_519 = vector.extract %parallel_loop3A_518[15] : i32 from vector<16xi32>
        %parallel_loop3A_520 = vector.broadcast %parallel_loop3A_519 : i32 to vector<16xi32>
        %parallel_loop3A_521 = vector.broadcast %parallel_loop3A_515 : i32 to vector<16xi32>
        %parallel_loop3A_522 = arith.constant 0 : i32
        %parallel_loop3A_523 = vector.broadcast %parallel_loop3A_522 : i32 to vector<16xi32>
        %parallel_loop3A_524 = arith.cmpi eq, %iota3A, %parallel_loop3A_523 : vector<16xi32>
        tpu.vector_store_idx %arg9[%parallel_loop3A_521], %parallel_loop3A_520 masked %parallel_loop3A_524 : memref<16xi32, #tpu.memory_space<vmem>>[vector<16xi32>], vector<16xi32>, vector<16xi1>
      } {sc.loop_unroll_factor = 2 : i64, sc.parallel_access}
      %get3A = arith.constant 0 : index
      %get3A_60 = tpu.vector_load %arg9[%get3A] {strides = array<i32>} : memref<16xi32, #tpu.memory_space<vmem>>, vector<16xi32>,
      %rev3A = arith.constant 15 : i32
      %rev3A_61 = vector.broadcast %rev3A : i32 to vector<16xi32>
      %rev3A_62 = tpu.iota {dimensions = array<i32: 0>} : vector<16xi32>
      %rev3A_63 = arith.subi %rev3A_61, %rev3A_62 : vector<16xi32>
      %rev3A_64 = tpu.dynamic_gather %get3A_60[%rev3A_63] in [0] : vector<16xi32>, vector<16xi32> -> vector<16xi32>
      %broadcast_in_dim3A_65 = arith.constant true
      %broadcast_in_dim3A_66 = vector.broadcast %broadcast_in_dim3A_65 : i1 to vector<16xi1>
      %masked_cumsum3A = tpu.scan <sum>, %rev3A_64 masked %broadcast_in_dim3A_66 : vector<16xi32>, vector<16xi1> -> vector<16xi32>
      %ge3A = arith.cmpi sge, %masked_cumsum3A, %broadcast_in_dim3A_10 : vector<16xi32>
      %all_reduce_population_count3A = tpu.all_reduce %ge3A {dim = 0 : i64, kind = #tpu.reduction_kind<sum>} : vector<16xi1> -> vector<16xi32>
      %sub3A = arith.constant 16 : i32
      %sub3A_67 = vector.broadcast %sub3A : i32 to vector<16xi32>
      %sub3A_68 = arith.subi %sub3A_67, %all_reduce_population_count3A : vector<16xi32>
      %sub3A_69 = arith.subi %masked_cumsum3A, %rev3A_64 : vector<16xi32>
      %eq3A = arith.cmpi eq, %iota3A, %sub3A_68 : vector<16xi32>
      %jit3A = arith.constant 0 : i32
      %broadcast_in_dim3A_70 = vector.broadcast %jit3A : i32 to vector<16xi32>
      %select_n3A = arith.select %eq3A, %sub3A_69, %broadcast_in_dim3A_70 : vector<16xi1>, vector<16xi32>
      %reduce_sum3A = arith.constant true
      %reduce_sum3A_71 = vector.broadcast %reduce_sum3A : i1 to vector<16xi1>
      %reduce_sum3A_72 = tpu.scan <sum>, %select_n3A masked %reduce_sum3A_71 : vector<16xi32>, vector<16xi1> -> vector<16xi32>
      %reduce_sum3A_73 = vector.extract %reduce_sum3A_72[15] : i32 from vector<16xi32>
      %sub3A_74 = arith.constant 1 : i32
      %sub3A_75 = vector.broadcast %sub3A_74 : i32 to vector<16xi32>
      %sub3A_76 = arith.subi %all_reduce_population_count3A, %sub3A_75 : vector<16xi32>
      %sub3A_77 = vector.broadcast %reduce_sum3A_73 : i32 to vector<16xi32>
      %sub3A_78 = arith.subi %broadcast_in_dim3A_10, %sub3A_77 : vector<16xi32>
      %mul3A_79 = arith.constant 16 : i32
      %mul3A_80 = vector.broadcast %mul3A_79 : i32 to vector<16xi32>
      %mul3A_81 = arith.muli %sub3A_76, %mul3A_80 : vector<16xi32>
      %add3A_82 = arith.addi %mul3A_81, %iota3A : vector<16xi32>
      %gather3A = tpu.vector_load_idx %arg8[%add3A_82] : memref<256xi32, #tpu.memory_space<vmem>>[vector<16xi32>], vector<16xi32>,
      %rev3A_83 = arith.constant 15 : i32
      %rev3A_84 = vector.broadcast %rev3A_83 : i32 to vector<16xi32>
      %rev3A_85 = tpu.iota {dimensions = array<i32: 0>} : vector<16xi32>
      %rev3A_86 = arith.subi %rev3A_84, %rev3A_85 : vector<16xi32>
      %rev3A_87 = tpu.dynamic_gather %gather3A[%rev3A_86] in [0] : vector<16xi32>, vector<16xi32> -> vector<16xi32>
      %broadcast_in_dim3A_88 = arith.constant true
      %broadcast_in_dim3A_89 = vector.broadcast %broadcast_in_dim3A_88 : i1 to vector<16xi1>
      %masked_cumsum3A_90 = tpu.scan <sum>, %rev3A_87 masked %broadcast_in_dim3A_89 : vector<16xi32>, vector<16xi1> -> vector<16xi32>
      %ge3A_91 = arith.cmpi sge, %masked_cumsum3A_90, %sub3A_78 : vector<16xi32>
      %all_reduce_population_count3A_92 = tpu.all_reduce %ge3A_91 {dim = 0 : i64, kind = #tpu.reduction_kind<sum>} : vector<16xi1> -> vector<16xi32>
      %sub3A_93 = arith.constant 16 : i32
      %sub3A_94 = vector.broadcast %sub3A_93 : i32 to vector<16xi32>
      %sub3A_95 = arith.subi %sub3A_94, %all_reduce_population_count3A_92 : vector<16xi32>
      %sub3A_96 = arith.subi %masked_cumsum3A_90, %rev3A_87 : vector<16xi32>
      %eq3A_97 = arith.cmpi eq, %iota3A, %sub3A_95 : vector<16xi32>
      %jit3A_98 = arith.constant 0 : i32
      %broadcast_in_dim3A_99 = vector.broadcast %jit3A_98 : i32 to vector<16xi32>
      %select_n3A_100 = arith.select %eq3A_97, %sub3A_96, %broadcast_in_dim3A_99 : vector<16xi1>, vector<16xi32>
      %reduce_sum3A_101 = arith.constant true
      %reduce_sum3A_102 = vector.broadcast %reduce_sum3A_101 : i1 to vector<16xi1>
      %reduce_sum3A_103 = tpu.scan <sum>, %select_n3A_100 masked %reduce_sum3A_102 : vector<16xi32>, vector<16xi1> -> vector<16xi32>
      %reduce_sum3A_104 = vector.extract %reduce_sum3A_103[15] : i32 from vector<16xi32>
      %sub3A_105 = arith.constant 1 : i32
      %sub3A_106 = vector.broadcast %sub3A_105 : i32 to vector<16xi32>
      %sub3A_107 = arith.subi %all_reduce_population_count3A_92, %sub3A_106 : vector<16xi32>
      %sub3A_108 = vector.broadcast %reduce_sum3A_104 : i32 to vector<16xi32>
      %sub3A_109 = arith.subi %sub3A_78, %sub3A_108 : vector<16xi32>
      %mul3A_110 = arith.constant 16 : i32
      %mul3A_111 = vector.broadcast %mul3A_110 : i32 to vector<16xi32>
      %mul3A_112 = arith.muli %sub3A_76, %mul3A_111 : vector<16xi32>
      %add3A_113 = arith.addi %mul3A_112, %sub3A_107 : vector<16xi32>
      %ge3A_114 = arith.constant 128 : i32
      %ge3A_115 = vector.broadcast %ge3A_114 : i32 to vector<16xi32>
      %ge3A_116 = arith.cmpi sge, %add3A_113, %ge3A_115 : vector<16xi32>
      %jit3A_117 = arith.constant 128 : i32
      %jit3A_118 = arith.constant 255 : i32
      %broadcast_in_dim3A_119 = vector.broadcast %jit3A_117 : i32 to vector<16xi32>
      %broadcast_in_dim3A_120 = vector.broadcast %jit3A_118 : i32 to vector<16xi32>
      %select_n3A_121 = arith.select %ge3A_116, %broadcast_in_dim3A_119, %broadcast_in_dim3A_120 : vector<16xi1>, vector<16xi32>
      %xor3A = arith.xori %add3A_113, %select_n3A_121 : vector<16xi32>
      %xor3A_122 = arith.xori %xor3A, %iota3A : vector<16xi32>
      %or3A = arith.ori %mul3A_8, %xor3A_122 : vector<16xi32>
      %gather3A_123 = tpu.vector_load_idx %arg7[%or3A] : memref<4096xi32, #tpu.memory_space<vmem>>[vector<16xi32>], vector<16xi32>,
      %broadcast_in_dim3A_124 = arith.constant true
      %broadcast_in_dim3A_125 = vector.broadcast %broadcast_in_dim3A_124 : i1 to vector<16xi1>
      %masked_cumsum3A_126 = tpu.scan <sum>, %gather3A_123 masked %broadcast_in_dim3A_125 : vector<16xi32>, vector<16xi1> -> vector<16xi32>
      %sub3A_127 = arith.subi %masked_cumsum3A_126, %gather3A_123 : vector<16xi32>
      %reduce_sum3A_128 = arith.constant true
      %reduce_sum3A_129 = vector.broadcast %reduce_sum3A_128 : i1 to vector<16xi1>
      %reduce_sum3A_130 = tpu.scan <sum>, %gather3A_123 masked %reduce_sum3A_129 : vector<16xi32>, vector<16xi1> -> vector<16xi32>
      %reduce_sum3A_131 = vector.extract %reduce_sum3A_130[15] : i32 from vector<16xi32>
      %parallel_loop3A_132 = arith.constant 0 : i32
      %parallel_loop3A_133 = arith.constant 256 : i32
      %parallel_loop3A_134 = arith.constant 1 : i32
      scf.for %parallel_loop3A_367 = %parallel_loop3A_132 to %parallel_loop3A_133 step %parallel_loop3A_134  : i32 {
        %parallel_loop3A_368 = vector.broadcast %parallel_loop3A_367 : i32 to vector<16xi32>
        %parallel_loop3A_369 = arith.ori %mul3A_8, %parallel_loop3A_368 : vector<16xi32>
        tpu.vector_store_idx %arg7[%parallel_loop3A_369], %broadcast_in_dim3A_2 : memref<4096xi32, #tpu.memory_space<vmem>>[vector<16xi32>], vector<16xi32>,
      } {sc.loop_unroll_factor = 8 : i64, sc.parallel_access}
      %ge3A_135 = arith.constant 128 : i32
      %ge3A_136 = vector.broadcast %ge3A_135 : i32 to vector<16xi32>
      %ge3A_137 = arith.cmpi sge, %xor3A, %ge3A_136 : vector<16xi32>
      %jit3A_138 = arith.constant -1 : i32
      %jit3A_139 = arith.constant 0 : i32
      %broadcast_in_dim3A_140 = vector.broadcast %jit3A_138 : i32 to vector<16xi32>
      %broadcast_in_dim3A_141 = vector.broadcast %jit3A_139 : i32 to vector<16xi32>
      %select_n3A_142 = arith.select %ge3A_137, %broadcast_in_dim3A_140, %broadcast_in_dim3A_141 : vector<16xi1>, vector<16xi32>
      %parallel_loop3A_143 = arith.constant 0 : i32
      %parallel_loop3A_144 = arith.constant 1024 : i32
      %parallel_loop3A_145 = arith.constant 1 : i32
      %parallel_loop3A_146 = scf.for %parallel_loop3A_367 = %parallel_loop3A_143 to %parallel_loop3A_144 step %parallel_loop3A_145 iter_args(%parallel_loop3A_368 = %sub3A_127) -> (vector<16xi32>)  : i32 {
        %parallel_loop3A_369 = arith.constant 16 : i32
        %parallel_loop3A_370 = arith.muli %parallel_loop3A_367, %parallel_loop3A_369 : i32
        %parallel_loop3A_371 = vector.broadcast %parallel_loop3A_370 : i32 to vector<16xi32>
        %parallel_loop3A_372 = arith.addi %parallel_loop3A_371, %iota3A : vector<16xi32>
        %parallel_loop3A_373 = tpu.vector_load_idx %arg4[%parallel_loop3A_372] : memref<16384xf32, #tpu.memory_space<vmem>>[vector<16xi32>], vector<16xf32>,
        %parallel_loop3A_374 = vector.bitcast %parallel_loop3A_373 : vector<16xf32> to vector<16xi32>
        %parallel_loop3A_375 = arith.constant 24 : i32
        %parallel_loop3A_376 = vector.broadcast %parallel_loop3A_375 : i32 to vector<16xi32>
        %parallel_loop3A_377 = arith.shrui %parallel_loop3A_374, %parallel_loop3A_376 : vector<16xi32>
        %parallel_loop3A_378 = arith.cmpi eq, %parallel_loop3A_377, %xor3A : vector<16xi32>
        %parallel_loop3A_379 = arith.xori %parallel_loop3A_374, %select_n3A_142 : vector<16xi32>
        tpu.vector_store_idx %arg6[%parallel_loop3A_368], %parallel_loop3A_379 masked %parallel_loop3A_378 : memref<16384xi32, #tpu.memory_space<vmem>>[vector<16xi32>], vector<16xi32>, vector<16xi1>
        %parallel_loop3A_380 = arith.extui %parallel_loop3A_378 : vector<16xi1> to vector<16xi32>
        %parallel_loop3A_381 = arith.addi %parallel_loop3A_368, %parallel_loop3A_380 : vector<16xi32>
        scf.yield %parallel_loop3A_381 : vector<16xi32>
      } {sc.loop_unroll_factor = 8 : i64, sc.parallel_access}
      %add3A_147 = arith.constant 15 : i32
      %add3A_148 = arith.addi %reduce_sum3A_131, %add3A_147 : i32
      %jit3A_149 = arith.constant 16 : i32
      %div3A = arith.divsi %add3A_148, %jit3A_149 : i32
      %sign3A = arith.constant 0 : i32
      %sign3A_150 = arith.cmpi sgt, %add3A_148, %sign3A : i32
      %sign3A_151 = arith.extui %sign3A_150 : i1 to i32
      %sign3A_152 = arith.constant 0 : i32
      %sign3A_153 = arith.cmpi slt, %add3A_148, %sign3A_152 : i32
      %sign3A_154 = arith.extui %sign3A_153 : i1 to i32
      %sign3A_155 = arith.subi %sign3A_151, %sign3A_154 : i32
      %sign3A_156 = arith.constant 0 : i32
      %sign3A_157 = arith.cmpi sgt, %jit3A_149, %sign3A_156 : i32
      %sign3A_158 = arith.extui %sign3A_157 : i1 to i32
      %sign3A_159 = arith.constant 0 : i32
      %sign3A_160 = arith.cmpi slt, %jit3A_149, %sign3A_159 : i32
      %sign3A_161 = arith.extui %sign3A_160 : i1 to i32
      %sign3A_162 = arith.subi %sign3A_158, %sign3A_161 : i32
      %ne3A = arith.cmpi ne, %sign3A_155, %sign3A_162 : i32
      %rem3A = arith.remsi %add3A_148, %jit3A_149 : i32
      %ne3A_163 = arith.constant 0 : i32
      %ne3A_164 = arith.cmpi ne, %rem3A, %ne3A_163 : i32
      %and3A = arith.andi %ne3A, %ne3A_164 : i1
      %sub3A_165 = arith.constant 1 : i32
      %sub3A_166 = arith.subi %div3A, %sub3A_165 : i32
      %select_n3A_167 = arith.select %and3A, %sub3A_166, %div3A : i32
      %broadcast_in_dim3A_168 = arith.constant 0 : i32
      %broadcast_in_dim3A_169 = vector.broadcast %broadcast_in_dim3A_168 : i32 to vector<16xi32>
      %scan3A_170 = arith.constant 0 : i32
      %scan3A_171 = arith.constant 24 : i32
      %scan3A_172 = arith.addi %scan3A_170, %scan3A_171 : i32
      %scan3A_173 = arith.constant 1 : i32
      %scan3A_174 = scf.for %scan3A_367 = %scan3A_170 to %scan3A_172 step %scan3A_173 iter_args(%scan3A_368 = %broadcast_in_dim3A_169) -> (vector<16xi32>)  : i32 {
        %sub3A_369 = arith.constant 23 : i32
        %sub3A_370 = arith.subi %sub3A_369, %scan3A_367 : i32
        %shift_left3A_371 = arith.constant 1 : i32
        %shift_left3A_372 = arith.shli %shift_left3A_371, %sub3A_370 : i32
        %or3A_373 = vector.broadcast %shift_left3A_372 : i32 to vector<16xi32>
        %or3A_374 = arith.ori %scan3A_368, %or3A_373 : vector<16xi32>
        %parallel_loop3A_375 = arith.constant 0 : i32
        %parallel_loop3A_376 = arith.constant 1 : i32
        %parallel_loop3A_377 = scf.for %parallel_loop3A_385 = %parallel_loop3A_375 to %select_n3A_167 step %parallel_loop3A_376 iter_args(%parallel_loop3A_386 = %broadcast_in_dim3A_2) -> (vector<16xi32>)  : i32 {
          %parallel_loop3A_387 = arith.constant 16 : i32
          %parallel_loop3A_388 = arith.muli %parallel_loop3A_385, %parallel_loop3A_387 : i32
          %parallel_loop3A_389 = vector.broadcast %parallel_loop3A_388 : i32 to vector<16xi32>
          %parallel_loop3A_390 = arith.addi %parallel_loop3A_389, %iota3A : vector<16xi32>
          %parallel_loop3A_391 = tpu.vector_load_idx %arg6[%parallel_loop3A_390] : memref<16384xi32, #tpu.memory_space<vmem>>[vector<16xi32>], vector<16xi32>,
          %parallel_loop3A_392 = arith.constant 16777215 : i32
          %parallel_loop3A_393 = vector.broadcast %parallel_loop3A_392 : i32 to vector<16xi32>
          %parallel_loop3A_394 = arith.andi %parallel_loop3A_391, %parallel_loop3A_393 : vector<16xi32>
          %parallel_loop3A_395 = arith.cmpi sge, %parallel_loop3A_394, %or3A_374 : vector<16xi32>
          %parallel_loop3A_396 = arith.constant 16 : i32
          %parallel_loop3A_397 = arith.muli %parallel_loop3A_385, %parallel_loop3A_396 : i32
          %parallel_loop3A_398 = vector.broadcast %parallel_loop3A_397 : i32 to vector<16xi32>
          %parallel_loop3A_399 = arith.addi %parallel_loop3A_398, %iota3A : vector<16xi32>
          %parallel_loop3A_400 = vector.broadcast %reduce_sum3A_131 : i32 to vector<16xi32>
          %parallel_loop3A_401 = arith.cmpi slt, %parallel_loop3A_399, %parallel_loop3A_400 : vector<16xi32>
          %parallel_loop3A_402 = arith.andi %parallel_loop3A_395, %parallel_loop3A_401 : vector<16xi1>
          %parallel_loop3A_403 = arith.extui %parallel_loop3A_402 : vector<16xi1> to vector<16xi32>
          %parallel_loop3A_404 = arith.addi %parallel_loop3A_386, %parallel_loop3A_403 : vector<16xi32>
          scf.yield %parallel_loop3A_404 : vector<16xi32>
        } {sc.loop_unroll_factor = 1 : i64, sc.parallel_access}
        %reduce_sum3A_378 = arith.constant true
        %reduce_sum3A_379 = vector.broadcast %reduce_sum3A_378 : i1 to vector<16xi1>
        %reduce_sum3A_380 = tpu.scan <sum>, %parallel_loop3A_377 masked %reduce_sum3A_379 : vector<16xi32>, vector<16xi1> -> vector<16xi32>
        %reduce_sum3A_381 = vector.extract %reduce_sum3A_380[15] : i32 from vector<16xi32>
        %ge3A_382 = vector.broadcast %reduce_sum3A_381 : i32 to vector<16xi32>
        %ge3A_383 = arith.cmpi sge, %ge3A_382, %sub3A_109 : vector<16xi32>
        %select_n3A_384 = arith.select %ge3A_383, %or3A_374, %scan3A_368 : vector<16xi1>, vector<16xi32>
        scf.yield %select_n3A_384 : vector<16xi32>
      }
      %scan3A_175 = arith.constant 24 : i32
      %shift_left3A = arith.constant 24 : i32
      %shift_left3A_176 = vector.broadcast %shift_left3A : i32 to vector<16xi32>
      %shift_left3A_177 = arith.shli %add3A_113, %shift_left3A_176 : vector<16xi32>
      %or3A_178 = arith.ori %shift_left3A_177, %scan3A_174 : vector<16xi32>
      %xor3A_179 = vector.broadcast %scan3A_26 : i32 to vector<16xi32>
      %xor3A_180 = arith.xori %or3A_178, %xor3A_179 : vector<16xi32>
      %broadcast_in_dim3A_181 = vector.broadcast %mul3A_47 : i32 to vector<16xi32>
      %eq3A_182 = arith.constant 0 : i32
      %eq3A_183 = vector.broadcast %eq3A_182 : i32 to vector<16xi32>
      %eq3A_184 = arith.cmpi eq, %iota3A, %eq3A_183 : vector<16xi32>
      tpu.vector_store_idx %arg10[%broadcast_in_dim3A_181], %xor3A_180 masked %eq3A_184 : memref<32xi32, #tpu.memory_space<vmem>>[vector<16xi32>], vector<16xi32>, vector<16xi1>
      %add3A_185 = arith.constant 2 : i32
      %add3A_186 = arith.addi %mul3A_47, %add3A_185 : i32
      %rem3A_187 = arith.constant 32 : i32
      %rem3A_188 = arith.remsi %add3A_186, %rem3A_187 : i32
      %add3A_189 = arith.addi %mul3A_5, %rem3A_188 : i32
      %dma_start3A_190 = arith.constant 0 : i32
      %dma_start3A_191 = tpu.memref_slice %arg2[%add3A_189, %dma_start3A_190] : memref<1024x16384xf32, #tpu.memory_space<hbm>> -> memref<1x16384xf32, #tpu.memory_space<hbm>>
      %dma_start3A_192 = tpu.memref_squeeze %dma_start3A_191 : memref<1x16384xf32, #tpu.memory_space<hbm>> -> memref<16384xf32, #tpu.memory_space<hbm>>
      %dma_start3A_193 = arith.constant 0 : i32
      %dma_start3A_194 = tpu.memref_slice %arg2[%add3A_189, %dma_start3A_193] : memref<1024x16384xf32, #tpu.memory_space<hbm>> -> memref<1x16384xf32, #tpu.memory_space<hbm>>
      %dma_start3A_195 = tpu.memref_squeeze %dma_start3A_194 : memref<1x16384xf32, #tpu.memory_space<hbm>> -> memref<16384xf32, #tpu.memory_space<hbm>>
      tpu.enqueue_dma source(%dma_start3A_195 : memref<16384xf32, #tpu.memory_space<hbm>>) target(%arg4 : memref<16384xf32, #tpu.memory_space<vmem>>) target_semaphore(%arg11 : memref<!tpu.dma_semaphore, #tpu.memory_space<semaphore_mem>>)
      %add3A_196 = arith.constant 1 : i32
      %add3A_197 = arith.addi %mul3A_5, %add3A_196 : i32
      %dma_wait3A_198 = arith.constant 0 : i32
      %dma_wait3A_199 = tpu.memref_slice %arg2[%add3A_197, %dma_wait3A_198] : memref<1024x16384xf32, #tpu.memory_space<hbm>> -> memref<1x16384xf32, #tpu.memory_space<hbm>>
      %dma_wait3A_200 = tpu.memref_squeeze %dma_wait3A_199 : memref<1x16384xf32, #tpu.memory_space<hbm>> -> memref<16384xf32, #tpu.memory_space<hbm>>
      %dma_wait3A_201 = arith.constant 0 : i32
      %dma_wait3A_202 = tpu.memref_slice %arg2[%add3A_197, %dma_wait3A_201] : memref<1024x16384xf32, #tpu.memory_space<hbm>> -> memref<1x16384xf32, #tpu.memory_space<hbm>>
      %dma_wait3A_203 = tpu.memref_squeeze %dma_wait3A_202 : memref<1x16384xf32, #tpu.memory_space<hbm>> -> memref<16384xf32, #tpu.memory_space<hbm>>
      tpu.wait_dma2 semaphore(%arg12 : memref<!tpu.dma_semaphore, #tpu.memory_space<semaphore_mem>>) src(%dma_wait3A_203 : memref<16384xf32, #tpu.memory_space<hbm>>) dst(%arg5 : memref<16384xf32, #tpu.memory_space<vmem>>)
      %add3A_204 = arith.constant 1 : i32
      %add3A_205 = arith.addi %mul3A_47, %add3A_204 : i32
      %parallel_loop3A_206 = arith.constant 0 : i32
      %parallel_loop3A_207 = arith.constant 1024 : i32
      %parallel_loop3A_208 = arith.constant 1 : i32
      scf.for %parallel_loop3A_367 = %parallel_loop3A_206 to %parallel_loop3A_207 step %parallel_loop3A_208  : i32 {
        %parallel_loop3A_368 = arith.constant 16 : i32
        %parallel_loop3A_369 = arith.muli %parallel_loop3A_367, %parallel_loop3A_368 : i32
        %parallel_loop3A_370 = vector.broadcast %parallel_loop3A_369 : i32 to vector<16xi32>
        %parallel_loop3A_371 = arith.addi %parallel_loop3A_370, %iota3A : vector<16xi32>
        %parallel_loop3A_372 = tpu.vector_load_idx %arg5[%parallel_loop3A_371] : memref<16384xf32, #tpu.memory_space<vmem>>[vector<16xi32>], vector<16xf32>,
        %parallel_loop3A_373 = vector.bitcast %parallel_loop3A_372 : vector<16xf32> to vector<16xi32>
        %parallel_loop3A_374 = arith.constant 24 : i32
        %parallel_loop3A_375 = vector.broadcast %parallel_loop3A_374 : i32 to vector<16xi32>
        %parallel_loop3A_376 = arith.shrui %parallel_loop3A_373, %parallel_loop3A_375 : vector<16xi32>
        %parallel_loop3A_377 = arith.xori %parallel_loop3A_376, %iota3A : vector<16xi32>
        %parallel_loop3A_378 = arith.ori %mul3A_8, %parallel_loop3A_377 : vector<16xi32>
        tpu.vector_store_idx %arg7[%parallel_loop3A_378], %broadcast_in_dim3A_0 {add = true} : memref<4096xi32, #tpu.memory_space<vmem>>[vector<16xi32>], vector<16xi32>,
      } {sc.loop_unroll_factor = 8 : i64, sc.parallel_access}
      %parallel_loop3A_209 = arith.constant 0 : i32
      %parallel_loop3A_210 = arith.constant 16 : i32
      %parallel_loop3A_211 = arith.constant 1 : i32
      scf.for %parallel_loop3A_367 = %parallel_loop3A_209 to %parallel_loop3A_210 step %parallel_loop3A_211  : i32 {
        %parallel_loop3A_368 = arith.constant 16 : i32
        %parallel_loop3A_369 = arith.muli %parallel_loop3A_367, %parallel_loop3A_368 : i32
        %parallel_loop3A_370 = vector.broadcast %parallel_loop3A_369 : i32 to vector<16xi32>
        %parallel_loop3A_371 = arith.addi %parallel_loop3A_370, %iota3A : vector<16xi32>
        %parallel_loop3A_372 = arith.constant 0 : i32
        %parallel_loop3A_373 = vector.broadcast %parallel_loop3A_372 : i32 to vector<16xi32>
        %parallel_loop3A_374 = arith.xori %parallel_loop3A_371, %parallel_loop3A_373 : vector<16xi32>
        %parallel_loop3A_375 = arith.constant 0 : i32
        %parallel_loop3A_376 = vector.broadcast %parallel_loop3A_375 : i32 to vector<16xi32>
        %parallel_loop3A_377 = arith.addi %parallel_loop3A_376, %parallel_loop3A_374 : vector<16xi32>
        %parallel_loop3A_378 = tpu.vector_load_idx %arg7[%parallel_loop3A_377] : memref<4096xi32, #tpu.memory_space<vmem>>[vector<16xi32>], vector<16xi32>,
        %parallel_loop3A_379 = arith.addi %broadcast_in_dim3A_2, %parallel_loop3A_378 : vector<16xi32>
        %parallel_loop3A_380 = arith.constant 1 : i32
        %parallel_loop3A_381 = vector.broadcast %parallel_loop3A_380 : i32 to vector<16xi32>
        %parallel_loop3A_382 = arith.xori %parallel_loop3A_371, %parallel_loop3A_381 : vector<16xi32>
        %parallel_loop3A_383 = arith.constant 256 : i32
        %parallel_loop3A_384 = vector.broadcast %parallel_loop3A_383 : i32 to vector<16xi32>
        %parallel_loop3A_385 = arith.addi %parallel_loop3A_384, %parallel_loop3A_382 : vector<16xi32>
        %parallel_loop3A_386 = tpu.vector_load_idx %arg7[%parallel_loop3A_385] : memref<4096xi32, #tpu.memory_space<vmem>>[vector<16xi32>], vector<16xi32>,
        %parallel_loop3A_387 = arith.addi %parallel_loop3A_379, %parallel_loop3A_386 : vector<16xi32>
        %parallel_loop3A_388 = arith.constant 2 : i32
        %parallel_loop3A_389 = vector.broadcast %parallel_loop3A_388 : i32 to vector<16xi32>
        %parallel_loop3A_390 = arith.xori %parallel_loop3A_371, %parallel_loop3A_389 : vector<16xi32>
        %parallel_loop3A_391 = arith.constant 512 : i32
        %parallel_loop3A_392 = vector.broadcast %parallel_loop3A_391 : i32 to vector<16xi32>
        %parallel_loop3A_393 = arith.addi %parallel_loop3A_392, %parallel_loop3A_390 : vector<16xi32>
        %parallel_loop3A_394 = tpu.vector_load_idx %arg7[%parallel_loop3A_393] : memref<4096xi32, #tpu.memory_space<vmem>>[vector<16xi32>], vector<16xi32>,
        %parallel_loop3A_395 = arith.addi %parallel_loop3A_387, %parallel_loop3A_394 : vector<16xi32>
        %parallel_loop3A_396 = arith.constant 3 : i32
        %parallel_loop3A_397 = vector.broadcast %parallel_loop3A_396 : i32 to vector<16xi32>
        %parallel_loop3A_398 = arith.xori %parallel_loop3A_371, %parallel_loop3A_397 : vector<16xi32>
        %parallel_loop3A_399 = arith.constant 768 : i32
        %parallel_loop3A_400 = vector.broadcast %parallel_loop3A_399 : i32 to vector<16xi32>
        %parallel_loop3A_401 = arith.addi %parallel_loop3A_400, %parallel_loop3A_398 : vector<16xi32>
        %parallel_loop3A_402 = tpu.vector_load_idx %arg7[%parallel_loop3A_401] : memref<4096xi32, #tpu.memory_space<vmem>>[vector<16xi32>], vector<16xi32>,
        %parallel_loop3A_403 = arith.addi %parallel_loop3A_395, %parallel_loop3A_402 : vector<16xi32>
        %parallel_loop3A_404 = arith.constant 4 : i32
        %parallel_loop3A_405 = vector.broadcast %parallel_loop3A_404 : i32 to vector<16xi32>
        %parallel_loop3A_406 = arith.xori %parallel_loop3A_371, %parallel_loop3A_405 : vector<16xi32>
        %parallel_loop3A_407 = arith.constant 1024 : i32
        %parallel_loop3A_408 = vector.broadcast %parallel_loop3A_407 : i32 to vector<16xi32>
        %parallel_loop3A_409 = arith.addi %parallel_loop3A_408, %parallel_loop3A_406 : vector<16xi32>
        %parallel_loop3A_410 = tpu.vector_load_idx %arg7[%parallel_loop3A_409] : memref<4096xi32, #tpu.memory_space<vmem>>[vector<16xi32>], vector<16xi32>,
        %parallel_loop3A_411 = arith.addi %parallel_loop3A_403, %parallel_loop3A_410 : vector<16xi32>
        %parallel_loop3A_412 = arith.constant 5 : i32
        %parallel_loop3A_413 = vector.broadcast %parallel_loop3A_412 : i32 to vector<16xi32>
        %parallel_loop3A_414 = arith.xori %parallel_loop3A_371, %parallel_loop3A_413 : vector<16xi32>
        %parallel_loop3A_415 = arith.constant 1280 : i32
        %parallel_loop3A_416 = vector.broadcast %parallel_loop3A_415 : i32 to vector<16xi32>
        %parallel_loop3A_417 = arith.addi %parallel_loop3A_416, %parallel_loop3A_414 : vector<16xi32>
        %parallel_loop3A_418 = tpu.vector_load_idx %arg7[%parallel_loop3A_417] : memref<4096xi32, #tpu.memory_space<vmem>>[vector<16xi32>], vector<16xi32>,
        %parallel_loop3A_419 = arith.addi %parallel_loop3A_411, %parallel_loop3A_418 : vector<16xi32>
        %parallel_loop3A_420 = arith.constant 6 : i32
        %parallel_loop3A_421 = vector.broadcast %parallel_loop3A_420 : i32 to vector<16xi32>
        %parallel_loop3A_422 = arith.xori %parallel_loop3A_371, %parallel_loop3A_421 : vector<16xi32>
        %parallel_loop3A_423 = arith.constant 1536 : i32
        %parallel_loop3A_424 = vector.broadcast %parallel_loop3A_423 : i32 to vector<16xi32>
        %parallel_loop3A_425 = arith.addi %parallel_loop3A_424, %parallel_loop3A_422 : vector<16xi32>
        %parallel_loop3A_426 = tpu.vector_load_idx %arg7[%parallel_loop3A_425] : memref<4096xi32, #tpu.memory_space<vmem>>[vector<16xi32>], vector<16xi32>,
        %parallel_loop3A_427 = arith.addi %parallel_loop3A_419, %parallel_loop3A_426 : vector<16xi32>
        %parallel_loop3A_428 = arith.constant 7 : i32
        %parallel_loop3A_429 = vector.broadcast %parallel_loop3A_428 : i32 to vector<16xi32>
        %parallel_loop3A_430 = arith.xori %parallel_loop3A_371, %parallel_loop3A_429 : vector<16xi32>
        %parallel_loop3A_431 = arith.constant 1792 : i32
        %parallel_loop3A_432 = vector.broadcast %parallel_loop3A_431 : i32 to vector<16xi32>
        %parallel_loop3A_433 = arith.addi %parallel_loop3A_432, %parallel_loop3A_430 : vector<16xi32>
        %parallel_loop3A_434 = tpu.vector_load_idx %arg7[%parallel_loop3A_433] : memref<4096xi32, #tpu.memory_space<vmem>>[vector<16xi32>], vector<16xi32>,
        %parallel_loop3A_435 = arith.addi %parallel_loop3A_427, %parallel_loop3A_434 : vector<16xi32>
        %parallel_loop3A_436 = arith.constant 8 : i32
        %parallel_loop3A_437 = vector.broadcast %parallel_loop3A_436 : i32 to vector<16xi32>
        %parallel_loop3A_438 = arith.xori %parallel_loop3A_371, %parallel_loop3A_437 : vector<16xi32>
        %parallel_loop3A_439 = arith.constant 2048 : i32
        %parallel_loop3A_440 = vector.broadcast %parallel_loop3A_439 : i32 to vector<16xi32>
        %parallel_loop3A_441 = arith.addi %parallel_loop3A_440, %parallel_loop3A_438 : vector<16xi32>
        %parallel_loop3A_442 = tpu.vector_load_idx %arg7[%parallel_loop3A_441] : memref<4096xi32, #tpu.memory_space<vmem>>[vector<16xi32>], vector<16xi32>,
        %parallel_loop3A_443 = arith.addi %parallel_loop3A_435, %parallel_loop3A_442 : vector<16xi32>
        %parallel_loop3A_444 = arith.constant 9 : i32
        %parallel_loop3A_445 = vector.broadcast %parallel_loop3A_444 : i32 to vector<16xi32>
        %parallel_loop3A_446 = arith.xori %parallel_loop3A_371, %parallel_loop3A_445 : vector<16xi32>
        %parallel_loop3A_447 = arith.constant 2304 : i32
        %parallel_loop3A_448 = vector.broadcast %parallel_loop3A_447 : i32 to vector<16xi32>
        %parallel_loop3A_449 = arith.addi %parallel_loop3A_448, %parallel_loop3A_446 : vector<16xi32>
        %parallel_loop3A_450 = tpu.vector_load_idx %arg7[%parallel_loop3A_449] : memref<4096xi32, #tpu.memory_space<vmem>>[vector<16xi32>], vector<16xi32>,
        %parallel_loop3A_451 = arith.addi %parallel_loop3A_443, %parallel_loop3A_450 : vector<16xi32>
        %parallel_loop3A_452 = arith.constant 10 : i32
        %parallel_loop3A_453 = vector.broadcast %parallel_loop3A_452 : i32 to vector<16xi32>
        %parallel_loop3A_454 = arith.xori %parallel_loop3A_371, %parallel_loop3A_453 : vector<16xi32>
        %parallel_loop3A_455 = arith.constant 2560 : i32
        %parallel_loop3A_456 = vector.broadcast %parallel_loop3A_455 : i32 to vector<16xi32>
        %parallel_loop3A_457 = arith.addi %parallel_loop3A_456, %parallel_loop3A_454 : vector<16xi32>
        %parallel_loop3A_458 = tpu.vector_load_idx %arg7[%parallel_loop3A_457] : memref<4096xi32, #tpu.memory_space<vmem>>[vector<16xi32>], vector<16xi32>,
        %parallel_loop3A_459 = arith.addi %parallel_loop3A_451, %parallel_loop3A_458 : vector<16xi32>
        %parallel_loop3A_460 = arith.constant 11 : i32
        %parallel_loop3A_461 = vector.broadcast %parallel_loop3A_460 : i32 to vector<16xi32>
        %parallel_loop3A_462 = arith.xori %parallel_loop3A_371, %parallel_loop3A_461 : vector<16xi32>
        %parallel_loop3A_463 = arith.constant 2816 : i32
        %parallel_loop3A_464 = vector.broadcast %parallel_loop3A_463 : i32 to vector<16xi32>
        %parallel_loop3A_465 = arith.addi %parallel_loop3A_464, %parallel_loop3A_462 : vector<16xi32>
        %parallel_loop3A_466 = tpu.vector_load_idx %arg7[%parallel_loop3A_465] : memref<4096xi32, #tpu.memory_space<vmem>>[vector<16xi32>], vector<16xi32>,
        %parallel_loop3A_467 = arith.addi %parallel_loop3A_459, %parallel_loop3A_466 : vector<16xi32>
        %parallel_loop3A_468 = arith.constant 12 : i32
        %parallel_loop3A_469 = vector.broadcast %parallel_loop3A_468 : i32 to vector<16xi32>
        %parallel_loop3A_470 = arith.xori %parallel_loop3A_371, %parallel_loop3A_469 : vector<16xi32>
        %parallel_loop3A_471 = arith.constant 3072 : i32
        %parallel_loop3A_472 = vector.broadcast %parallel_loop3A_471 : i32 to vector<16xi32>
        %parallel_loop3A_473 = arith.addi %parallel_loop3A_472, %parallel_loop3A_470 : vector<16xi32>
        %parallel_loop3A_474 = tpu.vector_load_idx %arg7[%parallel_loop3A_473] : memref<4096xi32, #tpu.memory_space<vmem>>[vector<16xi32>], vector<16xi32>,
        %parallel_loop3A_475 = arith.addi %parallel_loop3A_467, %parallel_loop3A_474 : vector<16xi32>
        %parallel_loop3A_476 = arith.constant 13 : i32
        %parallel_loop3A_477 = vector.broadcast %parallel_loop3A_476 : i32 to vector<16xi32>
        %parallel_loop3A_478 = arith.xori %parallel_loop3A_371, %parallel_loop3A_477 : vector<16xi32>
        %parallel_loop3A_479 = arith.constant 3328 : i32
        %parallel_loop3A_480 = vector.broadcast %parallel_loop3A_479 : i32 to vector<16xi32>
        %parallel_loop3A_481 = arith.addi %parallel_loop3A_480, %parallel_loop3A_478 : vector<16xi32>
        %parallel_loop3A_482 = tpu.vector_load_idx %arg7[%parallel_loop3A_481] : memref<4096xi32, #tpu.memory_space<vmem>>[vector<16xi32>], vector<16xi32>,
        %parallel_loop3A_483 = arith.addi %parallel_loop3A_475, %parallel_loop3A_482 : vector<16xi32>
        %parallel_loop3A_484 = arith.constant 14 : i32
        %parallel_loop3A_485 = vector.broadcast %parallel_loop3A_484 : i32 to vector<16xi32>
        %parallel_loop3A_486 = arith.xori %parallel_loop3A_371, %parallel_loop3A_485 : vector<16xi32>
        %parallel_loop3A_487 = arith.constant 3584 : i32
        %parallel_loop3A_488 = vector.broadcast %parallel_loop3A_487 : i32 to vector<16xi32>
        %parallel_loop3A_489 = arith.addi %parallel_loop3A_488, %parallel_loop3A_486 : vector<16xi32>
        %parallel_loop3A_490 = tpu.vector_load_idx %arg7[%parallel_loop3A_489] : memref<4096xi32, #tpu.memory_space<vmem>>[vector<16xi32>], vector<16xi32>,
        %parallel_loop3A_491 = arith.addi %parallel_loop3A_483, %parallel_loop3A_490 : vector<16xi32>
        %parallel_loop3A_492 = arith.constant 15 : i32
        %parallel_loop3A_493 = vector.broadcast %parallel_loop3A_492 : i32 to vector<16xi32>
        %parallel_loop3A_494 = arith.xori %parallel_loop3A_371, %parallel_loop3A_493 : vector<16xi32>
        %parallel_loop3A_495 = arith.constant 3840 : i32
        %parallel_loop3A_496 = vector.broadcast %parallel_loop3A_495 : i32 to vector<16xi32>
        %parallel_loop3A_497 = arith.addi %parallel_loop3A_496, %parallel_loop3A_494 : vector<16xi32>
        %parallel_loop3A_498 = tpu.vector_load_idx %arg7[%parallel_loop3A_497] : memref<4096xi32, #tpu.memory_space<vmem>>[vector<16xi32>], vector<16xi32>,
        %parallel_loop3A_499 = arith.addi %parallel_loop3A_491, %parallel_loop3A_498 : vector<16xi32>
        %parallel_loop3A_500 = arith.constant 128 : i32
        %parallel_loop3A_501 = vector.broadcast %parallel_loop3A_500 : i32 to vector<16xi32>
        %parallel_loop3A_502 = arith.cmpi slt, %parallel_loop3A_371, %parallel_loop3A_501 : vector<16xi32>
        %parallel_loop3A_503 = arith.constant 128 : i32
        %parallel_loop3A_504 = arith.constant 255 : i32
        %parallel_loop3A_505 = vector.broadcast %parallel_loop3A_503 : i32 to vector<16xi32>
        %parallel_loop3A_506 = vector.broadcast %parallel_loop3A_504 : i32 to vector<16xi32>
        %parallel_loop3A_507 = arith.select %parallel_loop3A_502, %parallel_loop3A_505, %parallel_loop3A_506 : vector<16xi1>, vector<16xi32>
        %parallel_loop3A_508 = arith.xori %parallel_loop3A_371, %parallel_loop3A_507 : vector<16xi32>
        tpu.vector_store_idx %arg8[%parallel_loop3A_508], %parallel_loop3A_499 : memref<256xi32, #tpu.memory_space<vmem>>[vector<16xi32>], vector<16xi32>,
        %parallel_loop3A_509 = arith.constant 8 : i32
        %parallel_loop3A_510 = arith.cmpi slt, %parallel_loop3A_367, %parallel_loop3A_509 : i32
        %parallel_loop3A_511 = arith.constant 8 : i32
        %parallel_loop3A_512 = arith.addi %parallel_loop3A_367, %parallel_loop3A_511 : i32
        %parallel_loop3A_513 = arith.constant 15 : i32
        %parallel_loop3A_514 = arith.subi %parallel_loop3A_513, %parallel_loop3A_367 : i32
        %parallel_loop3A_515 = arith.select %parallel_loop3A_510, %parallel_loop3A_512, %parallel_loop3A_514 : i32
        %parallel_loop3A_516 = arith.constant true
        %parallel_loop3A_517 = vector.broadcast %parallel_loop3A_516 : i1 to vector<16xi1>
        %parallel_loop3A_518 = tpu.scan <sum>, %parallel_loop3A_499 masked %parallel_loop3A_517 : vector<16xi32>, vector<16xi1> -> vector<16xi32>
        %parallel_loop3A_519 = vector.extract %parallel_loop3A_518[15] : i32 from vector<16xi32>
        %parallel_loop3A_520 = vector.broadcast %parallel_loop3A_519 : i32 to vector<16xi32>
        %parallel_loop3A_521 = vector.broadcast %parallel_loop3A_515 : i32 to vector<16xi32>
        %parallel_loop3A_522 = arith.constant 0 : i32
        %parallel_loop3A_523 = vector.broadcast %parallel_loop3A_522 : i32 to vector<16xi32>
        %parallel_loop3A_524 = arith.cmpi eq, %iota3A, %parallel_loop3A_523 : vector<16xi32>
        tpu.vector_store_idx %arg9[%parallel_loop3A_521], %parallel_loop3A_520 masked %parallel_loop3A_524 : memref<16xi32, #tpu.memory_space<vmem>>[vector<16xi32>], vector<16xi32>, vector<16xi1>
      } {sc.loop_unroll_factor = 2 : i64, sc.parallel_access}
      %get3A_212 = arith.constant 0 : index
      %get3A_213 = tpu.vector_load %arg9[%get3A_212] {strides = array<i32>} : memref<16xi32, #tpu.memory_space<vmem>>, vector<16xi32>,
      %rev3A_214 = arith.constant 15 : i32
      %rev3A_215 = vector.broadcast %rev3A_214 : i32 to vector<16xi32>
      %rev3A_216 = tpu.iota {dimensions = array<i32: 0>} : vector<16xi32>
      %rev3A_217 = arith.subi %rev3A_215, %rev3A_216 : vector<16xi32>
      %rev3A_218 = tpu.dynamic_gather %get3A_213[%rev3A_217] in [0] : vector<16xi32>, vector<16xi32> -> vector<16xi32>
      %broadcast_in_dim3A_219 = arith.constant true
      %broadcast_in_dim3A_220 = vector.broadcast %broadcast_in_dim3A_219 : i1 to vector<16xi1>
      %masked_cumsum3A_221 = tpu.scan <sum>, %rev3A_218 masked %broadcast_in_dim3A_220 : vector<16xi32>, vector<16xi1> -> vector<16xi32>
      %ge3A_222 = arith.cmpi sge, %masked_cumsum3A_221, %broadcast_in_dim3A_10 : vector<16xi32>
      %all_reduce_population_count3A_223 = tpu.all_reduce %ge3A_222 {dim = 0 : i64, kind = #tpu.reduction_kind<sum>} : vector<16xi1> -> vector<16xi32>
      %sub3A_224 = arith.constant 16 : i32
      %sub3A_225 = vector.broadcast %sub3A_224 : i32 to vector<16xi32>
      %sub3A_226 = arith.subi %sub3A_225, %all_reduce_population_count3A_223 : vector<16xi32>
      %sub3A_227 = arith.subi %masked_cumsum3A_221, %rev3A_218 : vector<16xi32>
      %eq3A_228 = arith.cmpi eq, %iota3A, %sub3A_226 : vector<16xi32>
      %jit3A_229 = arith.constant 0 : i32
      %broadcast_in_dim3A_230 = vector.broadcast %jit3A_229 : i32 to vector<16xi32>
      %select_n3A_231 = arith.select %eq3A_228, %sub3A_227, %broadcast_in_dim3A_230 : vector<16xi1>, vector<16xi32>
      %reduce_sum3A_232 = arith.constant true
      %reduce_sum3A_233 = vector.broadcast %reduce_sum3A_232 : i1 to vector<16xi1>
      %reduce_sum3A_234 = tpu.scan <sum>, %select_n3A_231 masked %reduce_sum3A_233 : vector<16xi32>, vector<16xi1> -> vector<16xi32>
      %reduce_sum3A_235 = vector.extract %reduce_sum3A_234[15] : i32 from vector<16xi32>
      %sub3A_236 = arith.constant 1 : i32
      %sub3A_237 = vector.broadcast %sub3A_236 : i32 to vector<16xi32>
      %sub3A_238 = arith.subi %all_reduce_population_count3A_223, %sub3A_237 : vector<16xi32>
      %sub3A_239 = vector.broadcast %reduce_sum3A_235 : i32 to vector<16xi32>
      %sub3A_240 = arith.subi %broadcast_in_dim3A_10, %sub3A_239 : vector<16xi32>
      %mul3A_241 = arith.constant 16 : i32
      %mul3A_242 = vector.broadcast %mul3A_241 : i32 to vector<16xi32>
      %mul3A_243 = arith.muli %sub3A_238, %mul3A_242 : vector<16xi32>
      %add3A_244 = arith.addi %mul3A_243, %iota3A : vector<16xi32>
      %gather3A_245 = tpu.vector_load_idx %arg8[%add3A_244] : memref<256xi32, #tpu.memory_space<vmem>>[vector<16xi32>], vector<16xi32>,
      %rev3A_246 = arith.constant 15 : i32
      %rev3A_247 = vector.broadcast %rev3A_246 : i32 to vector<16xi32>
      %rev3A_248 = tpu.iota {dimensions = array<i32: 0>} : vector<16xi32>
      %rev3A_249 = arith.subi %rev3A_247, %rev3A_248 : vector<16xi32>
      %rev3A_250 = tpu.dynamic_gather %gather3A_245[%rev3A_249] in [0] : vector<16xi32>, vector<16xi32> -> vector<16xi32>
      %broadcast_in_dim3A_251 = arith.constant true
      %broadcast_in_dim3A_252 = vector.broadcast %broadcast_in_dim3A_251 : i1 to vector<16xi1>
      %masked_cumsum3A_253 = tpu.scan <sum>, %rev3A_250 masked %broadcast_in_dim3A_252 : vector<16xi32>, vector<16xi1> -> vector<16xi32>
      %ge3A_254 = arith.cmpi sge, %masked_cumsum3A_253, %sub3A_240 : vector<16xi32>
      %all_reduce_population_count3A_255 = tpu.all_reduce %ge3A_254 {dim = 0 : i64, kind = #tpu.reduction_kind<sum>} : vector<16xi1> -> vector<16xi32>
      %sub3A_256 = arith.constant 16 : i32
      %sub3A_257 = vector.broadcast %sub3A_256 : i32 to vector<16xi32>
      %sub3A_258 = arith.subi %sub3A_257, %all_reduce_population_count3A_255 : vector<16xi32>
      %sub3A_259 = arith.subi %masked_cumsum3A_253, %rev3A_250 : vector<16xi32>
      %eq3A_260 = arith.cmpi eq, %iota3A, %sub3A_258 : vector<16xi32>
      %jit3A_261 = arith.constant 0 : i32
      %broadcast_in_dim3A_262 = vector.broadcast %jit3A_261 : i32 to vector<16xi32>
      %select_n3A_263 = arith.select %eq3A_260, %sub3A_259, %broadcast_in_dim3A_262 : vector<16xi1>, vector<16xi32>
      %reduce_sum3A_264 = arith.constant true
      %reduce_sum3A_265 = vector.broadcast %reduce_sum3A_264 : i1 to vector<16xi1>
      %reduce_sum3A_266 = tpu.scan <sum>, %select_n3A_263 masked %reduce_sum3A_265 : vector<16xi32>, vector<16xi1> -> vector<16xi32>
      %reduce_sum3A_267 = vector.extract %reduce_sum3A_266[15] : i32 from vector<16xi32>
      %sub3A_268 = arith.constant 1 : i32
      %sub3A_269 = vector.broadcast %sub3A_268 : i32 to vector<16xi32>
      %sub3A_270 = arith.subi %all_reduce_population_count3A_255, %sub3A_269 : vector<16xi32>
      %sub3A_271 = vector.broadcast %reduce_sum3A_267 : i32 to vector<16xi32>
      %sub3A_272 = arith.subi %sub3A_240, %sub3A_271 : vector<16xi32>
      %mul3A_273 = arith.constant 16 : i32
      %mul3A_274 = vector.broadcast %mul3A_273 : i32 to vector<16xi32>
      %mul3A_275 = arith.muli %sub3A_238, %mul3A_274 : vector<16xi32>
      %add3A_276 = arith.addi %mul3A_275, %sub3A_270 : vector<16xi32>
      %ge3A_277 = arith.constant 128 : i32
      %ge3A_278 = vector.broadcast %ge3A_277 : i32 to vector<16xi32>
      %ge3A_279 = arith.cmpi sge, %add3A_276, %ge3A_278 : vector<16xi32>
      %jit3A_280 = arith.constant 128 : i32
      %jit3A_281 = arith.constant 255 : i32
      %broadcast_in_dim3A_282 = vector.broadcast %jit3A_280 : i32 to vector<16xi32>
      %broadcast_in_dim3A_283 = vector.broadcast %jit3A_281 : i32 to vector<16xi32>
      %select_n3A_284 = arith.select %ge3A_279, %broadcast_in_dim3A_282, %broadcast_in_dim3A_283 : vector<16xi1>, vector<16xi32>
      %xor3A_285 = arith.xori %add3A_276, %select_n3A_284 : vector<16xi32>
      %xor3A_286 = arith.xori %xor3A_285, %iota3A : vector<16xi32>
      %or3A_287 = arith.ori %mul3A_8, %xor3A_286 : vector<16xi32>
      %gather3A_288 = tpu.vector_load_idx %arg7[%or3A_287] : memref<4096xi32, #tpu.memory_space<vmem>>[vector<16xi32>], vector<16xi32>,
      %broadcast_in_dim3A_289 = arith.constant true
      %broadcast_in_dim3A_290 = vector.broadcast %broadcast_in_dim3A_289 : i1 to vector<16xi1>
      %masked_cumsum3A_291 = tpu.scan <sum>, %gather3A_288 masked %broadcast_in_dim3A_290 : vector<16xi32>, vector<16xi1> -> vector<16xi32>
      %sub3A_292 = arith.subi %masked_cumsum3A_291, %gather3A_288 : vector<16xi32>
      %reduce_sum3A_293 = arith.constant true
      %reduce_sum3A_294 = vector.broadcast %reduce_sum3A_293 : i1 to vector<16xi1>
      %reduce_sum3A_295 = tpu.scan <sum>, %gather3A_288 masked %reduce_sum3A_294 : vector<16xi32>, vector<16xi1> -> vector<16xi32>
      %reduce_sum3A_296 = vector.extract %reduce_sum3A_295[15] : i32 from vector<16xi32>
      %parallel_loop3A_297 = arith.constant 0 : i32
      %parallel_loop3A_298 = arith.constant 256 : i32
      %parallel_loop3A_299 = arith.constant 1 : i32
      scf.for %parallel_loop3A_367 = %parallel_loop3A_297 to %parallel_loop3A_298 step %parallel_loop3A_299  : i32 {
        %parallel_loop3A_368 = vector.broadcast %parallel_loop3A_367 : i32 to vector<16xi32>
        %parallel_loop3A_369 = arith.ori %mul3A_8, %parallel_loop3A_368 : vector<16xi32>
        tpu.vector_store_idx %arg7[%parallel_loop3A_369], %broadcast_in_dim3A_2 : memref<4096xi32, #tpu.memory_space<vmem>>[vector<16xi32>], vector<16xi32>,
      } {sc.loop_unroll_factor = 8 : i64, sc.parallel_access}
      %ge3A_300 = arith.constant 128 : i32
      %ge3A_301 = vector.broadcast %ge3A_300 : i32 to vector<16xi32>
      %ge3A_302 = arith.cmpi sge, %xor3A_285, %ge3A_301 : vector<16xi32>
      %jit3A_303 = arith.constant -1 : i32
      %jit3A_304 = arith.constant 0 : i32
      %broadcast_in_dim3A_305 = vector.broadcast %jit3A_303 : i32 to vector<16xi32>
      %broadcast_in_dim3A_306 = vector.broadcast %jit3A_304 : i32 to vector<16xi32>
      %select_n3A_307 = arith.select %ge3A_302, %broadcast_in_dim3A_305, %broadcast_in_dim3A_306 : vector<16xi1>, vector<16xi32>
      %parallel_loop3A_308 = arith.constant 0 : i32
      %parallel_loop3A_309 = arith.constant 1024 : i32
      %parallel_loop3A_310 = arith.constant 1 : i32
      %parallel_loop3A_311 = scf.for %parallel_loop3A_367 = %parallel_loop3A_308 to %parallel_loop3A_309 step %parallel_loop3A_310 iter_args(%parallel_loop3A_368 = %sub3A_292) -> (vector<16xi32>)  : i32 {
        %parallel_loop3A_369 = arith.constant 16 : i32
        %parallel_loop3A_370 = arith.muli %parallel_loop3A_367, %parallel_loop3A_369 : i32
        %parallel_loop3A_371 = vector.broadcast %parallel_loop3A_370 : i32 to vector<16xi32>
        %parallel_loop3A_372 = arith.addi %parallel_loop3A_371, %iota3A : vector<16xi32>
        %parallel_loop3A_373 = tpu.vector_load_idx %arg5[%parallel_loop3A_372] : memref<16384xf32, #tpu.memory_space<vmem>>[vector<16xi32>], vector<16xf32>,
        %parallel_loop3A_374 = vector.bitcast %parallel_loop3A_373 : vector<16xf32> to vector<16xi32>
        %parallel_loop3A_375 = arith.constant 24 : i32
        %parallel_loop3A_376 = vector.broadcast %parallel_loop3A_375 : i32 to vector<16xi32>
        %parallel_loop3A_377 = arith.shrui %parallel_loop3A_374, %parallel_loop3A_376 : vector<16xi32>
        %parallel_loop3A_378 = arith.cmpi eq, %parallel_loop3A_377, %xor3A_285 : vector<16xi32>
        %parallel_loop3A_379 = arith.xori %parallel_loop3A_374, %select_n3A_307 : vector<16xi32>
        tpu.vector_store_idx %arg6[%parallel_loop3A_368], %parallel_loop3A_379 masked %parallel_loop3A_378 : memref<16384xi32, #tpu.memory_space<vmem>>[vector<16xi32>], vector<16xi32>, vector<16xi1>
        %parallel_loop3A_380 = arith.extui %parallel_loop3A_378 : vector<16xi1> to vector<16xi32>
        %parallel_loop3A_381 = arith.addi %parallel_loop3A_368, %parallel_loop3A_380 : vector<16xi32>
        scf.yield %parallel_loop3A_381 : vector<16xi32>
      } {sc.loop_unroll_factor = 8 : i64, sc.parallel_access}
      %add3A_312 = arith.constant 15 : i32
      %add3A_313 = arith.addi %reduce_sum3A_296, %add3A_312 : i32
      %jit3A_314 = arith.constant 16 : i32
      %div3A_315 = arith.divsi %add3A_313, %jit3A_314 : i32
      %sign3A_316 = arith.constant 0 : i32
      %sign3A_317 = arith.cmpi sgt, %add3A_313, %sign3A_316 : i32
      %sign3A_318 = arith.extui %sign3A_317 : i1 to i32
      %sign3A_319 = arith.constant 0 : i32
      %sign3A_320 = arith.cmpi slt, %add3A_313, %sign3A_319 : i32
      %sign3A_321 = arith.extui %sign3A_320 : i1 to i32
      %sign3A_322 = arith.subi %sign3A_318, %sign3A_321 : i32
      %sign3A_323 = arith.constant 0 : i32
      %sign3A_324 = arith.cmpi sgt, %jit3A_314, %sign3A_323 : i32
      %sign3A_325 = arith.extui %sign3A_324 : i1 to i32
      %sign3A_326 = arith.constant 0 : i32
      %sign3A_327 = arith.cmpi slt, %jit3A_314, %sign3A_326 : i32
      %sign3A_328 = arith.extui %sign3A_327 : i1 to i32
      %sign3A_329 = arith.subi %sign3A_325, %sign3A_328 : i32
      %ne3A_330 = arith.cmpi ne, %sign3A_322, %sign3A_329 : i32
      %rem3A_331 = arith.remsi %add3A_313, %jit3A_314 : i32
      %ne3A_332 = arith.constant 0 : i32
      %ne3A_333 = arith.cmpi ne, %rem3A_331, %ne3A_332 : i32
      %and3A_334 = arith.andi %ne3A_330, %ne3A_333 : i1
      %sub3A_335 = arith.constant 1 : i32
      %sub3A_336 = arith.subi %div3A_315, %sub3A_335 : i32
      %select_n3A_337 = arith.select %and3A_334, %sub3A_336, %div3A_315 : i32
      %broadcast_in_dim3A_338 = arith.constant 0 : i32
      %broadcast_in_dim3A_339 = vector.broadcast %broadcast_in_dim3A_338 : i32 to vector<16xi32>
      %scan3A_340 = arith.constant 0 : i32
      %scan3A_341 = arith.constant 24 : i32
      %scan3A_342 = arith.addi %scan3A_340, %scan3A_341 : i32
      %scan3A_343 = arith.constant 1 : i32
      %scan3A_344 = scf.for %scan3A_367 = %scan3A_340 to %scan3A_342 step %scan3A_343 iter_args(%scan3A_368 = %broadcast_in_dim3A_339) -> (vector<16xi32>)  : i32 {
        %sub3A_369 = arith.constant 23 : i32
        %sub3A_370 = arith.subi %sub3A_369, %scan3A_367 : i32
        %shift_left3A_371 = arith.constant 1 : i32
        %shift_left3A_372 = arith.shli %shift_left3A_371, %sub3A_370 : i32
        %or3A_373 = vector.broadcast %shift_left3A_372 : i32 to vector<16xi32>
        %or3A_374 = arith.ori %scan3A_368, %or3A_373 : vector<16xi32>
        %parallel_loop3A_375 = arith.constant 0 : i32
        %parallel_loop3A_376 = arith.constant 1 : i32
        %parallel_loop3A_377 = scf.for %parallel_loop3A_385 = %parallel_loop3A_375 to %select_n3A_337 step %parallel_loop3A_376 iter_args(%parallel_loop3A_386 = %broadcast_in_dim3A_2) -> (vector<16xi32>)  : i32 {
          %parallel_loop3A_387 = arith.constant 16 : i32
          %parallel_loop3A_388 = arith.muli %parallel_loop3A_385, %parallel_loop3A_387 : i32
          %parallel_loop3A_389 = vector.broadcast %parallel_loop3A_388 : i32 to vector<16xi32>
          %parallel_loop3A_390 = arith.addi %parallel_loop3A_389, %iota3A : vector<16xi32>
          %parallel_loop3A_391 = tpu.vector_load_idx %arg6[%parallel_loop3A_390] : memref<16384xi32, #tpu.memory_space<vmem>>[vector<16xi32>], vector<16xi32>,
          %parallel_loop3A_392 = arith.constant 16777215 : i32
          %parallel_loop3A_393 = vector.broadcast %parallel_loop3A_392 : i32 to vector<16xi32>
          %parallel_loop3A_394 = arith.andi %parallel_loop3A_391, %parallel_loop3A_393 : vector<16xi32>
          %parallel_loop3A_395 = arith.cmpi sge, %parallel_loop3A_394, %or3A_374 : vector<16xi32>
          %parallel_loop3A_396 = arith.constant 16 : i32
          %parallel_loop3A_397 = arith.muli %parallel_loop3A_385, %parallel_loop3A_396 : i32
          %parallel_loop3A_398 = vector.broadcast %parallel_loop3A_397 : i32 to vector<16xi32>
          %parallel_loop3A_399 = arith.addi %parallel_loop3A_398, %iota3A : vector<16xi32>
          %parallel_loop3A_400 = vector.broadcast %reduce_sum3A_296 : i32 to vector<16xi32>
          %parallel_loop3A_401 = arith.cmpi slt, %parallel_loop3A_399, %parallel_loop3A_400 : vector<16xi32>
          %parallel_loop3A_402 = arith.andi %parallel_loop3A_395, %parallel_loop3A_401 : vector<16xi1>
          %parallel_loop3A_403 = arith.extui %parallel_loop3A_402 : vector<16xi1> to vector<16xi32>
          %parallel_loop3A_404 = arith.addi %parallel_loop3A_386, %parallel_loop3A_403 : vector<16xi32>
          scf.yield %parallel_loop3A_404 : vector<16xi32>
        } {sc.loop_unroll_factor = 1 : i64, sc.parallel_access}
        %reduce_sum3A_378 = arith.constant true
        %reduce_sum3A_379 = vector.broadcast %reduce_sum3A_378 : i1 to vector<16xi1>
        %reduce_sum3A_380 = tpu.scan <sum>, %parallel_loop3A_377 masked %reduce_sum3A_379 : vector<16xi32>, vector<16xi1> -> vector<16xi32>
        %reduce_sum3A_381 = vector.extract %reduce_sum3A_380[15] : i32 from vector<16xi32>
        %ge3A_382 = vector.broadcast %reduce_sum3A_381 : i32 to vector<16xi32>
        %ge3A_383 = arith.cmpi sge, %ge3A_382, %sub3A_272 : vector<16xi32>
        %select_n3A_384 = arith.select %ge3A_383, %or3A_374, %scan3A_368 : vector<16xi1>, vector<16xi32>
        scf.yield %select_n3A_384 : vector<16xi32>
      }
      %scan3A_345 = arith.constant 24 : i32
      %shift_left3A_346 = arith.constant 24 : i32
      %shift_left3A_347 = vector.broadcast %shift_left3A_346 : i32 to vector<16xi32>
      %shift_left3A_348 = arith.shli %add3A_276, %shift_left3A_347 : vector<16xi32>
      %or3A_349 = arith.ori %shift_left3A_348, %scan3A_344 : vector<16xi32>
      %xor3A_350 = vector.broadcast %scan3A_26 : i32 to vector<16xi32>
      %xor3A_351 = arith.xori %or3A_349, %xor3A_350 : vector<16xi32>
      %broadcast_in_dim3A_352 = vector.broadcast %add3A_205 : i32 to vector<16xi32>
      %eq3A_353 = arith.constant 0 : i32
      %eq3A_354 = vector.broadcast %eq3A_353 : i32 to vector<16xi32>
      %eq3A_355 = arith.cmpi eq, %iota3A, %eq3A_354 : vector<16xi32>
      tpu.vector_store_idx %arg10[%broadcast_in_dim3A_352], %xor3A_351 masked %eq3A_355 : memref<32xi32, #tpu.memory_space<vmem>>[vector<16xi32>], vector<16xi32>, vector<16xi1>
      %add3A_356 = arith.constant 3 : i32
      %add3A_357 = arith.addi %mul3A_47, %add3A_356 : i32
      %rem3A_358 = arith.constant 32 : i32
      %rem3A_359 = arith.remsi %add3A_357, %rem3A_358 : i32
      %add3A_360 = arith.addi %mul3A_5, %rem3A_359 : i32
      %dma_start3A_361 = arith.constant 0 : i32
      %dma_start3A_362 = tpu.memref_slice %arg2[%add3A_360, %dma_start3A_361] : memref<1024x16384xf32, #tpu.memory_space<hbm>> -> memref<1x16384xf32, #tpu.memory_space<hbm>>
      %dma_start3A_363 = tpu.memref_squeeze %dma_start3A_362 : memref<1x16384xf32, #tpu.memory_space<hbm>> -> memref<16384xf32, #tpu.memory_space<hbm>>
      %dma_start3A_364 = arith.constant 0 : i32
      %dma_start3A_365 = tpu.memref_slice %arg2[%add3A_360, %dma_start3A_364] : memref<1024x16384xf32, #tpu.memory_space<hbm>> -> memref<1x16384xf32, #tpu.memory_space<hbm>>
      %dma_start3A_366 = tpu.memref_squeeze %dma_start3A_365 : memref<1x16384xf32, #tpu.memory_space<hbm>> -> memref<16384xf32, #tpu.memory_space<hbm>>
      tpu.enqueue_dma source(%dma_start3A_366 : memref<16384xf32, #tpu.memory_space<hbm>>) target(%arg5 : memref<16384xf32, #tpu.memory_space<vmem>>) target_semaphore(%arg12 : memref<!tpu.dma_semaphore, #tpu.memory_space<semaphore_mem>>)
    }
    %scan3A_31 = arith.constant 16 : i32
    %dma_wait3A = arith.constant 0 : i32
    %dma_wait3A_32 = tpu.memref_slice %arg2[%mul3A_5, %dma_wait3A] : memref<1024x16384xf32, #tpu.memory_space<hbm>> -> memref<1x16384xf32, #tpu.memory_space<hbm>>
    %dma_wait3A_33 = tpu.memref_squeeze %dma_wait3A_32 : memref<1x16384xf32, #tpu.memory_space<hbm>> -> memref<16384xf32, #tpu.memory_space<hbm>>
    %dma_wait3A_34 = arith.constant 0 : i32
    %dma_wait3A_35 = tpu.memref_slice %arg2[%mul3A_5, %dma_wait3A_34] : memref<1024x16384xf32, #tpu.memory_space<hbm>> -> memref<1x16384xf32, #tpu.memory_space<hbm>>
    %dma_wait3A_36 = tpu.memref_squeeze %dma_wait3A_35 : memref<1x16384xf32, #tpu.memory_space<hbm>> -> memref<16384xf32, #tpu.memory_space<hbm>>
    tpu.wait_dma2 semaphore(%arg11 : memref<!tpu.dma_semaphore, #tpu.memory_space<semaphore_mem>>) src(%dma_wait3A_36 : memref<16384xf32, #tpu.memory_space<hbm>>) dst(%arg4 : memref<16384xf32, #tpu.memory_space<vmem>>)
    %add3A_37 = arith.constant 1 : i32
    %add3A_38 = arith.addi %mul3A_5, %add3A_37 : i32
    %dma_wait3A_39 = arith.constant 0 : i32
    %dma_wait3A_40 = tpu.memref_slice %arg2[%add3A_38, %dma_wait3A_39] : memref<1024x16384xf32, #tpu.memory_space<hbm>> -> memref<1x16384xf32, #tpu.memory_space<hbm>>
    %dma_wait3A_41 = tpu.memref_squeeze %dma_wait3A_40 : memref<1x16384xf32, #tpu.memory_space<hbm>> -> memref<16384xf32, #tpu.memory_space<hbm>>
    %dma_wait3A_42 = arith.constant 0 : i32
    %dma_wait3A_43 = tpu.memref_slice %arg2[%add3A_38, %dma_wait3A_42] : memref<1024x16384xf32, #tpu.memory_space<hbm>> -> memref<1x16384xf32, #tpu.memory_space<hbm>>
    %dma_wait3A_44 = tpu.memref_squeeze %dma_wait3A_43 : memref<1x16384xf32, #tpu.memory_space<hbm>> -> memref<16384xf32, #tpu.memory_space<hbm>>
    tpu.wait_dma2 semaphore(%arg12 : memref<!tpu.dma_semaphore, #tpu.memory_space<semaphore_mem>>) src(%dma_wait3A_44 : memref<16384xf32, #tpu.memory_space<hbm>>) dst(%arg5 : memref<16384xf32, #tpu.memory_space<vmem>>)
    "tpu.region"() ({
      %run_scoped3A = tpu.sem_alloc : memref<!tpu.dma_semaphore, #tpu.memory_space<semaphore_mem>>
      %dma_start3A_45 = tpu.memref_slice %arg3[%mul3A_5] : memref<1024xi32, #tpu.memory_space<hbm>> -> memref<32xi32, #tpu.memory_space<hbm>>
      %dma_start3A_46 = tpu.memref_slice %arg3[%mul3A_5] : memref<1024xi32, #tpu.memory_space<hbm>> -> memref<32xi32, #tpu.memory_space<hbm>>
      tpu.enqueue_dma source(%arg10 : memref<32xi32, #tpu.memory_space<vmem>>) target(%dma_start3A_46 : memref<32xi32, #tpu.memory_space<hbm>>) target_semaphore(%run_scoped3A : memref<!tpu.dma_semaphore, #tpu.memory_space<semaphore_mem>>)
      %dma_wait3A_47 = tpu.memref_slice %arg3[%mul3A_5] : memref<1024xi32, #tpu.memory_space<hbm>> -> memref<32xi32, #tpu.memory_space<hbm>>
      %dma_wait3A_48 = tpu.memref_slice %arg3[%mul3A_5] : memref<1024xi32, #tpu.memory_space<hbm>> -> memref<32xi32, #tpu.memory_space<hbm>>
      tpu.wait_dma2 semaphore(%run_scoped3A : memref<!tpu.dma_semaphore, #tpu.memory_space<semaphore_mem>>) src(%arg10 : memref<32xi32, #tpu.memory_space<vmem>>) dst(%dma_wait3A_48 : memref<32xi32, #tpu.memory_space<hbm>>)
      tpu.yield
    }) : () -> ()
    return
  }
}

module attributes {stable_mosaic.version = 14 : i64} {
  func.func @_matmul_t_body(%arg0: i32, %arg1: memref<16384x128xf32, #tpu.memory_space<vmem>>, %arg2: memref<128x128xf32, #tpu.memory_space<vmem>>, %arg3: memref<128x16384xf32, #tpu.memory_space<vmem>>) attributes {dimension_semantics = [#tpu.dimension_semantics<arbitrary>], iteration_bounds = array<i64: 8>, scalar_prefetch = 0 : i64, scratch_operands = 0 : i64, tpu.core_type = #tpu.core_type<tc>, window_params = [{pipeline_mode = #tpu.pipeline_mode<synchronous>, transform_indices = @transform_0, window_bounds = array<i64: 16384, 128>}, {transform_indices = @transform_1, window_bounds = array<i64: 128, 128>}, {transform_indices = @transform_2, window_bounds = array<i64: 128, 16384>}]} {
    %get3A = arith.constant 0 : index
    %get3A_0 = arith.constant 0 : index
    %get3A_1 = vector.load %arg2[%get3A, %get3A_0] : memref<128x128xf32, #tpu.memory_space<vmem>>, vector<128x128xf32>
    %get3A_2 = arith.constant 0 : index
    %get3A_3 = arith.constant 0 : index
    %get3A_4 = vector.load %arg1[%get3A_2, %get3A_3] : memref<16384x128xf32, #tpu.memory_space<vmem>>, vector<16384x128xf32>
    %dot_general3A = arith.constant dense<0.000000e+00> : vector<128x16384xf32>
    %dot_general3A_5 = tpu.matmul %get3A_1, %get3A_4, %dot_general3A {dimension_numbers = #tpu.dot_dimension_numbers<[1], [1], [0], [0], [0, 0, 1, 0], [], []>, transpose_lhs_hint = false} : vector<128x128xf32>, vector<16384x128xf32>, vector<128x16384xf32> -> vector<128x16384xf32>
    %swap3A = arith.constant 0 : index
    %swap3A_6 = arith.constant 0 : index
    %swap3A_7 = vector.load %arg3[%swap3A, %swap3A_6] : memref<128x16384xf32, #tpu.memory_space<vmem>>, vector<128x16384xf32>
    tpu.vector_store %arg3[%swap3A, %swap3A_6], %dot_general3A_5 {strides = array<i32>} : memref<128x16384xf32, #tpu.memory_space<vmem>>, vector<128x16384xf32>,
    return
  }
  func.func @transform_0(%arg0: i32) -> (i32, i32) {
    %c0_i32 = arith.constant 0 : i32
    %c0_i32_0 = arith.constant 0 : i32
    %c0_i32_1 = arith.constant 0 : i32
    return %c0_i32, %c0_i32_0 : i32, i32
  }
  func.func @transform_1(%arg0: i32) -> (i32, i32) {
    %c0_i32 = arith.constant 0 : i32
    %c0_i32_0 = arith.constant 0 : i32
    return %arg0, %c0_i32 : i32, i32
  }
  func.func @transform_2(%arg0: i32) -> (i32, i32) {
    %c0_i32 = arith.constant 0 : i32
    %c0_i32_0 = arith.constant 0 : i32
    return %arg0, %c0_i32 : i32, i32
  }
}

module attributes {stable_mosaic.version = 14 : i64} {
  func.func @_mask_body(%arg0: i32, %arg1: memref<16384x128xf32, #tpu.memory_space<vmem>>, %arg2: memref<128x128xf32, #tpu.memory_space<vmem>>, %arg3: memref<1x128xf32, #tpu.memory_space<vmem>>, %arg4: memref<1x128xi32, #tpu.memory_space<vmem>>, %arg5: memref<16384x128xf32, #tpu.memory_space<vmem>>) attributes {dimension_semantics = [#tpu.dimension_semantics<arbitrary>], iteration_bounds = array<i64: 8>, scalar_prefetch = 0 : i64, scratch_operands = 0 : i64, tpu.core_type = #tpu.core_type<tc>, window_params = [{pipeline_mode = #tpu.pipeline_mode<synchronous>, transform_indices = @transform_0, window_bounds = array<i64: 16384, 128>}, {transform_indices = @transform_1, window_bounds = array<i64: 128, 128>}, {transform_indices = @transform_2, window_bounds = array<i64: 1, 128>}, {transform_indices = @transform_3, window_bounds = array<i64: 1, 128>}, {transform_indices = @transform_4, window_bounds = array<i64: 16384, 128>}]} {
    %get3A = arith.constant 0 : index
    %get3A_0 = arith.constant 0 : index
    %get3A_1 = vector.load %arg1[%get3A, %get3A_0] : memref<16384x128xf32, #tpu.memory_space<vmem>>, vector<16384x128xf32>
    %get3A_2 = arith.constant 0 : index
    %get3A_3 = arith.constant 0 : index
    %get3A_4 = vector.load %arg2[%get3A_2, %get3A_3] : memref<128x128xf32, #tpu.memory_space<vmem>>, vector<128x128xf32>
    %dot_general3A = arith.constant dense<0.000000e+00> : vector<16384x128xf32>
    %dot_general3A_5 = tpu.matmul %get3A_1, %get3A_4, %dot_general3A {dimension_numbers = #tpu.dot_dimension_numbers<[1], [1], [0], [0], [0, 0, 1, 0], [], []>, transpose_lhs_hint = false} : vector<16384x128xf32>, vector<128x128xf32>, vector<16384x128xf32> -> vector<16384x128xf32>
    %bitcast_convert_type3A = tpu.bitcast %dot_general3A_5 : vector<16384x128xf32> -> vector<16384x128xi32>
    %shift_right_arithmetic3A = arith.constant 31 : i32
    %shift_right_arithmetic3A_6 = vector.broadcast %shift_right_arithmetic3A : i32 to vector<16384x128xi32>
    %shift_right_arithmetic3A_7 = arith.shrsi %bitcast_convert_type3A, %shift_right_arithmetic3A_6 : vector<16384x128xi32>
    %and3A = arith.constant 2147483647 : i32
    %and3A_8 = vector.broadcast %and3A : i32 to vector<16384x128xi32>
    %and3A_9 = arith.andi %shift_right_arithmetic3A_7, %and3A_8 : vector<16384x128xi32>
    %xor3A = arith.xori %bitcast_convert_type3A, %and3A_9 : vector<16384x128xi32>
    %get3A_10 = arith.constant 0 : index
    %get3A_11 = arith.constant 0 : index
    %get3A_12 = vector.load %arg4[%get3A_10, %get3A_11] : memref<1x128xi32, #tpu.memory_space<vmem>>, vector<1x128xi32>
    %ge3A = vector.broadcast %get3A_12 : vector<1x128xi32> to vector<16384x128xi32>
    %ge3A_13 = arith.cmpi sge, %xor3A, %ge3A : vector<16384x128xi32>
    %get3A_14 = arith.constant 0 : index
    %get3A_15 = arith.constant 0 : index
    %get3A_16 = vector.load %arg3[%get3A_14, %get3A_15] : memref<1x128xf32, #tpu.memory_space<vmem>>, vector<1x128xf32>
    %add3A = vector.broadcast %get3A_16 : vector<1x128xf32> to vector<16384x128xf32>
    %add3A_17 = arith.addf %dot_general3A_5, %add3A : vector<16384x128xf32>
    %jit3A = arith.constant 0.000000e+00 : f32
    %broadcast_in_dim3A = vector.broadcast %jit3A : f32 to vector<16384x128xf32>
    %select_n3A = arith.select %ge3A_13, %add3A_17, %broadcast_in_dim3A : vector<16384x128xi1>, vector<16384x128xf32>
    %swap3A = arith.constant 0 : index
    %swap3A_18 = arith.constant 0 : index
    %swap3A_19 = vector.load %arg5[%swap3A, %swap3A_18] : memref<16384x128xf32, #tpu.memory_space<vmem>>, vector<16384x128xf32>
    tpu.vector_store %arg5[%swap3A, %swap3A_18], %select_n3A {strides = array<i32>} : memref<16384x128xf32, #tpu.memory_space<vmem>>, vector<16384x128xf32>,
    return
  }
  func.func @transform_0(%arg0: i32) -> (i32, i32) {
    %c0_i32 = arith.constant 0 : i32
    %c0_i32_0 = arith.constant 0 : i32
    %c0_i32_1 = arith.constant 0 : i32
    return %c0_i32, %c0_i32_0 : i32, i32
  }
  func.func @transform_1(%arg0: i32) -> (i32, i32) {
    %c0_i32 = arith.constant 0 : i32
    %c0_i32_0 = arith.constant 0 : i32
    return %arg0, %c0_i32 : i32, i32
  }
  func.func @transform_2(%arg0: i32) -> (i32, i32) {
    %c0_i32 = arith.constant 0 : i32
    %c0_i32_0 = arith.constant 0 : i32
    return %c0_i32, %arg0 : i32, i32
  }
  func.func @transform_3(%arg0: i32) -> (i32, i32) {
    %c0_i32 = arith.constant 0 : i32
    %c0_i32_0 = arith.constant 0 : i32
    return %c0_i32, %arg0 : i32, i32
  }
  func.func @transform_4(%arg0: i32) -> (i32, i32) {
    %c0_i32 = arith.constant 0 : i32
    %c0_i32_0 = arith.constant 0 : i32
    return %c0_i32, %arg0 : i32, i32
  }
}

</mosaic_0001>

<sc_bundles>
// kernel: kernel.5.cloned.1.call-start
scs
__scs_entry_jumppad:
0x0: {  	(pc) =	sbr.rel $0x88, $3  }
0x1: {  	(tag) =	ssettag $0x0;
	lr =	simm.s32 $0x1  }
0x2: {  	[smem:$0x3F9E] =	sst lr;
	_ =	strace $0xD0000000  }
0x3: {  	_ = 	snop  }
0x4: {  	_ = 	snop  }
0x5: {  	_ = 	snop  }
0x6: {  	_ = 	snop  }
0x7: {  	_ = 	snop  }
__scs_overlays_trampoline_lowered:
0x8: {  	[smem:$0x3FAD] =	sst s0  }
0x9: {  	[smem:$0x3FAE] =	sst s1  }
0xa: {  	[smem:$0x3FAF] =	sst s2  }
0xb: {  	[smem:$0x3FB0] =	sst s3  }
0xc: {  	[smem:$0x3FB1] =	sst s4  }
0xd: {  	[smem:$0x3FB2] =	sst s5  }
0xe: {  	[smem:$0x3FB3] =	sst s6  }
0xf: {  	[smem:$0x3FB4] =	sst s7  }
0x10: {  	[smem:$0x3FB5] =	sst s8  }
0x11: {  	[smem:$0x3FB6] =	sst s9;
	s0 =	simm.s32 @!p0 $0x0  }
0x12: {  	s1 =	sld [smem:$0x3F9C];
	s0 =	simm.s32 @p0 $0x1  }
0x13: {  	[smem:$0x3FB7] =	sst s0;
	s0 =	simm.s32 @!p1 $0x0  }
0x14: {  	s2 =	sld [smem:$0x3F9B];
	s0 =	simm.s32 @p1 $0x1  }
0x15: {  	[smem:$0x3FB8] =	sst s0;
	s0 =	simm.s32 @!p2 $0x0  }
0x16: {  	s3 =	sld [smem:$0x3FDB];
	s0 =	simm.s32 @p2 $0x1  }
0x17: {  	s4 =	simm.s32 $0x1BF5;
	[smem:$0x3FBA] =	sst s0  }
0x18: {  	s0 =	sld [smem:$0x3F9D];
	_ =	swait.ge [sflag:s4], $0x0  }
0x19: {  	s7 =	sld [smem:$0x3F9E]  }
0x1a: {  	s8 =	sadd.s32 $0xFFFFE003, lr  }
0x1b: {  	s9 =	sadd.s32 $0xFFFFFEF7, lr;
	s5 =	simm.s32 $0xFFFFFFFF;
	p2 =	slt.u32 s8, $0xFFFFF086  }
0x1c: {  	p1 =	slt.u32 s9, $0xF7A;
	s5 =	simm.s32 @!p2 $0x0  }
0x1d: {  	s5 =	simm.s32 @p1 $0x1;
	p0 =	seq.s32 s7, s2  }
0x1e: {  	s7 =	smul.u32 @!p0 $0xF7A, s2;
	p2 =	seq.s32 @!p0 s5, $0x0  }
0x1f: {  	s9 =	smul.u32 $0xF7A, s1;
	s8 =	simm.s32 @!p0 $0x1BF5;
	p2 =	por !p2, p0  }
0x20: {  	[sflag:s8] =	ssyncset.s32 @!p0 $0xFFFFF086;
	s6 =	sadd.s32 @!p0 s3, s7;
	s7 =	simm.s32 @!p0 $0x108  }
0x21: {  	s3 =	sadd.s32 s3, s9;
	s6 =	sadd.s32 @!p0 $0x88, s6;
	s7 =	simm.s32 @p2 $0x1082  }
0x22: {  	[simem:s7], [sflag:s8] =	dma.local @!p0 [hbm:s6], $0xF7A  }
0x23: {  	s9 =	sor.u32 $0xD0000000, s2;
	s6 =	simm.s32 $0x108;
	_ =	swait.ge @!p0 [sflag:s8], $0x0  }
0x24: {  	s3 =	sadd.s32 $0x88, s3;
	s6 =	simm.s32 @!p1 $0x1082;
	[sflag:s4] =	ssyncset.s32 $0xFFFFF086  }
0x25: {  	[simem:s6], [sflag:s4] =	dma.local [hbm:s3], $0xF7A  }
0x26: {  	[smem:$0x3F9E] =	sst s1;
	(tag) =	ssettag s2;
	_ =	strace s9  }
0x27: {  	s1 =	sld [smem:$0x3FAE]  }
0x28: {  	s2 =	sld [smem:$0x3FAF]  }
0x29: {  	s4 =	sld [smem:$0x3FB1]  }
0x2a: {  	p0 =	seq.s32 s5, $0x0;
	s5 =	sld [smem:$0x3FB2]  }
0x2b: {  	s6 =	sld [smem:$0x3FB3]  }
0x2c: {  	s7 =	sld [smem:$0x3FB4]  }
0x2d: {  	s3 =	simm.s32 $0x108;
	s8 =	sld [smem:$0x3FB5]  }
0x2e: {  	s3 =	simm.s32 @!p0 $0x1082;
	s9 =	sld [smem:$0x3FB6]  }
0x2f: {  	lr =	sadd.s32 s0, s3;
	s0 =	sld [smem:$0x3FAD]  }
0x30: {  	s3 =	sld [smem:$0x3FB0]  }
0x31: {  	[smem:$0x3FB9] =	sst s10  }
0x32: {  	s10 =	sld [smem:$0x3FB7];
	_ =	sdelay $0x3  }
0x33: {  	p0 =	seq.s32 s10, $0x1;
	s10 =	sld [smem:$0x3FB9];
	_ =	sdelay $0x3  }
0x34: {  	[smem:$0x3FB9] =	sst s10  }
0x35: {  	s10 =	sld [smem:$0x3FB8];
	_ =	sdelay $0x3  }
0x36: {  	p1 =	seq.s32 s10, $0x1;
	s10 =	sld [smem:$0x3FB9];
	_ =	sdelay $0x3  }
0x37: {  	[smem:$0x3FB9] =	sst s10  }
0x38: {  	s10 =	sld [smem:$0x3FBA]  }
0x39: {  	_ = 	snop;
	(pc) =	sbr.ind lr, $3  }
0x3a: {  	_ = 	snop  }
0x3b: {  	_ = 	snop  }
0x3c: {  	p2 =	seq.s32 s10, $0x1;
	s10 =	sld [smem:$0x3FB9]  }
0x3d: {  	_ =	shalt  }
0x3e: {  	_ =	shalt  }
0x3f: {  	_ =	shalt  }
0x40: {  	_ =	shalt  }
0x41: {  	_ =	shalt  }
0x42: {  	_ =	shalt  }
0x43: {  	_ =	shalt  }
0x44: {  	_ =	shalt  }
0x45: {  	_ =	shalt  }
0x46: {  	_ =	shalt  }
0x47: {  	_ =	shalt  }
0x48: {  	_ =	shalt  }
0x49: {  	_ =	shalt  }
0x4a: {  	_ =	shalt  }
0x4b: {  	_ =	shalt  }
0x4c: {  	_ =	shalt  }
0x4d: {  	_ =	shalt  }
0x4e: {  	_ =	shalt  }
0x4f: {  	_ =	shalt  }
0x50: {  	_ =	shalt  }
0x51: {  	_ =	shalt  }
0x52: {  	_ =	shalt  }
0x53: {  	_ =	shalt  }
0x54: {  	_ =	shalt  }
0x55: {  	_ =	shalt  }
0x56: {  	_ =	shalt  }
0x57: {  	_ =	shalt  }
0x58: {  	_ =	shalt  }
0x59: {  	_ =	shalt  }
0x5a: {  	_ =	shalt  }
0x5b: {  	_ =	shalt  }
0x5c: {  	_ =	shalt  }
0x5d: {  	_ =	shalt  }
0x5e: {  	_ =	shalt  }
0x5f: {  	_ =	shalt  }
0x60: {  	_ =	shalt  }
0x61: {  	_ =	shalt  }
0x62: {  	_ =	shalt  }
0x63: {  	_ =	shalt  }
0x64: {  	_ =	shalt  }
0x65: {  	_ =	shalt  }
0x66: {  	_ =	shalt  }
0x67: {  	_ =	shalt  }
0x68: {  	_ =	shalt  }
0x69: {  	_ =	shalt  }
0x6a: {  	_ =	shalt  }
0x6b: {  	_ =	shalt  }
0x6c: {  	_ =	shalt  }
0x6d: {  	_ =	shalt  }
0x6e: {  	_ =	shalt  }
0x6f: {  	_ =	shalt  }
0x70: {  	_ =	shalt  }
0x71: {  	_ =	shalt  }
0x72: {  	_ =	shalt  }
0x73: {  	_ =	shalt  }
0x74: {  	_ =	shalt  }
0x75: {  	_ =	shalt  }
0x76: {  	_ =	shalt  }
0x77: {  	_ =	shalt  }
0x78: {  	_ =	shalt  }
0x79: {  	_ =	shalt  }
0x7a: {  	_ =	shalt  }
0x7b: {  	_ =	shalt  }
0x7c: {  	_ =	shalt  }
0x7d: {  	_ =	shalt  }
0x7e: {  	_ =	shalt  }
0x7f: {  	_ =	shalt  }
0x80: {  	_ =	shalt  }
0x81: {  	_ =	shalt  }
0x82: {  	_ =	shalt  }
0x83: {  	_ =	shalt  }
0x84: {  	_ =	shalt  }
0x85: {  	_ =	shalt  }
0x86: {  	_ =	shalt  }
0x87: {  	_ =	shalt  }
.Lfunc_end0:
.L_simem_size_0:
called_computation_lowered:
.L_overlay_start_0:
0x88: {  	s2 =	sld [smem:$0x3FD9]  }
0x89: {  	s3 =	sld [smem:$0x3FFE];
	_ =	sdelay $0x1  }
0x8a: {  	s1 =	srdreg.scid  }
0x8b: {  	s0 =	sand.u32 $0x1, s1  }
0x8c: {  	s17 =	sshll.u32 s0, $0xA;
	s2 =	sadd.s32 s3, s2  }
0x8d: {  	s2 =	sadd.s32 s2, s17  }
0x8e: {  	[smem:$0x3FC5] =	sst s2  }
0x8f: {  	_ = 	snop  }
0x90: {  	s2 =	sld [smem:$0x3FD0];
	(tm) =	ssettm $0x1  }
0x91: {  	s18 =	sld [smem:$0x3FFB];
	_ =	sdelay $0x3  }
0x92: {  	_ =	strace s18  }
0x93: {  	s3 =	sld [smem:$0x3FFC];
	_ =	sdelay $0x3  }
0x94: {  	_ =	strace s3  }
0x95: {  	s3 =	sld [smem:$0x3FFD];
	_ =	sdelay $0x3  }
0x96: {  	_ =	strace s3  }
0x97: {  	_ =	strace $0x8FFFFFFF  }
0x98: {  	s19 =	sld [smem:$0x3FDB];
	_ =	sdelay $0x1  }
0x99: {  	s4 =	simm.s32 $_scs_section_size  }
0x9a: {  	s5 =	simm.s32 $_size__tile_overlayer_lowered;
	s6 =	simm.s32 $_tile_overlayer_lowered  }
0x9b: {  	s22 =	simm.s32 $0x1BFF;
	s21 =	sshll.u32 s6, $0x1;
	s3 =	sadd.s32 s4, s19  }
0x9c: {  	s7 =	simm.s32 $0x0;
	s20 =	sshll.u32 s5, $0x1;
	s5 =	sadd.s32 s21, s3  }
0x9d: {  	[timem:s7], [sflag:s22] =	dma.local [hbm:s5], s20  }
0x9e: {  	_ =	swait.ge [sflag:s22], s20  }
0x9f: {  	s4 =	ssub.s32 $0x0, s20;
	[sflag:s22] =	ssyncset.done $0x0  }
0xa0: {  	[sflag:s22] =	ssyncadd.s32 s4;
	_ =	sdelay $0x1  }
0xa1: {  	s23 =	simm.s32 $0x1B8B  }
0xa2: {  	_ =	swait.ge [sflag:s23], $0x1  }
0xa3: {  	[sflag:s23] =	ssyncset.done $0x0  }
0xa4: {  	s25 =	simm.s32 $0x1B8E;
	s24 =	sld [smem:$0x3FFE];
	[sflag:s23] =	ssyncadd.s32 $0xFFFFFFFF  }
0xa5: {  	s26 =	simm.s32 $execute0_lowered;
	[smem:$0x3FD2] =	sst s25  }
0xa6: {  	s5 =	sshll.u32 s26, $0x1;
	_ =	strace $0x80000046;
	[dreg:$0x1] =	wrdreg $0xFFFFFFFF  }
0xa7: {  	s28 =	simm.s32 $_size_execute0_lowered;
	s3 =	sadd.s32 s3, s5;
	[dreg:$0x0] =	wrdreg $0x0  }
0xa8: {  	s5 =	sshll.u32 s28, $0x1;
	[dreg:$0x2] =	wrdreg s3  }
0xa9: {  	[dreg:$0x3] =	wrdreg s5  }
0xaa: {  	[dreg:$0x4] =	wrdreg $0xC0  }
0xab: {  	_ =	task [dreg:s7], $0x5FFFF  }
0xac: {  	[dreg:$0x1] =	wrdreg $0xFFFFFFFF  }
0xad: {  	[dreg:$0x0] =	wrdreg $0x60  }
0xae: {  	[dreg:$0x2] =	wrdreg s2  }
0xaf: {  	[dreg:$0x3] =	wrdreg s24  }
0xb0: {  	[dreg:$0x4] =	wrdreg $0x9  }
0xb1: {  	_ =	task.clear_ibuf [dreg:s7], $0x5FFFF;
	_ =	strace $0x90000046  }
0xb2: {  	s29 =	simm.s32 $0x9;
	_ =	strace $0x80000048  }
0xb3: {  	_ =	swait.ge [sflag:s29], $0x1  }
0xb4: {  	[sflag:s29] =	ssyncadd.s32 $0xFFFFFFFF  }
0xb5: {  	_ =	strace $0x90000048  }
0xb6: {  	_ =	sfence  }
0xb7: {  	s30 =	sld [smem:$0x0];
	_ =	sdelay $0x2  }
0xb8: {  	s31 =	sshll.u32 s1, $0xD;
	s1 =	sshrl.u32 s1, $0x2  }
0xb9: {  	s3 =	sand.u32 $0x4000, s31;
	s1 =	sadd.s32 s1, s30  }
0xba: {  	s0 =	sor.u32 s3, s0;
	s1 =	sshll.u32 s1, $0x11  }
0xbb: {  	s0 =	sor.u32 s1, s0  }
0xbc: {  	s0 =	sadd.s32 $0x8F2B, s0  }
0xbd: {  	[sflag:s0] =	ssyncadd.remote.s32 $0x1  }
0xbe: {  	_ =	sfence.sel $0xFFFF  }
0xbf: {  	[dreg:$0x0] =	wrdreg $0xFFFFFFFF;
	(pc) =	sbr.abs _section_cstart, $3  }
0xc0: {  	[dreg:$0x1] =	wrdreg $0xFFFFFFFF  }
0xc1: {  	_ =	task.clear_ibuf [dreg:s7], $0x2FFFF;
	_ =	strace $0x9FFFFFFF  }
0xc2: {  	(tm) =	ssettm $0x7FFFFFFF  }
0xc3: {  	_ =	shalt  }
tec
execute0_lowered:
.L_overlay_start_1:
0x0: {  	(tag) =	ssettag $0x1  }
0x1: {  	s2 =	rddreg [dreg:$0x0]  }
0x2: {  	s6 =	rddreg [dreg:$0x1]  }
0x3: {  	s3 =	srdreg.scid;
	s1 =	stileid.u32;
	s10 =	simm.s32 $0x80  }
0x4: {  	s11 =	simm.s32 $0x400;
	s12 =	simm.s32 $0x4000;
	s13 =	simm.s32 $0x1  }
0x5: {  	s14 =	simm.s32 $0xD000;
	s15 =	simm.s32 $0xD100;
	s16 =	simm.s32 $0x8000  }
0x6: {  	s17 =	simm.s32 $0x800000;
	s18 =	simm.s32 $0xD180;
	s19 =	simm.s32 $0x2  }
0x7: {  	s20 =	simm.s32 $0x3;
	s21 =	simm.s32 $0x0;
	s5 =	sand.u32 $0x1, s3  }
0x8: {  	v0 =	vlaneseq.u32;
	s3 =	simm.s32 $0x0;
	s4 =	sshll.u32 s1, $0x6;
	s7 =	sshll.u32 s5, $0x5  }
.Ltmp0:
0x9: {  	v2 =	vimm.s32 $0x0;
	v3 =	vimm.s32 $0x1;
	v11 =	vimm.s32 $0xFF;
	[smem:$0x7FF] =	sst s3;
	s4 =	sor.u32 s7, s4;
	(pc) =	sbr.rel .LBB2_1-.Ltmp0, $4  }
0xa: {  	v14 =	vimm.s32 $0x80;
	v1 =	vmul.u32 $0x100, v0;
	v4 =	vor.u32 $0x10, v0;
	s30 =	ssub.s32 $0x2, s5;
	_ =	strace $0x80000047;
	s31 =	sshll.u32 s4, $0xB  }
0xb: {  	v5 =	vor.u32 $0x20, v0;
	v6 =	vor.u32 $0x30, v0;
	v12 =	vmul.u32 $0xFFFFFFFF, v0;
	s9 =	sshrl.u32 s30, $0x1;
	s8 =	sshrl.u32 s4, $0x3;
	s5 =	sadd.s32 s2, s31  }
0xc: {  	v7 =	vor.u32 $0x40, v0;
	v8 =	vor.u32 $0x50, v0;
	v9 =	vor.u32 $0x60, v0;
	s9 =	ssub.s32 s30, s9;
	s8 =	sadd.s32 s8, s6;
	s6 =	sadd.s32 $0x10, s5  }
0xd: {  	v10 =	vor.u32 $0x70, v0;
	v13 =	vor.u32 $0xFFFFFFF0, v0;
	v12 =	vadd.s32 $0xF, v12;
	s7 =	sadd.s32 $0x1400, s8;
	s8 =	smax.u32 s9, $0x1;
	s9 =	simm.s32 $0xC000  }
.LBB2_41:
0xe: {  	_ =	swait.ge [sflag:s13], $0x4000  }
0xf: {  	[sflag:s13] =	ssyncset.done $0x0  }
0x10: {  	[sflag:s13] =	ssyncadd.s32 $0xFFFFC000  }
0x11: {  	s21 =	sadd.s32 $0x1, s21;
	_ =	swait.ge [sflag:s19], $0x4000  }
0x12: {  	p0 =	sne.s32 s21, s8;
	[sflag:s19] =	ssyncset.done $0x0  }
.Ltmp1:
0x13: {  	[sflag:s19] =	ssyncadd.s32 $0xFFFFC000;
	(pc) =	sbr.rel @!p0 .LBB2_42-.Ltmp1, $4  }
0x14: {  	[hbm4b:s7+s3] =	stream.linear.scatter [tilespmem:s18], [sflag:$0x3], $0x20, $0x38;
	[tilespmem:$0xD200] =	vst v63  }
0x15: {  	_ =	swait.ge [sflag:s20], $0x20  }
0x16: {  	[sflag:s20] =	ssyncset.done $0x0  }
0x17: {  	[sflag:s20] =	ssyncadd.s32 $0xFFFFFFE0  }
.LBB2_1:
0x18: {  	v17 =	vor.u32 s3, v1  }
0x19: {  	s22 =	simm.s32 $0x7  }
0x1a: {  	s29 =	simm.s32 $0x6;
	v20 =	vor.u32 s22, v1  }
0x1b: {  	s23 =	simm.s32 $0x5;
	v15 =	vor.u32 s29, v1  }
0x1c: {  	s30 =	simm.s32 $0x4;
	v16 =	vor.u32 s23, v1  }
0x1d: {  	s31 =	simm.s32 $0x3;
	[tilespmem:v17+s9+$0x0] =	vst.idx.msk $0xffff, v2;
	v17 =	vor.u32 s30, v1  }
0x1e: {  	s24 =	simm.s32 $0x2;
	v18 =	vor.u32 s31, v1  }
0x1f: {  	s23 =	simm.s32 $0x1;
	v19 =	vor.u32 s24, v1;
	s22 =	simm.s32 $0x8;
	[tilespmem:v20+s9+$0x0] =	vst.idx.msk $0xffff, v2  }
.LBB2_2:
0x20: {  	p0 =	slt.u32 s22, $0xF8;
	v20 =	vor.u32 s23, v1;
	[tilespmem:v15+s9+$0x0] =	vst.idx.msk $0xffff, v2  }
0x21: {  	v21 =	vor.u32 s22, v1;
	s23 =	sadd.s32 $0x7, s22;
	[tilespmem:v16+s9+$0x0] =	vst.idx.msk $0xffff, v2  }
0x22: {  	s24 =	sadd.s32 $0x6, s22;
	v22 =	vor.u32 s23, v1;
	[tilespmem:v17+s9+$0x0] =	vst.idx.msk $0xffff, v2  }
.Ltmp2:
0x23: {  	s23 =	sadd.s32 $0x5, s22;
	v15 =	vor.u32 s24, v1;
	[tilespmem:v18+s9+$0x0] =	vst.idx.msk $0xffff, v2;
	(pc) =	sbr.rel @p0 .LBB2_2-.Ltmp2, $4  }
0x24: {  	s24 =	sadd.s32 $0x4, s22;
	v16 =	vor.u32 s23, v1;
	[tilespmem:v19+s9+$0x0] =	vst.idx.msk $0xffff, v2  }
0x25: {  	s23 =	sadd.s32 $0x3, s22;
	v17 =	vor.u32 s24, v1;
	[tilespmem:v20+s9+$0x0] =	vst.idx.msk $0xffff, v2  }
0x26: {  	s24 =	sadd.s32 $0x2, s22;
	v18 =	vor.u32 s23, v1;
	[tilespmem:v21+s9+$0x0] =	vst.idx.msk $0xffff, v2  }
0x27: {  	s23 =	sadd.s32 $0x1, s22;
	s22 =	sadd.s32 $0x8, s22;
	v19 =	vor.u32 s24, v1;
	[tilespmem:v22+s9+$0x0] =	vst.idx.msk $0xffff, v2  }
0x28: {  	_ =	sdelay $0x3  }
0x29: {  	v20 =	vor.u32 s23, v1;
	[tilespmem:v15+s9+$0x0] =	vst.idx.msk $0xffff, v2  }
0x2a: {  	[tilespmem:v16+s9+$0x0] =	vst.idx.msk $0xffff, v2  }
0x2b: {  	[tilespmem:v17+s9+$0x0] =	vst.idx.msk $0xffff, v2  }
0x2c: {  	[tilespmem:v18+s9+$0x0] =	vst.idx.msk $0xffff, v2  }
.Ltmp3:
0x2d: {  	[tilespmem:v19+s9+$0x0] =	vst.idx.msk $0xffff, v2;
	(pc) =	sbr.rel .LBB2_4-.Ltmp3, $4  }
0x2e: {  	s22 =	simm.s32 $0x0;
	[tilespmem:v20+s9+$0x0] =	vst.idx.msk $0xffff, v2  }
0x2f: {  	[tilespmem:s22], [sflag:$0x1] =	stream.strided.gather [hbm4b:s5+s10], $0x4000, s11, s10, $0x38;
	[tilespmem:$0xD200] =	vst v63  }
0x30: {  	s23 =	simm.s32 $0x0  }
0x31: {  	[tilespmem:s12], [sflag:$0x2] =	stream.strided.gather [hbm4b:s6+s10], $0x4000, s11, s10, $0x38;
	[tilespmem:$0xD200] =	vst v63  }
.LBB2_40:
0x32: {  	s0 =	sor.u32 $0x1, s24  }
0x33: {  	s23 =	sadd.s32 $0x1, s23;
	v16 =	vmov s0  }
0x34: {  	s31 =	sadd.s32 $0x3, s24;
	p0 =	sne.s32 s23, $0x10  }
.Ltmp4:
0x35: {  	v15 =	vshll.u32 v15, $0x18;
	s24 =	sand.u32 $0x18, s31;
	s0 =	sshll.u32 s31, $0x4;
	(pc) =	sbr.rel @!p0 .LBB2_41-.Ltmp4, $4  }
0x36: {  	v15 =	vor.u32 v15, v17;
	s24 =	sor.u32 s4, s24;
	s0 =	sand.u32 $0x70, s0  }
0x37: {  	v15 =	vxor.u32 $0x80000000, v15;
	s24 =	sshll.u32 s24, $0xB;
	s0 =	sadd.s32 s2, s0  }
0x38: {  	s0 =	sadd.s32 s24, s0;
	[tilespmem:v16+s18+$0x0] =	vst.idx.msk $0x1, v15  }
0x39: {  	[tilespmem:s12], [sflag:$0x2] =	stream.strided.gather [hbm4b:s0+s10], $0x4000, s11, s10, $0x38;
	[tilespmem:$0xD200] =	vst v63  }
.LBB2_4:
0x3a: {  	v15 =	vmov s22  }
0x3b: {  	v15 =	vshrl.u32 v15, $0x7  }
0x3c: {  	v15 =	vshll.u32 v15, $0x7  }
0x3d: {  	v15 =	vbroadcast v15, $0x0;
	_ =	sdelay $0x1  }
0x3e: {  	v16 =	vor.u32 v10, v15  }
0x3f: {  	v17 =	vor.u32 v0, v15  }
0x40: {  	_ =	swait.ge [sflag:s13], $0x4000;
	v18 =	vor.u32 v4, v15  }
0x41: {  	[sflag:s13] =	ssyncset.done $0x0;
	v19 =	vor.u32 v5, v15  }
0x42: {  	[sflag:s13] =	ssyncadd.s32 $0xFFFFC000;
	v20 =	vor.u32 v6, v15  }
0x43: {  	v21 =	vor.u32 v7, v15;
	v16 =	vld.idx.msk [tilespmem:v16+s22+$0x0], $0xffff  }
0x44: {  	v22 =	vor.u32 v8, v15;
	v17 =	vld.idx.msk [tilespmem:v17+s22+$0x0], $0xffff  }
0x45: {  	v15 =	vor.u32 v9, v15;
	v18 =	vld.idx.msk [tilespmem:v18+s22+$0x0], $0xffff  }
0x46: {  	v19 =	vld.idx.msk [tilespmem:v19+s22+$0x0], $0xffff  }
0x47: {  	v20 =	vld.idx.msk [tilespmem:v20+s22+$0x0], $0xffff  }
0x48: {  	v21 =	vld.idx.msk [tilespmem:v21+s22+$0x0], $0xffff  }
0x49: {  	v22 =	vld.idx.msk [tilespmem:v22+s22+$0x0], $0xffff  }
0x4a: {  	v15 =	vld.idx.msk [tilespmem:v15+s22+$0x0], $0xffff;
	_ =	sdelay $0x1  }
0x4b: {  	v16 =	vshrl.u32 v16, $0x18  }
0x4c: {  	v17 =	vshrl.u32 v17, $0x18;
	v18 =	vshrl.u32 v18, $0x18;
	v19 =	vshrl.u32 v19, $0x18  }
0x4d: {  	v20 =	vshrl.u32 v20, $0x18;
	v21 =	vshrl.u32 v21, $0x18;
	v22 =	vshrl.u32 v22, $0x18  }
0x4e: {  	v15 =	vshrl.u32 v15, $0x18;
	v23 =	vxor.u32 v0, v16;
	v16 =	vand.u32 $0x80, v16  }
0x4f: {  	s24 =	simm.s32 $0x80;
	v24 =	vxor.u32 v0, v17;
	v23 =	vand.u32 $0x7F, v23;
	v16 =	vor.u32 v1, v16  }
0x50: {  	v17 =	vand.u32 $0x80, v17;
	v16 =	vor.u32 v23, v16;
	v23 =	vmov s24  }
0x51: {  	v25 =	vxor.u32 v0, v18;
	v18 =	vand.u32 $0x80, v18;
	v23 =	vshrl.u32 v23, $0x7  }
0x52: {  	v26 =	vxor.u32 v0, v19;
	v19 =	vand.u32 $0x80, v19;
	v23 =	vshll.u32 v23, $0x7  }
0x53: {  	v27 =	vxor.u32 v0, v20;
	v20 =	vand.u32 $0x80, v20;
	v23 =	vbroadcast v23, $0x0  }
0x54: {  	v36 =	vxor.u32 v0, v22;
	v22 =	vand.u32 $0x80, v22;
	v37 =	vxor.u32 v0, v15  }
0x55: {  	v15 =	vand.u32 $0x80, v15;
	v24 =	vand.u32 $0x7F, v24;
	v30 =	vor.u32 v10, v23  }
0x56: {  	v18 =	vor.u32 v1, v18;
	v26 =	vand.u32 $0x7F, v26;
	v28 =	vor.u32 v0, v23  }
0x57: {  	v19 =	vor.u32 v1, v19;
	v27 =	vand.u32 $0x7F, v27;
	v29 =	vor.u32 v4, v23  }
0x58: {  	v20 =	vor.u32 v1, v20;
	v22 =	vor.u32 v1, v22;
	v31 =	vor.u32 v5, v23  }
0x59: {  	v62 =	vand.u32 $0x7F, v37;
	v32 =	vor.u32 v6, v23;
	v33 =	vor.u32 v7, v23;
	[tilespmem:v16+s9+$0x0] =	vst.idx.add.s32.msk $0xffff, v3  }
0x5a: {  	v34 =	vor.u32 v8, v23;
	v16 =	vor.u32 v1, v17;
	v17 =	vand.u32 $0x7F, v25;
	v25 =	vld.idx.msk [tilespmem:v30+s22+$0x0], $0xffff  }
0x5b: {  	v35 =	vor.u32 v9, v23;
	v23 =	vxor.u32 v0, v21;
	v21 =	vand.u32 $0x80, v21;
	v28 =	vld.idx.msk [tilespmem:v28+s22+$0x0], $0xffff  }
0x5c: {  	v21 =	vor.u32 v1, v21;
	v63 =	vor.u32 v24, v16;
	v18 =	vor.u32 v17, v18;
	v38 =	vld.idx.msk [tilespmem:v29+s22+$0x0], $0xffff  }
0x5d: {  	v16 =	vor.u32 v1, v15;
	v15 =	vor.u32 v26, v19;
	v17 =	vor.u32 v27, v20;
	v31 =	vld.idx.msk [tilespmem:v31+s22+$0x0], $0xffff  }
0x5e: {  	v16 =	vor.u32 v62, v16;
	v30 =	vand.u32 $0x7F, v23;
	v29 =	vand.u32 $0x7F, v36;
	v23 =	vld.idx.msk [tilespmem:v32+s22+$0x0], $0xffff  }
0x5f: {  	v24 =	vld.idx.msk [tilespmem:v33+s22+$0x0], $0xffff;
	v21 =	vor.u32 v30, v21;
	v19 =	vor.u32 v29, v22;
	v20 =	vshrl.u32 v25, $0x18  }
0x60: {  	v25 =	vld.idx.msk [tilespmem:v34+s22+$0x0], $0xffff;
	v29 =	vshrl.u32 v28, $0x18;
	v22 =	vxor.u32 v0, v20;
	v20 =	vand.u32 $0x80, v20  }
0x61: {  	v26 =	vld.idx.msk [tilespmem:v35+s22+$0x0], $0xffff;
	v28 =	vshrl.u32 v38, $0x18;
	v22 =	vand.u32 $0x7F, v22;
	v30 =	vor.u32 v1, v20  }
0x62: {  	s25 =	simm.s32 $0x100;
	s24 =	simm.s32 $0x8;
	[tilespmem:v63+s9+$0x0] =	vst.idx.add.s32.msk $0xffff, v3;
	v27 =	vshrl.u32 v31, $0x18;
	v20 =	vxor.u32 v0, v29;
	v22 =	vor.u32 v22, v30  }
.LBB2_5:
0x63: {  	v30 =	vmov s25;
	s24 =	sadd.s32 $0x8, s24;
	v29 =	vand.u32 $0x80, v29;
	v23 =	vshrl.u32 v23, $0x18;
	[tilespmem:v18+s9+$0x0] =	vst.idx.add.s32.msk $0xffff, v3  }
0x64: {  	v24 =	vshrl.u32 v24, $0x18;
	v18 =	vshrl.u32 v30, $0x7;
	p0 =	slt.u32 s24, $0x3F8;
	v30 =	vxor.u32 v0, v28;
	[tilespmem:v15+s9+$0x0] =	vst.idx.add.s32.msk $0xffff, v3  }
0x65: {  	v25 =	vshrl.u32 v25, $0x18;
	v15 =	vshll.u32 v18, $0x7;
	v18 =	vand.u32 $0x80, v28;
	[tilespmem:v17+s9+$0x0] =	vst.idx.add.s32.msk $0xffff, v3  }
0x66: {  	v17 =	vxor.u32 v0, v27;
	v26 =	vshrl.u32 v26, $0x18;
	v15 =	vbroadcast v15, $0x0;
	[tilespmem:v21+s9+$0x0] =	vst.idx.add.s32.msk $0xffff, v3  }
0x67: {  	v21 =	vand.u32 $0x80, v27;
	v27 =	vxor.u32 v0, v23;
	v23 =	vand.u32 $0x80, v23;
	[tilespmem:v22+s9+$0x0] =	vst.idx.add.s32.msk $0xffff, v3  }
0x68: {  	v22 =	vor.u32 v0, v15;
	v28 =	vor.u32 v4, v15;
	v31 =	vor.u32 v10, v15  }
0x69: {  	v32 =	vor.u32 v5, v15;
	v33 =	vor.u32 v6, v15;
	v34 =	vor.u32 v7, v15  }
0x6a: {  	v35 =	vor.u32 v8, v15;
	v36 =	vor.u32 v9, v15;
	v15 =	vxor.u32 v0, v24  }
0x6b: {  	v37 =	vxor.u32 v0, v25;
	v25 =	vand.u32 $0x80, v25;
	v24 =	vand.u32 $0x80, v24;
	[tilespmem:v19+s9+$0x0] =	vst.idx.add.s32.msk $0xffff, v3  }
0x6c: {  	s26 =	simm.s32 $0x0;
	v19 =	vand.u32 $0x7F, v20;
	v20 =	vxor.u32 v0, v26;
	v26 =	vand.u32 $0x80, v26;
	[tilespmem:v16+s9+$0x0] =	vst.idx.add.s32.msk $0xffff, v3  }
0x6d: {  	v29 =	vor.u32 v1, v29;
	v30 =	vand.u32 $0x7F, v30;
	v18 =	vor.u32 v1, v18;
	v16 =	vld.idx.msk [tilespmem:v31+s26+$0x0], $0xffff  }
0x6e: {  	v17 =	vand.u32 $0x7F, v17;
	v21 =	vor.u32 v1, v21;
	v27 =	vand.u32 $0x7F, v27;
	v22 =	vld.idx.msk [tilespmem:v22+s26+$0x0], $0xffff  }
0x6f: {  	v38 =	vand.u32 $0x7F, v15;
	v39 =	vor.u32 v1, v24;
	v31 =	vor.u32 v1, v23;
	v28 =	vld.idx.msk [tilespmem:v28+s26+$0x0], $0xffff  }
0x70: {  	v37 =	vand.u32 $0x7F, v37;
	v40 =	vor.u32 v1, v25;
	v20 =	vand.u32 $0x7F, v20;
	v32 =	vld.idx.msk [tilespmem:v32+s26+$0x0], $0xffff  }
0x71: {  	v18 =	vor.u32 v30, v18;
	v26 =	vor.u32 v1, v26;
	v23 =	vld.idx.msk [tilespmem:v33+s26+$0x0], $0xffff;
	v33 =	vor.u32 v19, v29  }
.Ltmp5:
0x72: {  	v15 =	vor.u32 v17, v21;
	v21 =	vor.u32 v38, v39;
	v17 =	vor.u32 v27, v31;
	v24 =	vld.idx.msk [tilespmem:v34+s26+$0x0], $0xffff;
	(pc) =	sbr.rel @p0 .LBB2_5-.Ltmp5, $4  }
0x73: {  	v19 =	vor.u32 v37, v40;
	v27 =	vshrl.u32 v16, $0x18;
	v16 =	vor.u32 v20, v26;
	v25 =	vld.idx.msk [tilespmem:v35+s26+$0x0], $0xffff  }
0x74: {  	v29 =	vshrl.u32 v22, $0x18;
	v20 =	vxor.u32 v0, v27;
	v22 =	vand.u32 $0x80, v27;
	v26 =	vld.idx.msk [tilespmem:v36+s26+$0x0], $0xffff  }
0x75: {  	v28 =	vshrl.u32 v28, $0x18;
	v30 =	vand.u32 $0x7F, v20;
	v22 =	vor.u32 v1, v22  }
0x76: {  	s25 =	sadd.s32 $0x80, s25;
	v20 =	vxor.u32 v0, v29;
	v27 =	vshrl.u32 v32, $0x18;
	v22 =	vor.u32 v30, v22;
	[tilespmem:v33+s9+$0x0] =	vst.idx.add.s32.msk $0xffff, v3  }
0x77: {  	v29 =	vand.u32 $0x80, v29;
	v23 =	vshrl.u32 v23, $0x18  }
0x78: {  	v30 =	vxor.u32 v0, v28;
	v24 =	vshrl.u32 v24, $0x18;
	v28 =	vand.u32 $0x80, v28  }
0x79: {  	v31 =	vxor.u32 v0, v27;
	v27 =	vand.u32 $0x80, v27;
	v20 =	vand.u32 $0x7F, v20  }
0x7a: {  	v25 =	vshrl.u32 v25, $0x18;
	v32 =	vxor.u32 v0, v23;
	v23 =	vand.u32 $0x80, v23  }
0x7b: {  	v33 =	vxor.u32 v0, v24;
	v24 =	vand.u32 $0x80, v24;
	v29 =	vor.u32 v1, v29  }
0x7c: {  	s24 =	simm.s32 $0x10;
	s25 =	simm.s32 $0x0;
	[tilespmem:v15+s9+$0x0] =	vst.idx.add.s32.msk $0xffff, v3;
	v30 =	vand.u32 $0x7F, v30;
	v28 =	vor.u32 v1, v28;
	v31 =	vand.u32 $0x7F, v31  }
0x7d: {  	[tilespmem:v17+s9+$0x0] =	vst.idx.add.s32.msk $0xffff, v3;
	v27 =	vor.u32 v1, v27;
	v15 =	vmov s24;
	v17 =	vor.u32 s25, v0  }
0x7e: {  	v26 =	vshrl.u32 v26, $0x18;
	v34 =	vxor.u32 v0, v25;
	v25 =	vand.u32 $0x80, v25  }
0x7f: {  	v32 =	vand.u32 $0x7F, v32;
	v23 =	vor.u32 v1, v23;
	v33 =	vand.u32 $0x7F, v33  }
0x80: {  	v24 =	vor.u32 v1, v24;
	v29 =	vor.u32 v20, v29;
	v28 =	vor.u32 v30, v28  }
0x81: {  	v30 =	vor.u32 $0x100, v15;
	v60 =	vor.u32 $0xB00, v15;
	v47 =	vor.u32 $0xF00, v15  }
0x82: {  	vm13 =	vlt.u32 v15, $0x80;
	v35 =	vxor.u32 v0, v26;
	v26 =	vand.u32 $0x80, v26  }
0x83: {  	v34 =	vand.u32 $0x7F, v34;
	v25 =	vor.u32 v1, v25;
	v23 =	vor.u32 v32, v23  }
0x84: {  	v24 =	vor.u32 v33, v24;
	v30 =	vand.u32 $0x180, v30;
	v49 =	vsel vm13, $0x80, v11  }
0x85: {  	[tilespmem:v18+s9+$0x0] =	vst.idx.add.s32.msk $0xffff, v3;
	v18 =	vand.u32 $0x7F, v35;
	v20 =	vor.u32 v1, v26;
	v26 =	vor.u32 v31, v27  }
0x86: {  	v25 =	vor.u32 v34, v25;
	v27 =	vor.u32 v18, v20;
	v18 =	vmov s25  }
0x87: {  	[tilespmem:v21+s9+$0x0] =	vst.idx.add.s32.msk $0xffff, v3;
	v20 =	vor.u32 s24, v0;
	v31 =	vor.u32 $0xD00, v18;
	v21 =	vor.u32 $0xE00, v18  }
0x88: {  	[tilespmem:v22+s9+$0x0] =	vst.idx.add.s32.msk $0xffff, v3;
	v55 =	vor.u32 $0xF00, v18;
	v56 =	vor.u32 $0xA00, v18;
	v22 =	vor.u32 $0xB00, v18  }
0x89: {  	[tilespmem:v19+s9+$0x0] =	vst.idx.add.s32.msk $0xffff, v3;
	v57 =	vor.u32 $0xC00, v18;
	v58 =	vor.u32 $0x700, v18;
	v19 =	vor.u32 $0x800, v18  }
0x8a: {  	[tilespmem:v16+s9+$0x0] =	vst.idx.add.s32.msk $0xffff, v3;
	v36 =	vor.u32 $0x900, v18;
	v37 =	vor.u32 $0x400, v18;
	v16 =	vor.u32 $0x500, v18  }
0x8b: {  	v38 =	vor.u32 $0x600, v18;
	v39 =	vor.u32 $0x100, v18;
	v40 =	vor.u32 $0x300, v18;
	[tilespmem:v29+s9+$0x0] =	vst.idx.add.s32.msk $0xffff, v3  }
0x8c: {  	v41 =	vor.u32 $0x200, v18;
	v29 =	vand.u32 $0x6F, v17;
	[tilespmem:v28+s9+$0x0] =	vst.idx.add.s32.msk $0xffff, v3;
	v16 =	vand.u32 $0x580, v16  }
0x8d: {  	v28 =	vand.u32 $0x180, v39;
	v59 =	vand.u32 $0x280, v41;
	[tilespmem:v23+s9+$0x0] =	vst.idx.add.s32.msk $0xffff, v3;
	v16 =	vor.u32 v16, v29  }
0x8e: {  	v21 =	vand.u32 $0xE80, v21;
	[tilespmem:v26+s9+$0x0] =	vst.idx.add.s32.msk $0xffff, v3;
	v26 =	vor.u32 v28, v29;
	v16 =	vxor.u32 $0x5, v16  }
0x8f: {  	[tilespmem:v24+s9+$0x0] =	vst.idx.add.s32.msk $0xffff, v3;
	v28 =	vor.u32 v59, v29;
	v23 =	vxor.u32 $0x1, v26;
	v26 =	vand.u32 $0x380, v40  }
0x90: {  	[tilespmem:v25+s9+$0x0] =	vst.idx.add.s32.msk $0xffff, v3;
	v28 =	vxor.u32 $0x2, v28;
	v24 =	vor.u32 v26, v29;
	v26 =	vand.u32 $0x480, v37  }
0x91: {  	v19 =	vand.u32 $0x880, v19;
	[tilespmem:v27+s9+$0x0] =	vst.idx.add.s32.msk $0xffff, v3;
	v24 =	vxor.u32 $0x3, v24;
	v25 =	vor.u32 v26, v29  }
0x92: {  	v19 =	vor.u32 v19, v29;
	v27 =	vld.idx.msk [tilespmem:v17+s9+$0x0], $0xffff;
	v26 =	vand.u32 $0x680, v38;
	v25 =	vxor.u32 $0x4, v25  }
0x93: {  	v35 =	vand.u32 $0x780, v58;
	v19 =	vxor.u32 $0x8, v19;
	v26 =	vor.u32 v26, v29;
	v16 =	vld.idx.msk [tilespmem:v16+s9+$0x0], $0xffff  }
0x94: {  	v22 =	vand.u32 $0xB80, v22;
	v35 =	vor.u32 v35, v29;
	v26 =	vxor.u32 $0x6, v26;
	v23 =	vld.idx.msk [tilespmem:v23+s9+$0x0], $0xffff  }
0x95: {  	v36 =	vand.u32 $0x980, v36;
	v22 =	vor.u32 v22, v29;
	v35 =	vxor.u32 $0x7, v35;
	v28 =	vld.idx.msk [tilespmem:v28+s9+$0x0], $0xffff  }
0x96: {  	v33 =	vand.u32 $0xA80, v56;
	v36 =	vor.u32 v36, v29;
	v22 =	vxor.u32 $0xB, v22;
	v24 =	vld.idx.msk [tilespmem:v24+s9+$0x0], $0xffff  }
0x97: {  	v34 =	vand.u32 $0xC80, v57;
	v33 =	vor.u32 v33, v29;
	v36 =	vxor.u32 $0x9, v36;
	v25 =	vld.idx.msk [tilespmem:v25+s9+$0x0], $0xffff  }
0x98: {  	v31 =	vand.u32 $0xD80, v31;
	v34 =	vor.u32 v34, v29;
	v33 =	vxor.u32 $0xA, v33;
	v19 =	vld.idx.msk [tilespmem:v19+s9+$0x0], $0xffff  }
0x99: {  	v31 =	vor.u32 v31, v29;
	v34 =	vxor.u32 $0xC, v34;
	v26 =	vld.idx.msk [tilespmem:v26+s9+$0x0], $0xffff;
	v23 =	vadd.s32 v27, v23  }
0x9a: {  	v21 =	vor.u32 v21, v29;
	v27 =	vld.idx.msk [tilespmem:v35+s9+$0x0], $0xffff;
	v23 =	vadd.s32 v28, v23;
	v28 =	vxor.u32 $0xD, v31  }
0x9b: {  	v32 =	vand.u32 $0xF80, v55;
	v21 =	vxor.u32 $0xE, v21;
	v22 =	vld.idx.msk [tilespmem:v22+s9+$0x0], $0xffff;
	v23 =	vadd.s32 v24, v23  }
0x9c: {  	vm0 =	vlt.u32 v18, $0x80;
	v29 =	vor.u32 v32, v29;
	v24 =	vld.idx.msk [tilespmem:v36+s9+$0x0], $0xffff;
	v23 =	vadd.s32 v25, v23  }
0x9d: {  	v29 =	vxor.u32 $0xF, v29;
	v25 =	vld.idx.msk [tilespmem:v33+s9+$0x0], $0xffff;
	v16 =	vadd.s32 v16, v23;
	v23 =	vand.u32 $0x7F, v20  }
0x9e: {  	v31 =	vor.u32 $0x200, v15;
	v16 =	vadd.s32 v26, v16;
	v26 =	vld.idx.msk [tilespmem:v34+s9+$0x0], $0xffff;
	v30 =	vor.u32 v30, v23  }
0x9f: {  	v31 =	vand.u32 $0x280, v31;
	v16 =	vadd.s32 v27, v16;
	v27 =	vld.idx.msk [tilespmem:v28+s9+$0x0], $0xffff;
	v28 =	vxor.u32 $0x1, v30  }
0xa0: {  	v30 =	vor.u32 $0x300, v15;
	v16 =	vadd.s32 v19, v16;
	v19 =	vld.idx.msk [tilespmem:v21+s9+$0x0], $0xffff;
	v21 =	vor.u32 v31, v23  }
0xa1: {  	v30 =	vand.u32 $0x380, v30;
	v16 =	vadd.s32 v24, v16;
	v21 =	vxor.u32 $0x2, v21  }
0xa2: {  	v24 =	vld.idx.msk [tilespmem:v29+s9+$0x0], $0xffff;
	v29 =	vor.u32 $0x400, v15;
	v16 =	vadd.s32 v25, v16;
	v25 =	vor.u32 v30, v23  }
0xa3: {  	v29 =	vand.u32 $0x480, v29;
	v30 =	vor.u32 $0x900, v15;
	v16 =	vadd.s32 v22, v16  }
0xa4: {  	v22 =	vxor.u32 $0x3, v25;
	v25 =	vor.u32 $0x500, v15;
	v16 =	vadd.s32 v26, v16  }
0xa5: {  	v26 =	vor.u32 v29, v23;
	v25 =	vand.u32 $0x580, v25;
	v29 =	vor.u32 $0x600, v15  }
0xa6: {  	v16 =	vadd.s32 v27, v16;
	v27 =	vld.idx.msk [tilespmem:v20+s9+$0x0], $0xffff;
	v26 =	vxor.u32 $0x4, v26;
	v25 =	vor.u32 v25, v23  }
0xa7: {  	v16 =	vadd.s32 v19, v16;
	v19 =	vld.idx.msk [tilespmem:v28+s9+$0x0], $0xffff;
	v28 =	vand.u32 $0x680, v29;
	v29 =	vor.u32 $0x800, v15  }
0xa8: {  	v21 =	vld.idx.msk [tilespmem:v21+s9+$0x0], $0xffff;
	v16 =	vadd.s32 v24, v16;
	v24 =	vxor.u32 $0x5, v25;
	v25 =	vor.u32 $0x700, v15  }
0xa9: {  	p0 =	por $0x1, $0x1;
	s24 =	simm.s32 $0xF;
	s25 =	simm.s32 $0x8;
	v28 =	vor.u32 v28, v23;
	v29 =	vand.u32 $0x880, v29;
	(xrf0) =	vadd.scan.msk.s32 $0xffff, v16;
	v25 =	vand.u32 $0x780, v25;
	v22 =	vld.idx.msk [tilespmem:v22+s9+$0x0], $0xffff  }
0xaa: {  	s24 =	smov.u32 @p0 s25;
	v28 =	vxor.u32 $0x6, v28;
	v18 =	vor.u32 v25, v23;
	v25 =	vsel vm0, $0x80, v11  }
0xab: {  	v17 =	vxor.u32 v17, v25;
	v25 =	vld.idx.msk [tilespmem:v26+s9+$0x0], $0xffff;
	v26 =	vxor.u32 $0x7, v18;
	v18 =	vmov s24  }
0xac: {  	v19 =	vadd.s32 v27, v19;
	v27 =	vor.u32 v29, v23;
	v29 =	vand.u32 $0x980, v30  }
0xad: {  	v24 =	vld.idx.msk [tilespmem:v24+s9+$0x0], $0xffff;
	v21 =	vadd.s32 v21, v19;
	v27 =	vxor.u32 $0x8, v27;
	v19 =	vor.u32 $0xA00, v15  }
0xae: {  	v29 =	vor.u32 v29, v23;
	v31 =	vand.u32 $0xA80, v19;
	v21 =	vadd.s32 v22, v21  }
0xaf: {  	v28 =	vld.idx.msk [tilespmem:v28+s9+$0x0], $0xffff;
	v61 =	vxor.u32 $0x9, v29;
	v29 =	vand.u32 $0xB80, v60;
	v30, _, _ =	vpop (xrf0);
	v22 =	vor.u32 v31, v23  }
0xb0: {  	v19 =	vbroadcast v30, $0xF;
	v30 =	vor.u32 $0xC00, v15;
	v21 =	vadd.s32 v25, v21  }
0xb1: {  	v25 =	vxor.u32 $0xA, v22;
	v22 =	vor.u32 v29, v23;
	v29 =	vand.u32 $0xC80, v30  }
0xb2: {  	s29 =	simm.s32 $0x20;
	v30 =	vor.u32 $0xD00, v15;
	v21 =	vadd.s32 v24, v21;
	v24 =	vxor.u32 $0xB, v22  }
0xb3: {  	s26 =	simm.s32 $0x50;
	[tilespmem:v17+s14+$0x0] =	vst.idx.msk $0xffff, v16;
	v22 =	vor.u32 v29, v23;
	v29 =	vand.u32 $0xD80, v30;
	v30 =	vmov s29  }
0xb4: {  	[tilespmem:v18+s15+$0x0] =	vst.idx.msk $0x1, v19;
	v19 =	vmov s26;
	v18 =	vor.u32 s26, v0;
	v21 =	vadd.s32 v28, v21  }
0xb5: {  	s25 =	simm.s32 $0x9;
	s24 =	simm.s32 $0xE;
	v22 =	vxor.u32 $0xC, v22;
	v28 =	vor.u32 $0xE00, v15;
	v31 =	vor.u32 v29, v23  }
0xb6: {  	s24 =	smov.u32 @p0 s25;
	v29 =	vor.u32 s29, v0;
	v62 =	vor.u32 $0x100, v30;
	v44 =	vor.u32 $0x200, v30  }
0xb7: {  	v45 =	vld.idx.msk [tilespmem:v27+s9+$0x0], $0xffff;
	v27 =	vor.u32 $0x300, v30;
	v15 =	vmov s24;
	v52 =	vor.u32 $0xD00, v30  }
0xb8: {  	v53 =	vor.u32 $0xE00, v30;
	v54 =	vor.u32 $0xF00, v30;
	v55 =	vor.u32 $0xA00, v30  }
0xb9: {  	v56 =	vor.u32 $0xB00, v30;
	v42 =	vor.u32 $0xC00, v30;
	v43 =	vor.u32 $0x700, v30  }
0xba: {  	v57 =	vor.u32 $0x800, v30;
	v58 =	vor.u32 $0x400, v30;
	v59 =	vor.u32 $0x600, v30  }
0xbb: {  	vm14 =	vlt.u32 v30, $0x80;
	v63 =	vand.u32 $0x6F, v29;
	v32 =	vand.u32 $0x180, v62  }
0xbc: {  	v35 =	vand.u32 $0x280, v44;
	v27 =	vand.u32 $0x380, v27;
	v46 =	vand.u32 $0xE80, v28  }
0xbd: {  	v26 =	vld.idx.msk [tilespmem:v26+s9+$0x0], $0xffff;
	v28 =	vxor.u32 $0xD, v31;
	v31 =	vand.u32 $0xF80, v47;
	v44 =	vor.u32 $0x900, v30  }
0xbe: {  	v39 =	vand.u32 $0xF80, v54;
	v38 =	vand.u32 $0xE80, v53;
	v43 =	vand.u32 $0x780, v43  }
0xbf: {  	v40 =	vand.u32 $0xA80, v55;
	v41 =	vand.u32 $0xB80, v56;
	v32 =	vor.u32 v32, v63  }
0xc0: {  	v42 =	vand.u32 $0xC80, v42;
	v35 =	vor.u32 v35, v63;
	v32 =	vxor.u32 $0x1, v32  }
0xc1: {  	v37 =	vand.u32 $0xD80, v52;
	v27 =	vor.u32 v27, v63;
	v35 =	vxor.u32 $0x2, v35  }
0xc2: {  	v21 =	vadd.s32 v26, v21;
	v26 =	vor.u32 v46, v23;
	v23 =	vor.u32 v31, v23  }
0xc3: {  	p0 =	por $0x1, $0x1;
	s25 =	simm.s32 $0xA;
	v33 =	vld.idx.msk [tilespmem:v61+s9+$0x0], $0xffff;
	s24 =	simm.s32 $0xD;
	v43 =	vor.u32 v43, v63;
	v44 =	vand.u32 $0x980, v44;
	v40 =	vor.u32 v40, v63  }
0xc4: {  	s24 =	smov.u32 @p0 s25;
	v41 =	vor.u32 v41, v63;
	v42 =	vor.u32 v42, v63;
	v37 =	vor.u32 v37, v63;
	v31 =	vld.idx.msk [tilespmem:v29+s9+$0x0], $0xffff  }
0xc5: {  	v38 =	vor.u32 v38, v63;
	v34 =	vor.u32 v39, v63;
	v46 =	vmov s24;
	v32 =	vld.idx.msk [tilespmem:v32+s9+$0x0], $0xffff  }
0xc6: {  	v48 =	vxor.u32 $0x3, v27;
	v27 =	vxor.u32 $0xE, v26;
	v26 =	vxor.u32 $0xF, v23;
	v35 =	vld.idx.msk [tilespmem:v35+s9+$0x0], $0xffff  }
0xc7: {  	v43 =	vxor.u32 $0x7, v43;
	v44 =	vor.u32 v44, v63;
	v40 =	vxor.u32 $0xA, v40  }
0xc8: {  	v41 =	vxor.u32 $0xB, v41;
	v42 =	vxor.u32 $0xC, v42;
	v37 =	vxor.u32 $0xD, v37  }
0xc9: {  	v25 =	vld.idx.msk [tilespmem:v25+s9+$0x0], $0xffff;
	v38 =	vxor.u32 $0xE, v38;
	v34 =	vxor.u32 $0xF, v34;
	v21 =	vadd.s32 v45, v21  }
0xca: {  	v45 =	vor.u32 $0x500, v30;
	v44 =	vxor.u32 $0x9, v44;
	v31 =	vadd.s32 v31, v32  }
0xcb: {  	v21 =	vadd.s32 v33, v21;
	v31 =	vadd.s32 v35, v31;
	v35 =	vand.u32 $0x480, v58  }
0xcc: {  	v45 =	vand.u32 $0x580, v45;
	v33 =	vand.u32 $0x680, v59;
	v35 =	vor.u32 v35, v63  }
0xcd: {  	v45 =	vor.u32 v45, v63;
	v33 =	vor.u32 v33, v63;
	v35 =	vxor.u32 $0x4, v35  }
0xce: {  	s30 =	simm.s32 $0x30;
	v24 =	vld.idx.msk [tilespmem:v24+s9+$0x0], $0xffff;
	v23 =	vadd.s32 v25, v21;
	v25 =	vxor.u32 v20, v49;
	v45 =	vxor.u32 $0x5, v45  }
0xcf: {  	v22 =	vld.idx.msk [tilespmem:v22+s9+$0x0], $0xffff;
	v20 =	vmov s30;
	v33 =	vxor.u32 $0x6, v33;
	v32 =	vand.u32 $0x880, v57  }
0xd0: {  	v21 =	vor.u32 s30, v0;
	v50 =	vld.idx.msk [tilespmem:v48+s9+$0x0], $0xffff;
	v51 =	vor.u32 $0x100, v20;
	v32 =	vor.u32 v32, v63  }
0xd1: {  	v62 =	vld.idx.msk [tilespmem:v40+s9+$0x0], $0xffff;
	v40 =	vand.u32 $0x7F, v21;
	v53 =	vor.u32 $0x400, v20;
	v32 =	vxor.u32 $0x8, v32  }
0xd2: {  	v55 =	vor.u32 $0x500, v20;
	vm15 =	vlt.u32 v20, $0x80;
	v61 =	vand.u32 $0x180, v51;
	v35 =	vld.idx.msk [tilespmem:v35+s9+$0x0], $0xffff  }
0xd3: {  	v54 =	vand.u32 $0x480, v53;
	v39 =	vand.u32 $0x580, v55;
	v23 =	vadd.s32 v24, v23;
	v45 =	vld.idx.msk [tilespmem:v45+s9+$0x0], $0xffff  }
0xd4: {  	v48 =	vor.u32 v61, v40;
	v36 =	vor.u32 v54, v40;
	v61 =	vor.u32 $0x800, v20;
	v33 =	vld.idx.msk [tilespmem:v33+s9+$0x0], $0xffff  }
0xd5: {  	v43 =	vld.idx.msk [tilespmem:v43+s9+$0x0], $0xffff;
	v54 =	vor.u32 $0xC00, v20;
	v22 =	vadd.s32 v22, v23;
	v23 =	vsel vm15, $0x80, v11  }
0xd6: {  	v36 =	vxor.u32 $0x4, v36;
	v57 =	vor.u32 $0x600, v20;
	v31 =	vadd.s32 v50, v31;
	v32 =	vld.idx.msk [tilespmem:v32+s9+$0x0], $0xffff  }
0xd7: {  	v60 =	vld.idx.msk [tilespmem:v44+s9+$0x0], $0xffff;
	v58 =	vor.u32 v39, v40;
	v39 =	vand.u32 $0x880, v61;
	v31 =	vadd.s32 v35, v31  }
0xd8: {  	v61 =	vor.u32 $0xF00, v20;
	v63 =	vor.u32 $0x200, v20;
	v31 =	vadd.s32 v45, v31  }
0xd9: {  	v41 =	vld.idx.msk [tilespmem:v41+s9+$0x0], $0xffff;
	v50 =	vor.u32 $0x300, v20;
	v59 =	vxor.u32 $0x5, v58;
	v31 =	vadd.s32 v33, v31  }
0xda: {  	v42 =	vld.idx.msk [tilespmem:v42+s9+$0x0], $0xffff;
	v39 =	vor.u32 v39, v40;
	v58 =	vor.u32 $0xD00, v20;
	v31 =	vadd.s32 v43, v31  }
0xdb: {  	v37 =	vld.idx.msk [tilespmem:v37+s9+$0x0], $0xffff;
	v49 =	vand.u32 $0x280, v63;
	v52 =	vand.u32 $0x380, v50;
	v31 =	vadd.s32 v32, v31  }
0xdc: {  	v38 =	vld.idx.msk [tilespmem:v38+s9+$0x0], $0xffff;
	v63 =	vsel vm14, $0x80, v11;
	v50 =	vor.u32 $0xB00, v20;
	v31 =	vadd.s32 v60, v31  }
0xdd: {  	v28 =	vld.idx.msk [tilespmem:v28+s9+$0x0], $0xffff;
	v51 =	vor.u32 v49, v40;
	v33 =	vxor.u32 $0x1, v48;
	v31 =	vadd.s32 v62, v31  }
0xde: {  	v34 =	vld.idx.msk [tilespmem:v34+s9+$0x0], $0xffff;
	v35 =	vor.u32 v52, v40;
	v32 =	vxor.u32 $0x2, v51;
	v31 =	vadd.s32 v41, v31  }
0xdf: {  	v27 =	vld.idx.msk [tilespmem:v27+s9+$0x0], $0xffff;
	v29 =	vxor.u32 v29, v63;
	v35 =	vxor.u32 $0x3, v35;
	v31 =	vadd.s32 v42, v31  }
0xe0: {  	v26 =	vld.idx.msk [tilespmem:v26+s9+$0x0], $0xffff;
	v60 =	vor.u32 $0x700, v20;
	v31 =	vadd.s32 v37, v31;
	v37 =	vand.u32 $0x680, v57  }
0xe1: {  	v56 =	vld.idx.msk [tilespmem:v21+s9+$0x0], $0xffff;
	v31 =	vadd.s32 v38, v31;
	v37 =	vor.u32 v37, v40;
	v38 =	vand.u32 $0x780, v60  }
0xe2: {  	v49 =	vor.u32 $0xA00, v20;
	v33 =	vld.idx.msk [tilespmem:v33+s9+$0x0], $0xffff;
	v30 =	vxor.u32 $0x6, v37;
	v62 =	vor.u32 v38, v40  }
0xe3: {  	v53 =	vand.u32 $0xB80, v50;
	v45 =	vor.u32 $0x900, v20;
	v32 =	vld.idx.msk [tilespmem:v32+s9+$0x0], $0xffff;
	v37 =	vxor.u32 $0x7, v62  }
0xe4: {  	v47 =	vand.u32 $0x980, v45;
	v48 =	vxor.u32 $0x8, v39;
	v39 =	vand.u32 $0xA80, v49;
	v35 =	vld.idx.msk [tilespmem:v35+s9+$0x0], $0xffff  }
0xe5: {  	v36 =	vld.idx.msk [tilespmem:v36+s9+$0x0], $0xffff;
	v63 =	vand.u32 $0xF80, v61;
	v39 =	vor.u32 v39, v40;
	v41 =	vor.u32 v47, v40  }
0xe6: {  	v52 =	vxor.u32 $0x9, v41;
	v41 =	vand.u32 $0xD80, v58;
	v31 =	vadd.s32 v34, v31;
	v34 =	vld.idx.msk [tilespmem:v59+s9+$0x0], $0xffff  }
0xe7: {  	v55 =	vxor.u32 $0xA, v39;
	v41 =	vor.u32 v41, v40;
	v33 =	vadd.s32 v56, v33;
	v30 =	vld.idx.msk [tilespmem:v30+s9+$0x0], $0xffff  }
0xe8: {  	v60 =	vor.u32 $0xE00, v20;
	v20 =	vadd.s32 v28, v22;
	v32 =	vadd.s32 v32, v33;
	v37 =	vld.idx.msk [tilespmem:v37+s9+$0x0], $0xffff  }
0xe9: {  	v57 =	vand.u32 $0xC80, v54;
	v20 =	vadd.s32 v27, v20;
	(xrf0) =	vadd.scan.msk.s32 $0xffff, v31;
	v33 =	vld.idx.msk [tilespmem:v48+s9+$0x0], $0xffff;
	v32 =	vadd.s32 v35, v32  }
0xea: {  	v56 =	vor.u32 v53, v40;
	v62 =	vxor.u32 $0xD, v41;
	v32 =	vadd.s32 v36, v32  }
0xeb: {  	v39 =	vxor.u32 $0xB, v56;
	v32 =	vadd.s32 v34, v32;
	v34 =	vor.u32 v57, v40  }
0xec: {  	v35 =	vld.idx.msk [tilespmem:v52+s9+$0x0], $0xffff;
	v59 =	vxor.u32 $0xC, v34;
	v34 =	vand.u32 $0xE80, v60;
	v30 =	vadd.s32 v30, v32  }
0xed: {  	s25 =	simm.s32 $0xC;
	s24 =	simm.s32 $0xB;
	v28 =	vadd.s32 v26, v20;
	v36 =	vld.idx.msk [tilespmem:v55+s9+$0x0], $0xffff;
	v34 =	vor.u32 v34, v40;
	v30 =	vadd.s32 v37, v30  }
0xee: {  	s25 =	smov.u32 @p0 s24;
	v34 =	vxor.u32 $0xE, v34;
	v24 =	vadd.s32 v33, v30;
	v30 =	vor.u32 v63, v40  }
0xef: {  	s31 =	simm.s32 $0x40;
	v16 =	vmov s25;
	v17 =	vxor.u32 v21, v23;
	v51, _, _ =	vpop (xrf0);
	(xrf0) =	vadd.scan.msk.s32 $0xffff, v28;
	v30 =	vxor.u32 $0xF, v30  }
0xf0: {  	v27 =	vmov s31;
	[tilespmem:v29+s14+$0x0] =	vst.idx.msk $0xffff, v31;
	v26 =	vor.u32 s31, v0;
	v29 =	vor.u32 $0x100, v19;
	v20 =	vld.idx.msk [tilespmem:v39+s9+$0x0], $0xffff  }
0xf1: {  	v31 =	vor.u32 $0xD00, v27;
	v38 =	vor.u32 $0xE00, v27;
	v21 =	vld.idx.msk [tilespmem:v59+s9+$0x0], $0xffff;
	v22 =	vadd.s32 v35, v24  }
0xf2: {  	v39 =	vor.u32 $0xF00, v27;
	v43 =	vbroadcast v51, $0xF;
	v24 =	vadd.s32 v36, v22;
	v22 =	vld.idx.msk [tilespmem:v62+s9+$0x0], $0xffff  }
0xf3: {  	[tilespmem:v25+s14+$0x0] =	vst.idx.msk $0xffff, v28;
	v32 =	vor.u32 $0xC00, v27;
	v37 =	vor.u32 $0x700, v27;
	v33 =	vor.u32 $0xB00, v27;
	v23 =	vld.idx.msk [tilespmem:v34+s9+$0x0], $0xffff  }
0xf4: {  	s28 =	simm.s32 $0x6;
	s24 =	simm.s32 $0x4;
	s25 =	simm.s32 $0xC;
	[tilespmem:v46+s15+$0x0] =	vst.idx.msk $0x1, v43;
	v35 =	vor.u32 $0x900, v27;
	v34 =	vor.u32 $0xA00, v27;
	v36 =	vor.u32 $0x800, v27;
	v25 =	vld.idx.msk [tilespmem:v30+s9+$0x0], $0xffff  }
.LBB2_7:
0xf5: {  	p0 =	slt.u32 s28, $0xE;
	v40 =	vor.u32 $0x400, v27;
	v41 =	vor.u32 $0x500, v27;
	v42 =	vor.u32 $0x600, v27;
	v30 =	vld.idx.msk [tilespmem:v18+s9+$0x0], $0xffff;
	v28, _, _ =	vpop (xrf0)  }
0xf6: {  	v43 =	vor.u32 $0x100, v27;
	v44 =	vand.u32 $0x6F, v26;
	v45 =	vor.u32 $0x300, v27  }
0xf7: {  	v46 =	vor.u32 $0x200, v27;
	v39 =	vand.u32 $0xF80, v39;
	v43 =	vand.u32 $0x180, v43  }
0xf8: {  	v38 =	vand.u32 $0xE80, v38;
	v46 =	vand.u32 $0x280, v46;
	v43 =	vor.u32 v43, v44  }
0xf9: {  	v45 =	vand.u32 $0x380, v45;
	v46 =	vor.u32 v46, v44;
	v43 =	vxor.u32 $0x1, v43  }
0xfa: {  	v40 =	vand.u32 $0x480, v40;
	v45 =	vor.u32 v45, v44;
	v46 =	vxor.u32 $0x2, v46  }
0xfb: {  	v41 =	vand.u32 $0x580, v41;
	v40 =	vor.u32 v40, v44;
	v45 =	vxor.u32 $0x3, v45  }
0xfc: {  	v42 =	vand.u32 $0x680, v42;
	v41 =	vor.u32 v41, v44;
	v40 =	vxor.u32 $0x4, v40  }
0xfd: {  	v37 =	vand.u32 $0x780, v37;
	v42 =	vor.u32 v42, v44;
	v41 =	vxor.u32 $0x5, v41;
	v47 =	vld.idx.msk [tilespmem:v26+s9+$0x0], $0xffff  }
0xfe: {  	v36 =	vand.u32 $0x880, v36;
	v37 =	vor.u32 v37, v44;
	v42 =	vxor.u32 $0x6, v42;
	v43 =	vld.idx.msk [tilespmem:v43+s9+$0x0], $0xffff  }
0xff: {  	v35 =	vand.u32 $0x980, v35;
	v36 =	vor.u32 v36, v44;
	v37 =	vxor.u32 $0x7, v37;
	v46 =	vld.idx.msk [tilespmem:v46+s9+$0x0], $0xffff  }
0x100: {  	v34 =	vand.u32 $0xA80, v34;
	v35 =	vor.u32 v35, v44;
	v36 =	vxor.u32 $0x8, v36;
	v45 =	vld.idx.msk [tilespmem:v45+s9+$0x0], $0xffff  }
0x101: {  	v33 =	vand.u32 $0xB80, v33;
	v34 =	vor.u32 v34, v44;
	v35 =	vxor.u32 $0x9, v35;
	v40 =	vld.idx.msk [tilespmem:v40+s9+$0x0], $0xffff  }
0x102: {  	v32 =	vand.u32 $0xC80, v32;
	v33 =	vor.u32 v33, v44;
	v34 =	vxor.u32 $0xA, v34;
	v41 =	vld.idx.msk [tilespmem:v41+s9+$0x0], $0xffff  }
0x103: {  	v31 =	vand.u32 $0xD80, v31;
	v32 =	vor.u32 v32, v44;
	v33 =	vxor.u32 $0xB, v33;
	v42 =	vld.idx.msk [tilespmem:v42+s9+$0x0], $0xffff  }
0x104: {  	v31 =	vor.u32 v31, v44;
	v32 =	vxor.u32 $0xC, v32;
	v43 =	vadd.s32 v47, v43;
	v37 =	vld.idx.msk [tilespmem:v37+s9+$0x0], $0xffff  }
0x105: {  	v38 =	vor.u32 v38, v44;
	v31 =	vxor.u32 $0xD, v31;
	v43 =	vadd.s32 v46, v43;
	v36 =	vld.idx.msk [tilespmem:v36+s9+$0x0], $0xffff  }
0x106: {  	v39 =	vor.u32 v39, v44;
	v38 =	vxor.u32 $0xE, v38;
	v43 =	vadd.s32 v45, v43;
	v35 =	vld.idx.msk [tilespmem:v35+s9+$0x0], $0xffff  }
0x107: {  	v39 =	vxor.u32 $0xF, v39;
	v40 =	vadd.s32 v40, v43;
	v43 =	vand.u32 $0x180, v29;
	v34 =	vld.idx.msk [tilespmem:v34+s9+$0x0], $0xffff  }
0x108: {  	v29 =	vand.u32 $0x7F, v18;
	v40 =	vadd.s32 v41, v40;
	v41 =	vor.u32 $0x200, v19;
	v33 =	vld.idx.msk [tilespmem:v33+s9+$0x0], $0xffff  }
0x109: {  	v40 =	vadd.s32 v42, v40;
	v42 =	vor.u32 v43, v29;
	v41 =	vand.u32 $0x280, v41;
	v32 =	vld.idx.msk [tilespmem:v32+s9+$0x0], $0xffff  }
0x10a: {  	v37 =	vadd.s32 v37, v40;
	v40 =	vxor.u32 $0x1, v42;
	v42 =	vor.u32 $0x300, v19;
	v31 =	vld.idx.msk [tilespmem:v31+s9+$0x0], $0xffff  }
0x10b: {  	v36 =	vadd.s32 v36, v37;
	v37 =	vld.idx.msk [tilespmem:v38+s9+$0x0], $0xffff;
	v38 =	vor.u32 v41, v29;
	v41 =	vand.u32 $0x380, v42  }
0x10c: {  	v35 =	vadd.s32 v35, v36;
	v36 =	vld.idx.msk [tilespmem:v39+s9+$0x0], $0xffff;
	v38 =	vxor.u32 $0x2, v38;
	v39 =	vor.u32 $0x400, v19  }
0x10d: {  	v34 =	vadd.s32 v34, v35;
	v35 =	vor.u32 v41, v29;
	v39 =	vand.u32 $0x480, v39  }
0x10e: {  	v33 =	vadd.s32 v33, v34;
	v34 =	vxor.u32 $0x3, v35;
	v35 =	vor.u32 $0x500, v19  }
0x10f: {  	v32 =	vadd.s32 v32, v33;
	v39 =	vor.u32 v39, v29;
	v35 =	vand.u32 $0x580, v35;
	v33 =	vld.idx.msk [tilespmem:v40+s9+$0x0], $0xffff  }
0x110: {  	v31 =	vadd.s32 v31, v32;
	v32 =	vxor.u32 $0x4, v39;
	v39 =	vor.u32 $0x600, v19  }
0x111: {  	v35 =	vor.u32 v35, v29;
	v31 =	vadd.s32 v37, v31;
	v37 =	vld.idx.msk [tilespmem:v38+s9+$0x0], $0xffff;
	v38 =	vand.u32 $0x680, v39  }
0x112: {  	v35 =	vxor.u32 $0x5, v35;
	v31 =	vadd.s32 v36, v31;
	v36 =	vor.u32 $0x700, v19  }
0x113: {  	v39 =	vor.u32 $0x800, v19;
	v38 =	vor.u32 v38, v29;
	v36 =	vand.u32 $0x780, v36;
	v34 =	vld.idx.msk [tilespmem:v34+s9+$0x0], $0xffff;
	(xrf0) =	vadd.scan.msk.s32 $0xffff, v31  }
0x114: {  	vm0 =	vlt.u32 v27, $0x80;
	s30 =	sadd.s32 $0x9, s24;
	s25 =	sadd.s32 $0xFFFFFFFE, s25;
	p1 =	slt.u32 s24, $0x8;
	v27 =	vxor.u32 $0x6, v38;
	v36 =	vor.u32 v36, v29  }
0x115: {  	s24 =	sadd.s32 $0x8, s24;
	s31 =	sadd.s32 $0x1, s25;
	s29 =	smov.u32 s25;
	v40 =	vor.u32 $0x900, v19;
	v39 =	vand.u32 $0x880, v39;
	v38 =	vsel vm0, $0x80, v11;
	v32 =	vld.idx.msk [tilespmem:v32+s9+$0x0], $0xffff  }
0x116: {  	s31 =	smov.u32 @p1 s24;
	s29 =	smov.u32 @p1 s30;
	s24 =	smov.u32 s28;
	v26 =	vxor.u32 v26, v38;
	v30 =	vadd.s32 v30, v33;
	v33 =	vxor.u32 $0x7, v36  }
0x117: {  	v36 =	vmov s31;
	v38 =	vor.u32 v39, v29;
	v39 =	vand.u32 $0x980, v40;
	v35 =	vld.idx.msk [tilespmem:v35+s9+$0x0], $0xffff  }
0x118: {  	v30 =	vadd.s32 v37, v30;
	v37 =	vxor.u32 $0x8, v38;
	v38 =	vor.u32 $0xA00, v19  }
0x119: {  	v40 =	vor.u32 $0xB00, v19;
	v39 =	vor.u32 v39, v29;
	v38 =	vand.u32 $0xA80, v38;
	v27 =	vld.idx.msk [tilespmem:v27+s9+$0x0], $0xffff;
	v41, _, _ =	vpop (xrf0)  }
0x11a: {  	v30 =	vadd.s32 v34, v30;
	v34 =	vxor.u32 $0x9, v39;
	v41 =	vbroadcast v41, $0xF  }
0x11b: {  	[tilespmem:v26+s14+$0x0] =	vst.idx.msk $0xffff, v31;
	v26 =	vld.idx.msk [tilespmem:v33+s9+$0x0], $0xffff;
	v31 =	vor.u32 v38, v29;
	v33 =	vand.u32 $0xB80, v40;
	v38 =	vor.u32 $0xC00, v19  }
0x11c: {  	v30 =	vadd.s32 v32, v30;
	[tilespmem:v36+s15+$0x0] =	vst.idx.msk $0x1, v41;
	v31 =	vxor.u32 $0xA, v31;
	v32 =	vor.u32 v33, v29  }
0x11d: {  	v30 =	vadd.s32 v35, v30;
	v35 =	vand.u32 $0xC80, v38;
	v36 =	vor.u32 $0xD00, v19;
	v33 =	vld.idx.msk [tilespmem:v37+s9+$0x0], $0xffff  }
0x11e: {  	v32 =	vxor.u32 $0xB, v32;
	v35 =	vor.u32 v35, v29;
	v36 =	vand.u32 $0xD80, v36  }
0x11f: {  	v27 =	vadd.s32 v27, v30;
	v30 =	vld.idx.msk [tilespmem:v34+s9+$0x0], $0xffff;
	v34 =	vxor.u32 $0xC, v35;
	v35 =	vor.u32 $0xE00, v19  }
0x120: {  	v37 =	vor.u32 $0xF00, v19;
	v36 =	vor.u32 v36, v29;
	v35 =	vand.u32 $0xE80, v35  }
0x121: {  	v26 =	vadd.s32 v26, v27;
	v27 =	vld.idx.msk [tilespmem:v31+s9+$0x0], $0xffff;
	v31 =	vxor.u32 $0xD, v36;
	v35 =	vor.u32 v35, v29  }
0x122: {  	v24 =	vadd.s32 v20, v24;
	v36 =	vand.u32 $0xF80, v37;
	v35 =	vxor.u32 $0xE, v35  }
0x123: {  	v24 =	vadd.s32 v21, v24;
	v26 =	vadd.s32 v33, v26;
	v29 =	vor.u32 v36, v29;
	v20 =	vld.idx.msk [tilespmem:v32+s9+$0x0], $0xffff  }
0x124: {  	vm0 =	vlt.u32 v19, $0x80;
	v19 =	vadd.s32 v22, v24;
	v32 =	vxor.u32 $0xF, v29;
	v21 =	vld.idx.msk [tilespmem:v34+s9+$0x0], $0xffff  }
0x125: {  	v28 =	vbroadcast v28, $0xF;
	v19 =	vadd.s32 v23, v19;
	v24 =	vadd.s32 v30, v26  }
0x126: {  	v25 =	vadd.s32 v25, v19;
	v26 =	vsel vm0, $0x80, v11;
	v30 =	vmov s29;
	v22 =	vld.idx.msk [tilespmem:v31+s9+$0x0], $0xffff  }
0x127: {  	s26 =	sadd.s32 $0x20, s26;
	v26 =	vxor.u32 v18, v26;
	v24 =	vadd.s32 v27, v24;
	v23 =	vld.idx.msk [tilespmem:v35+s9+$0x0], $0xffff;
	(xrf0) =	vadd.scan.msk.s32 $0xffff, v25  }
.Ltmp6:
0x128: {  	v19 =	vmov s26;
	s29 =	sadd.s32 $0xFFFFFFF0, s26;
	v18 =	vor.u32 s26, v0;
	[tilespmem:v17+s14+$0x0] =	vst.idx.msk $0xffff, v25;
	v17 =	vmov v26;
	(pc) =	sbr.rel @p0 .LBB2_7-.Ltmp6, $4  }
0x129: {  	v29 =	vor.u32 $0x100, v19;
	v27 =	vmov s29;
	v26 =	vor.u32 s29, v0;
	v25 =	vld.idx.msk [tilespmem:v32+s9+$0x0], $0xffff;
	[tilespmem:v15+s15+$0x0] =	vst.idx.msk $0x1, v28;
	v15 =	vmovc v16;
	v16 =	vmovc v30  }
0x12a: {  	v31 =	vor.u32 $0xD00, v27;
	v38 =	vor.u32 $0xE00, v27;
	v39 =	vor.u32 $0xF00, v27  }
0x12b: {  	v34 =	vor.u32 $0xA00, v27;
	v33 =	vor.u32 $0xB00, v27;
	v32 =	vor.u32 $0xC00, v27  }
0x12c: {  	s28 =	sadd.s32 $0x2, s28;
	v37 =	vor.u32 $0x700, v27;
	v36 =	vor.u32 $0x800, v27;
	v35 =	vor.u32 $0x900, v27  }
0x12d: {  	v28 =	vor.u32 $0x400, v27  }
0x12e: {  	v30 =	vor.u32 $0x500, v27;
	v40 =	vor.u32 $0x600, v27;
	v41 =	vor.u32 $0x100, v27  }
0x12f: {  	v42 =	vand.u32 $0x6F, v26;
	v43 =	vor.u32 $0x300, v27;
	v44 =	vor.u32 $0x200, v27  }
0x130: {  	v39 =	vand.u32 $0xF80, v39;
	v38 =	vand.u32 $0xE80, v38;
	v37 =	vand.u32 $0x780, v37  }
0x131: {  	v36 =	vand.u32 $0x880, v36;
	v35 =	vand.u32 $0x980, v35;
	v34 =	vand.u32 $0xA80, v34  }
0x132: {  	v33 =	vand.u32 $0xB80, v33;
	v32 =	vand.u32 $0xC80, v32;
	v31 =	vand.u32 $0xD80, v31  }
0x133: {  	v29 =	vand.u32 $0x180, v29;
	v51 =	vor.u32 $0x200, v19;
	v53 =	vor.u32 $0x300, v19  }
0x134: {  	v56 =	vor.u32 $0x400, v19;
	v59 =	vor.u32 $0x500, v19;
	v41 =	vand.u32 $0x180, v41  }
0x135: {  	v60 =	vor.u32 $0x600, v19;
	v44 =	vand.u32 $0x280, v44;
	v41 =	vor.u32 v41, v42  }
0x136: {  	v43 =	vand.u32 $0x380, v43;
	v44 =	vor.u32 v44, v42;
	v41 =	vxor.u32 $0x1, v41  }
0x137: {  	v28 =	vand.u32 $0x480, v28;
	v43 =	vor.u32 v43, v42;
	v44 =	vxor.u32 $0x2, v44  }
0x138: {  	v61 =	vor.u32 $0x700, v19;
	v28 =	vor.u32 v28, v42;
	v43 =	vxor.u32 $0x3, v43  }
0x139: {  	v62 =	vor.u32 $0x800, v19;
	v30 =	vand.u32 $0x580, v30;
	v28 =	vxor.u32 $0x4, v28  }
0x13a: {  	v45 =	vld.idx.msk [tilespmem:v26+s9+$0x0], $0xffff;
	v63 =	vor.u32 $0x900, v19;
	v46 =	vor.u32 $0xD00, v19;
	v30 =	vor.u32 v30, v42  }
0x13b: {  	v47 =	vor.u32 $0xE00, v19;
	v40 =	vand.u32 $0x680, v40;
	v30 =	vxor.u32 $0x5, v30;
	v41 =	vld.idx.msk [tilespmem:v41+s9+$0x0], $0xffff  }
0x13c: {  	v37 =	vor.u32 v37, v42;
	v36 =	vor.u32 v36, v42;
	v35 =	vor.u32 v35, v42;
	v44 =	vld.idx.msk [tilespmem:v44+s9+$0x0], $0xffff  }
0x13d: {  	v34 =	vor.u32 v34, v42;
	v33 =	vor.u32 v33, v42;
	v40 =	vor.u32 v40, v42;
	v43 =	vld.idx.msk [tilespmem:v43+s9+$0x0], $0xffff  }
0x13e: {  	v32 =	vor.u32 v32, v42;
	v31 =	vor.u32 v31, v42;
	v40 =	vxor.u32 $0x6, v40;
	v28 =	vld.idx.msk [tilespmem:v28+s9+$0x0], $0xffff  }
0x13f: {  	v38 =	vor.u32 v38, v42;
	v39 =	vor.u32 v39, v42;
	v37 =	vxor.u32 $0x7, v37  }
0x140: {  	v52 =	vand.u32 $0x280, v51;
	v36 =	vxor.u32 $0x8, v36;
	v30 =	vld.idx.msk [tilespmem:v30+s9+$0x0], $0xffff;
	v41 =	vadd.s32 v45, v41  }
0x141: {  	v54 =	vand.u32 $0x380, v53;
	v35 =	vxor.u32 $0x9, v35;
	v41 =	vadd.s32 v44, v41  }
0x142: {  	v58 =	vand.u32 $0x480, v56;
	v50 =	vand.u32 $0x980, v63;
	v41 =	vadd.s32 v43, v41  }
0x143: {  	v34 =	vxor.u32 $0xA, v34;
	v40 =	vld.idx.msk [tilespmem:v40+s9+$0x0], $0xffff;
	v28 =	vadd.s32 v28, v41;
	v41 =	vand.u32 $0x7F, v18  }
0x144: {  	v51 =	vor.u32 $0xA00, v19;
	v33 =	vxor.u32 $0xB, v33;
	v37 =	vld.idx.msk [tilespmem:v37+s9+$0x0], $0xffff;
	v29 =	vor.u32 v29, v41  }
0x145: {  	v36 =	vld.idx.msk [tilespmem:v36+s9+$0x0], $0xffff;
	v28 =	vadd.s32 v30, v28;
	v30 =	vor.u32 v52, v41;
	v29 =	vxor.u32 $0x1, v29  }
0x146: {  	v46 =	vand.u32 $0xD80, v46;
	v47 =	vand.u32 $0xE80, v47;
	v35 =	vld.idx.msk [tilespmem:v35+s9+$0x0], $0xffff;
	v30 =	vxor.u32 $0x2, v30  }
0x147: {  	v57 =	vld.idx.msk [tilespmem:v18+s9+$0x0], $0xffff;
	v32 =	vxor.u32 $0xC, v32;
	v31 =	vxor.u32 $0xD, v31;
	v38 =	vxor.u32 $0xE, v38  }
0x148: {  	v39 =	vxor.u32 $0xF, v39;
	v42 =	vand.u32 $0x680, v60;
	v34 =	vld.idx.msk [tilespmem:v34+s9+$0x0], $0xffff;
	v28 =	vadd.s32 v40, v28  }
0x149: {  	v33 =	vld.idx.msk [tilespmem:v33+s9+$0x0], $0xffff;
	v44 =	vand.u32 $0x880, v62;
	v55 =	vor.u32 v54, v41;
	v28 =	vadd.s32 v37, v28  }
0x14a: {  	v43 =	vand.u32 $0x780, v61;
	v37 =	vxor.u32 $0x3, v55;
	v28 =	vadd.s32 v36, v28;
	v29 =	vld.idx.msk [tilespmem:v29+s9+$0x0], $0xffff  }
0x14b: {  	v36 =	vand.u32 $0x580, v59;
	v28 =	vadd.s32 v35, v28;
	v35 =	vor.u32 v58, v41;
	v30 =	vld.idx.msk [tilespmem:v30+s9+$0x0], $0xffff  }
0x14c: {  	v32 =	vld.idx.msk [tilespmem:v32+s9+$0x0], $0xffff;
	v42 =	vor.u32 v42, v41;
	v36 =	vor.u32 v36, v41;
	v35 =	vxor.u32 $0x4, v35  }
0x14d: {  	v31 =	vld.idx.msk [tilespmem:v31+s9+$0x0], $0xffff;
	v43 =	vor.u32 v43, v41;
	v49 =	vor.u32 v44, v41;
	v36 =	vxor.u32 $0x5, v36  }
0x14e: {  	v38 =	vld.idx.msk [tilespmem:v38+s9+$0x0], $0xffff;
	v44 =	vor.u32 v50, v41;
	v52 =	vor.u32 $0xB00, v19;
	v42 =	vxor.u32 $0x6, v42  }
0x14f: {  	v39 =	vld.idx.msk [tilespmem:v39+s9+$0x0], $0xffff;
	v48 =	vxor.u32 $0x7, v43;
	v43 =	vxor.u32 $0x8, v49;
	v29 =	vadd.s32 v57, v29  }
0x150: {  	v53 =	vxor.u32 $0x9, v44;
	v37 =	vld.idx.msk [tilespmem:v37+s9+$0x0], $0xffff;
	v29 =	vadd.s32 v30, v29;
	v30 =	vand.u32 $0xA80, v51  }
0x151: {  	v54 =	vand.u32 $0xB80, v52;
	v55 =	vor.u32 $0xC00, v19;
	v35 =	vld.idx.msk [tilespmem:v35+s9+$0x0], $0xffff;
	v30 =	vor.u32 v30, v41  }
0x152: {  	v44 =	vor.u32 v54, v41;
	v45 =	vand.u32 $0xC80, v55;
	v36 =	vld.idx.msk [tilespmem:v36+s9+$0x0], $0xffff;
	v30 =	vxor.u32 $0xA, v30  }
0x153: {  	v46 =	vor.u32 v46, v41;
	v44 =	vxor.u32 $0xB, v44;
	v45 =	vor.u32 v45, v41;
	v42 =	vld.idx.msk [tilespmem:v42+s9+$0x0], $0xffff  }
0x154: {  	v47 =	vor.u32 v47, v41;
	v45 =	vxor.u32 $0xC, v45;
	v40 =	vld.idx.msk [tilespmem:v48+s9+$0x0], $0xffff;
	v48 =	vor.u32 $0xF00, v19  }
0x155: {  	v46 =	vxor.u32 $0xD, v46;
	v43 =	vld.idx.msk [tilespmem:v43+s9+$0x0], $0xffff;
	v48 =	vand.u32 $0xF80, v48;
	v29 =	vadd.s32 v37, v29  }
0x156: {  	v56 =	vld.idx.msk [tilespmem:v53+s9+$0x0], $0xffff;
	v57 =	vxor.u32 $0xE, v47;
	v41 =	vor.u32 v48, v41;
	v29 =	vadd.s32 v35, v29  }
0x157: {  	v28 =	vadd.s32 v34, v28;
	v58 =	vxor.u32 $0xF, v41;
	v29 =	vadd.s32 v36, v29;
	v30 =	vld.idx.msk [tilespmem:v30+s9+$0x0], $0xffff  }
0x158: {  	v28 =	vadd.s32 v33, v28;
	v59 =	vld.idx.msk [tilespmem:v44+s9+$0x0], $0xffff;
	v29 =	vadd.s32 v42, v29  }
0x159: {  	v28 =	vadd.s32 v32, v28;
	v60 =	vld.idx.msk [tilespmem:v45+s9+$0x0], $0xffff;
	v29 =	vadd.s32 v40, v29  }
0x15a: {  	v61 =	vld.idx.msk [tilespmem:v46+s9+$0x0], $0xffff;
	v28 =	vadd.s32 v31, v28;
	v29 =	vadd.s32 v43, v29  }
0x15b: {  	v28 =	vadd.s32 v38, v28;
	v62 =	vld.idx.msk [tilespmem:v57+s9+$0x0], $0xffff;
	v29 =	vadd.s32 v56, v29  }
0x15c: {  	v20 =	vadd.s32 v20, v24;
	v28 =	vadd.s32 v39, v28;
	v63 =	vld.idx.msk [tilespmem:v58+s9+$0x0], $0xffff;
	v24 =	vadd.s32 v30, v29  }
0x15d: {  	v20 =	vadd.s32 v21, v20;
	(xrf0) =	vadd.scan.msk.s32 $0xffff, v28;
	v21 =	vadd.s32 v59, v24  }
0x15e: {  	vm0 =	vlt.u32 v27, $0x80;
	s25 =	sadd.s32 $0xFFFFFFFE, s25;
	v20 =	vadd.s32 v22, v20;
	v21 =	vadd.s32 v60, v21  }
0x15f: {  	p0 =	slt.u32 s24, $0x8;
	s28 =	sadd.s32 $0x8, s24;
	s26 =	sadd.s32 $0x1, s25;
	v22 =	vsel vm0, $0x80, v11;
	v20 =	vadd.s32 v23, v20;
	v21 =	vadd.s32 v61, v21  }
0x160: {  	s26 =	smov.u32 @p0 s28;
	v22 =	vxor.u32 v26, v22;
	v20 =	vadd.s32 v25, v20;
	v21 =	vadd.s32 v62, v21  }
0x161: {  	v23 =	vmov s26;
	(xrf0) =	vadd.scan.msk.s32 $0xffff, v20;
	v21 =	vadd.s32 v63, v21  }
0x162: {  	vm11 =	vlt.u32 v19, $0x80;
	v24, _, _ =	vpop (xrf0);
	(xrf0) =	vadd.scan.msk.s32 $0xffff, v21  }
0x163: {  	v25 =	vsel vm11, $0x80, v11;
	v19, _, _ =	vpop (xrf0)  }
0x164: {  	s24 =	sadd.s32 $0x9, s24;
	v18 =	vxor.u32 v18, v25;
	v19 =	vbroadcast v19, $0xF  }
0x165: {  	s25 =	smov.u32 @p0 s24;
	[tilespmem:v22+s14+$0x0] =	vst.idx.msk $0xffff, v28  }
0x166: {  	v22 =	vmov s25;
	[tilespmem:v23+s15+$0x0] =	vst.idx.msk $0x1, v19;
	v19 =	vbroadcast v24, $0xF  }
0x167: {  	[tilespmem:v17+s14+$0x0] =	vst.idx.msk $0xffff, v20;
	v17, _, _ =	vpop (xrf0)  }
0x168: {  	[tilespmem:v15+s15+$0x0] =	vst.idx.msk $0x1, v19;
	v15 =	vbroadcast v17, $0xF;
	v17, _, _ =	vpop (xrf0)  }
0x169: {  	[tilespmem:v18+s14+$0x0] =	vst.idx.msk $0xffff, v21;
	v17 =	vbroadcast v17, $0xF  }
0x16a: {  	[tilespmem:v16+s15+$0x0] =	vst.idx.msk $0x1, v15  }
0x16b: {  	[tilespmem:v22+s15+$0x0] =	vst.idx.msk $0x1, v17  }
0x16c: {  	v15 =	vld [tilespmem:$0xD100];
	_ =	sdelay $0x4  }
0x16d: {  	v15 =	vperm.xlane v15, v12;
	_ =	sdelay $0x1  }
0x16e: {  	(xrf0) =	vadd.scan.msk.s32 $0xffff, v15;
	_ =	sdelay $0x5  }
0x16f: {  	v16, _, _ =	vpop (xrf0)  }
0x170: {  	vm12 =	vgt.s32 v16, $0x1FFF  }
0x171: {  	v17 =	vmpcnt.ones.xlane vm12;
	_ =	sdelay $0x1  }
0x172: {  	v20 =	vshll.u32 v17, $0x4  }
0x173: {  	v18 =	vadd.s32 v13, v20;
	_ =	sdelay $0x4  }
0x174: {  	v18 =	vld.idx.msk [tilespmem:v18+s14+$0x0], $0xffff  }
0x175: {  	v17 =	vsub.s32 $0x10, v17  }
0x176: {  	v15 =	vsub.s32 v16, v15;
	vm13 =	veq.s32 v17, v0  }
0x177: {  	v15 =	vnsel vm13, $0x0, v15  }
0x178: {  	(xrf0) =	vadd.scan.msk.s32 $0xffff, v15  }
0x179: {  	v17 =	vperm.xlane v18, v12;
	_ =	sdelay $0x1  }
0x17a: {  	(xrf0) =	vadd.scan.msk.s32 $0xffff, v17;
	_ =	sdelay $0x2  }
0x17b: {  	v15, _, _ =	vpop (xrf0)  }
0x17c: {  	v16 =	vsub.s32 $0x2000, v15  }
0x17d: {  	v15 =	vbroadcast v16, $0xF  }
0x17e: {  	v18, _, _ =	vpop (xrf0)  }
0x17f: {  	vm14 =	vge.s32 v18, v15  }
0x180: {  	v19 =	vmpcnt.ones.xlane vm14;
	_ =	sdelay $0x1  }
0x181: {  	v15 =	vadd.s32 v19, v20  }
0x182: {  	v15 =	vadd.s32 $0xFFFFFFEF, v15  }
0x183: {  	vm15 =	vlt.s32 v15, $0x80  }
0x184: {  	v20 =	vsel vm15, $0xFF, v14  }
0x185: {  	v20 =	vxor.u32 v15, v20  }
0x186: {  	v21 =	vxor.u32 v0, v20;
	v22 =	vor.u32 v1, v20  }
0x187: {  	v22 =	vand.u32 $0xFFFFFF80, v22;
	v21 =	vand.u32 $0x7F, v21  }
0x188: {  	v21 =	vor.u32 v21, v22;
	_ =	sdelay $0x1  }
0x189: {  	s0 =	simm.s32 $0x0  }
0x18a: {  	s25 =	simm.s32 $0x7;
	v24 =	vor.u32 s0, v1  }
0x18b: {  	s26 =	simm.s32 $0x6;
	v27 =	vor.u32 s25, v1  }
0x18c: {  	s28 =	simm.s32 $0x5;
	v23 =	vld.idx.msk [tilespmem:v21+s9+$0x0], $0xffff;
	v21 =	vor.u32 s26, v1  }
0x18d: {  	s29 =	simm.s32 $0x4;
	v22 =	vor.u32 s28, v1  }
0x18e: {  	s30 =	simm.s32 $0x3;
	v25 =	vor.u32 s29, v1  }
0x18f: {  	s31 =	simm.s32 $0x2;
	v26 =	vor.u32 s30, v1;
	[tilespmem:v24+s9+$0x0] =	vst.idx.msk $0xffff, v2  }
0x190: {  	s24 =	simm.s32 $0x8;
	s25 =	simm.s32 $0x1;
	v24 =	vor.u32 s31, v1;
	[tilespmem:v27+s9+$0x0] =	vst.idx.msk $0xffff, v2  }
.LBB2_9:
0x191: {  	p0 =	slt.u32 s24, $0xF8;
	v27 =	vor.u32 s25, v1;
	[tilespmem:v21+s9+$0x0] =	vst.idx.msk $0xffff, v2  }
0x192: {  	v28 =	vor.u32 s24, v1;
	s25 =	sadd.s32 $0x7, s24;
	[tilespmem:v22+s9+$0x0] =	vst.idx.msk $0xffff, v2  }
0x193: {  	s26 =	sadd.s32 $0x6, s24;
	v29 =	vor.u32 s25, v1;
	[tilespmem:v25+s9+$0x0] =	vst.idx.msk $0xffff, v2  }
.Ltmp7:
0x194: {  	s25 =	sadd.s32 $0x5, s24;
	v21 =	vor.u32 s26, v1;
	[tilespmem:v26+s9+$0x0] =	vst.idx.msk $0xffff, v2;
	(pc) =	sbr.rel @p0 .LBB2_9-.Ltmp7, $4  }
0x195: {  	s26 =	sadd.s32 $0x4, s24;
	v22 =	vor.u32 s25, v1;
	[tilespmem:v24+s9+$0x0] =	vst.idx.msk $0xffff, v2  }
0x196: {  	s25 =	sadd.s32 $0x3, s24;
	v25 =	vor.u32 s26, v1;
	[tilespmem:v27+s9+$0x0] =	vst.idx.msk $0xffff, v2  }
0x197: {  	s26 =	sadd.s32 $0x2, s24;
	v26 =	vor.u32 s25, v1;
	[tilespmem:v28+s9+$0x0] =	vst.idx.msk $0xffff, v2  }
0x198: {  	s25 =	sadd.s32 $0x1, s24;
	s24 =	sadd.s32 $0x8, s24;
	v24 =	vor.u32 s26, v1;
	[tilespmem:v29+s9+$0x0] =	vst.idx.msk $0xffff, v2  }
0x199: {  	s24 =	simm.s32 $0x0  }
0x19a: {  	v27 =	vmov s24  }
0x19b: {  	v27 =	vshrl.u32 v27, $0x7  }
0x19c: {  	v27 =	vshll.u32 v27, $0x7  }
0x19d: {  	v27 =	vbroadcast v27, $0x0  }
0x19e: {  	v28 =	vor.u32 s25, v1;
	[tilespmem:v21+s9+$0x0] =	vst.idx.msk $0xffff, v2  }
0x19f: {  	[tilespmem:v22+s9+$0x0] =	vst.idx.msk $0xffff, v2;
	v21 =	vor.u32 v10, v27  }
0x1a0: {  	[tilespmem:v25+s9+$0x0] =	vst.idx.msk $0xffff, v2;
	v22 =	vor.u32 v9, v27  }
0x1a1: {  	[tilespmem:v26+s9+$0x0] =	vst.idx.msk $0xffff, v2;
	v25 =	vor.u32 v8, v27  }
0x1a2: {  	[tilespmem:v24+s9+$0x0] =	vst.idx.msk $0xffff, v2;
	v24 =	vor.u32 v7, v27  }
0x1a3: {  	(xrf0) =	vadd.scan.msk.s32 $0xffff, v23;
	[tilespmem:v28+s9+$0x0] =	vst.idx.msk $0xffff, v2;
	v26 =	vor.u32 v6, v27  }
0x1a4: {  	s31 =	simm.s32 $0x80;
	v28 =	vor.u32 v0, v27;
	v30 =	vld.idx.msk [tilespmem:v21+s3+$0x0], $0xffff  }
0x1a5: {  	v31 =	vor.u32 v4, v27;
	v33 =	vld.idx.msk [tilespmem:v22+s3+$0x0], $0xffff;
	v21 =	vmov s31  }
0x1a6: {  	v35 =	vor.u32 v5, v27;
	v32 =	vld.idx.msk [tilespmem:v25+s3+$0x0], $0xffff;
	v21 =	vshrl.u32 v21, $0x7  }
0x1a7: {  	v34 =	vld.idx.msk [tilespmem:v24+s3+$0x0], $0xffff  }
0x1a8: {  	vm0 =	vgt.s32 v20, $0x7F;
	v29 =	vld.idx.msk [tilespmem:v26+s3+$0x0], $0xffff;
	v25 =	vshll.u32 v21, $0x7  }
0x1a9: {  	v22 =	vsel vm0, $0xFFFFFFFF, v2;
	v24 =	vld.idx.msk [tilespmem:v28+s3+$0x0], $0xffff;
	v43 =	vbroadcast v25, $0x0;
	v21, _, _ =	vpop (xrf0)  }
0x1aa: {  	v25 =	vld.idx.msk [tilespmem:v31+s3+$0x0], $0xffff;
	v23 =	vsub.s32 v21, v23;
	v27 =	vxor.u32 v22, v30;
	v28 =	vxor.u32 v22, v33  }
0x1ab: {  	v26 =	vld.idx.msk [tilespmem:v35+s3+$0x0], $0xffff;
	v45 =	vor.u32 v8, v43;
	v38 =	vor.u32 v9, v43;
	v37 =	vor.u32 v10, v43  }
0x1ac: {  	v36 =	vor.u32 v4, v43;
	v40 =	vor.u32 v6, v43;
	v42 =	vor.u32 v7, v43  }
0x1ad: {  	v41 =	vor.u32 v0, v43;
	v44 =	vshrl.u32 v33, $0x18;
	v46 =	vshrl.u32 v30, $0x18  }
0x1ae: {  	v30 =	vshrl.u32 v24, $0x18;
	v57 =	vshrl.u32 v34, $0x18;
	v39 =	vshrl.u32 v32, $0x18  }
0x1af: {  	v58 =	vshrl.u32 v29, $0x18;
	vm5 =	veq.s32 v30, v20;
	v30 =	vshrl.u32 v25, $0x18  }
0x1b0: {  	v31 =	vsel vm5, $0x1, v2;
	vm6 =	veq.s32 v30, v20;
	v30 =	vshrl.u32 v26, $0x18  }
0x1b1: {  	v31 =	vadd.s32 v31, v23;
	v47 =	vsel vm6, $0x1, v2;
	vm0 =	veq.s32 v30, v20  }
0x1b2: {  	vm1 =	veq.s32 v58, v20;
	v30 =	vadd.s32 v47, v31;
	v59 =	vsel vm0, $0x1, v2  }
0x1b3: {  	vm2 =	veq.s32 v57, v20;
	v60 =	vsel vm1, $0x1, v2;
	v33 =	vadd.s32 v59, v30  }
0x1b4: {  	vm3 =	veq.s32 v39, v20;
	v61 =	vsel vm2, $0x1, v2;
	v35 =	vadd.s32 v60, v33  }
0x1b5: {  	vm4 =	veq.s32 v44, v20;
	v62 =	vsel vm3, $0x1, v2;
	v37 =	vld.idx.msk [tilespmem:v37+s3+$0x0], $0xffff;
	v39 =	vadd.s32 v61, v35  }
0x1b6: {  	vm7 =	veq.s32 v46, v20;
	v63 =	vsel vm4, $0x1, v2;
	v38 =	vld.idx.msk [tilespmem:v38+s3+$0x0], $0xffff;
	v44 =	vadd.s32 v62, v39  }
0x1b7: {  	s25 =	simm.s32 $0x100;
	s24 =	simm.s32 $0x8;
	v46 =	vor.u32 v5, v43;
	v43 =	vld.idx.msk [tilespmem:v45+s3+$0x0], $0xffff;
	v47 =	vsel vm7, $0x1, v2;
	v45 =	vadd.s32 v63, v44  }
.LBB2_11:
0x1b8: {  	v48 =	vmov s25;
	v50 =	vxor.u32 v22, v24  }
0x1b9: {  	v49 =	vld.idx.msk [tilespmem:v42+s3+$0x0], $0xffff;
	v47 =	vadd.s32 v47, v45;
	vm8 =	vmmov vm5;
	vm9 =	vmmov vm6  }
0x1ba: {  	v51 =	vxor.u32 v22, v25;
	v52 =	vxor.u32 v22, v26;
	v24 =	vshrl.u32 v48, $0x7;
	v48 =	vld.idx.msk [tilespmem:v40+s3+$0x0], $0xffff  }
0x1bb: {  	v53 =	vxor.u32 v22, v29;
	v54 =	vxor.u32 v22, v34;
	v25 =	vshll.u32 v24, $0x7;
	v24 =	vld.idx.msk [tilespmem:v41+s3+$0x0], $0xffff  }
0x1bc: {  	v56 =	vxor.u32 v22, v32;
	v29 =	vxor.u32 v22, v37;
	v55 =	vbroadcast v25, $0x0;
	v25 =	vld.idx.msk [tilespmem:v36+s3+$0x0], $0xffff  }
0x1bd: {  	v26 =	vld.idx.msk [tilespmem:v46+s3+$0x0], $0xffff;
	v46 =	vxor.u32 v22, v38;
	[tilespmem:v45+s16+$0x0] =	vst.idx.msk vm7, v27;
	v27 =	vmov v29  }
0x1be: {  	v32 =	vmovc v43;
	v45 =	vor.u32 v8, v55;
	v57 =	vor.u32 v9, v55;
	v58 =	vor.u32 v10, v55  }
0x1bf: {  	s24 =	sadd.s32 $0x8, s24;
	v36 =	vor.u32 v4, v55;
	v40 =	vor.u32 v6, v55;
	v42 =	vor.u32 v7, v55;
	v34 =	vmovc v49  }
0x1c0: {  	p0 =	slt.u32 s24, $0x3F8;
	v38 =	vshrl.u32 v38, $0x18;
	v43 =	vshrl.u32 v37, $0x18;
	v41 =	vor.u32 v0, v55;
	v29 =	vmovc v48;
	[tilespmem:v44+s16+$0x0] =	vst.idx.msk vm4, v28  }
0x1c1: {  	v48 =	vshrl.u32 v32, $0x18;
	v37 =	vshrl.u32 v24, $0x18;
	v44 =	vshrl.u32 v34, $0x18;
	v28 =	vmovc v46;
	[tilespmem:v39+s16+$0x0] =	vst.idx.msk vm3, v56  }
0x1c2: {  	vm5 =	veq.s32 v37, v20;
	v37 =	vshrl.u32 v25, $0x18;
	v39 =	vshrl.u32 v29, $0x18;
	[tilespmem:v35+s16+$0x0] =	vst.idx.msk vm2, v54  }
0x1c3: {  	v35 =	vsel vm5, $0x1, v2;
	vm6 =	veq.s32 v37, v20;
	v37 =	vshrl.u32 v26, $0x18;
	[tilespmem:v33+s16+$0x0] =	vst.idx.msk vm1, v53  }
0x1c4: {  	v46 =	vadd.s32 v35, v47;
	v33 =	vsel vm6, $0x1, v2;
	[tilespmem:v30+s16+$0x0] =	vst.idx.msk vm0, v52;
	vm0 =	veq.s32 v37, v20  }
0x1c5: {  	vm1 =	veq.s32 v39, v20;
	v30 =	vadd.s32 v33, v46;
	v33 =	vsel vm0, $0x1, v2;
	[tilespmem:v31+s16+$0x0] =	vst.idx.msk vm9, v51  }
.Ltmp8:
0x1c6: {  	vm2 =	veq.s32 v44, v20;
	v37 =	vsel vm1, $0x1, v2;
	v33 =	vadd.s32 v33, v30;
	[tilespmem:v23+s16+$0x0] =	vst.idx.msk vm8, v50;
	(pc) =	sbr.rel @p0 .LBB2_11-.Ltmp8, $4  }
0x1c7: {  	vm3 =	veq.s32 v48, v20;
	v39 =	vsel vm2, $0x1, v2;
	v31 =	vmovc v46;
	v23 =	vmovc v47;
	v35 =	vadd.s32 v37, v33  }
0x1c8: {  	vm4 =	veq.s32 v38, v20;
	v44 =	vsel vm3, $0x1, v2;
	v37 =	vld.idx.msk [tilespmem:v58+s3+$0x0], $0xffff;
	v39 =	vadd.s32 v39, v35  }
0x1c9: {  	vm7 =	veq.s32 v43, v20;
	v47 =	vsel vm4, $0x1, v2;
	v38 =	vld.idx.msk [tilespmem:v57+s3+$0x0], $0xffff;
	v44 =	vadd.s32 v44, v39  }
0x1ca: {  	s25 =	sadd.s32 $0x80, s25;
	v46 =	vor.u32 v5, v55;
	v43 =	vld.idx.msk [tilespmem:v45+s3+$0x0], $0xffff;
	v45 =	vadd.s32 v47, v44;
	v47 =	vsel vm7, $0x1, v2  }
0x1cb: {  	_ =	sdelay $0x3  }
0x1cc: {  	v42 =	vld.idx.msk [tilespmem:v42+s3+$0x0], $0xffff  }
0x1cd: {  	v40 =	vld.idx.msk [tilespmem:v40+s3+$0x0], $0xffff  }
0x1ce: {  	v41 =	vld.idx.msk [tilespmem:v41+s3+$0x0], $0xffff  }
0x1cf: {  	v36 =	vld.idx.msk [tilespmem:v36+s3+$0x0], $0xffff;
	v47 =	vadd.s32 v47, v45;
	(v2sf) =	vpush v21, $0xF  }
0x1d0: {  	vm8 =	vmmov vm5;
	v46 =	vld.idx.msk [tilespmem:v46+s3+$0x0], $0xffff;
	vm10 =	vmmov vm6;
	v34 =	vxor.u32 v22, v34  }
0x1d1: {  	v32 =	vxor.u32 v22, v32;
	v29 =	vxor.u32 v22, v29;
	v26 =	vxor.u32 v22, v26  }
0x1d2: {  	v25 =	vxor.u32 v22, v25;
	v19 =	vsub.s32 $0x10, v19;
	v48 =	vshrl.u32 v38, $0x18  }
0x1d3: {  	v52 =	vshrl.u32 v43, $0x18;
	v50 =	vshrl.u32 v41, $0x18;
	v51 =	vshrl.u32 v42, $0x18  }
0x1d4: {  	v62 =	vshrl.u32 v36, $0x18;
	v53 =	vshrl.u32 v40, $0x18;
	vm9 =	veq.s32 v50, v20  }
0x1d5: {  	v63 =	vshrl.u32 v46, $0x18;
	vm12 =	veq.s32 v62, v20;
	v54 =	vsel vm9, $0x1, v2  }
0x1d6: {  	vm5 =	veq.s32 v63, v20;
	v56 =	vsel vm12, $0x1, v2;
	v54 =	vadd.s32 v54, v47  }
0x1d7: {  	[tilespmem:v45+s16+$0x0] =	vst.idx.msk vm7, v27;
	vm6 =	veq.s32 v53, v20;
	v57 =	vsel vm5, $0x1, v2;
	v50 =	vadd.s32 v56, v54  }
0x1d8: {  	[tilespmem:v44+s16+$0x0] =	vst.idx.msk vm4, v28;
	vm11 =	veq.s32 v51, v20;
	v58 =	vsel vm6, $0x1, v2;
	v53 =	vadd.s32 v57, v50  }
0x1d9: {  	[tilespmem:v39+s16+$0x0] =	vst.idx.msk vm3, v32;
	vm7 =	veq.s32 v52, v20;
	v60 =	vsel vm11, $0x1, v2;
	v59 =	vadd.s32 v58, v53  }
0x1da: {  	[tilespmem:v35+s16+$0x0] =	vst.idx.msk vm2, v34;
	vm4 =	veq.s32 v48, v20;
	v62 =	vsel vm7, $0x1, v2;
	v61 =	vadd.s32 v60, v59  }
0x1db: {  	v17 =	vsub.s32 v18, v17;
	[tilespmem:v33+s16+$0x0] =	vst.idx.msk vm1, v29;
	v49 =	vshrl.u32 v37, $0x18;
	v63 =	vadd.s32 v62, v61  }
0x1dc: {  	[tilespmem:v30+s16+$0x0] =	vst.idx.msk vm0, v26;
	vm13 =	veq.s32 v19, v0;
	vm15 =	veq.s32 v49, v20;
	v20 =	vsel vm4, $0x1, v2  }
0x1dd: {  	v24 =	vxor.u32 v22, v24;
	v17 =	vnsel vm13, $0x0, v17;
	[tilespmem:v31+s16+$0x0] =	vst.idx.msk vm10, v25;
	v20 =	vadd.s32 v20, v63  }
0x1de: {  	(xrf0) =	vadd.scan.msk.s32 $0xffff, v17;
	v17 =	vxor.u32 v22, v43;
	[tilespmem:v23+s16+$0x0] =	vst.idx.msk vm8, v24;
	s24 =	spop (v2sf)  }
0x1df: {  	v19 =	vxor.u32 v22, v38;
	s24 =	sadd.s32 $0xF, s24;
	[tilespmem:v61+s16+$0x0] =	vst.idx.msk vm7, v17  }
0x1e0: {  	s25 =	sand.u32 $0xF, s24;
	v17 =	vxor.u32 v22, v40;
	[tilespmem:v63+s16+$0x0] =	vst.idx.msk vm4, v19  }
0x1e1: {  	v18 =	vxor.u32 v22, v37;
	s31 =	sshra.s32 s24, $0x1F;
	p1 =	slt.s32 s24, $0x1;
	p0 =	sne.s32 s25, $0x0;
	[tilespmem:v53+s16+$0x0] =	vst.idx.msk vm6, v17  }
.Ltmp9:
0x1e2: {  	s25 =	sshrl.u32 s31, $0x1C;
	[tilespmem:v20+s16+$0x0] =	vst.idx.msk vm15, v18;
	v18 =	vxor.u32 v22, v42;
	p0 =	por !p1, !p0;
	(pc) =	sbr.rel .LBB2_13-.Ltmp9, $4  }
0x1e3: {  	s24 =	sadd.s32 s25, s24;
	s25 =	simm.s32 $0x1;
	[tilespmem:v59+s16+$0x0] =	vst.idx.msk vm11, v18;
	v18 =	vxor.u32 v22, v46;
	p0 =	por !p0, !p0  }
0x1e4: {  	s24 =	sshra.s32 s24, $0x4;
	[tilespmem:v50+s16+$0x0] =	vst.idx.msk vm5, v18;
	s25 =	simm.s32 @!p0 $0x0;
	v18 =	vxor.u32 v22, v41  }
0x1e5: {  	vm14 =	vmmov vm12;
	v17 =	vxor.u32 v22, v36;
	v19, _, _ =	vpop (xrf0);
	s24 =	ssub.s32 s24, s25;
	[tilespmem:v47+s16+$0x0] =	vst.idx.msk vm9, v18;
	v18 =	vbroadcast v21, $0xF  }
0x1e6: {  	vm15 =	vmmov vm9;
	[tilespmem:v54+s16+$0x0] =	vst.idx.msk vm12, v17;
	v17 =	vimm.s32 $0x0;
	v16 =	vsub.s32 v16, v19;
	s25 =	simm.s32 $0x0;
	p0 =	slt.s32 s24, $0x1  }
.LBB2_15:
0x1e7: {  	v22 =	vimm.s32 $0x0  }
.LBB2_20:
0x1e8: {  	vm0 =	vge.s32 @p1 v25, v19;
	vm1 =	vlt.s32 @p1 v27, v18  }
0x1e9: {  	v23 =	vand.u32 $0xFFFFFF, v26;
	vm0 =	vmand @p1 vm1, vm0  }
0x1ea: {  	vm15 =	vlt.s32 v21, v18;
	vm14 =	vge.s32 v23, v19;
	v24 =	vsel @p1 vm0, $0x1, v2  }
0x1eb: {  	vm0 =	vmand vm15, vm14;
	v21 =	vadd.s32 @p1 v24, v22  }
0x1ec: {  	v20 =	vpsel p1, v21, v20;
	v21 =	vsel vm0, $0x1, v2  }
0x1ed: {  	v20 =	vadd.s32 v21, v20  }
.LBB2_21:
0x1ee: {  	(xrf0) =	vadd.scan.msk.s32 $0xffff, v20;
	_ =	sdelay $0x5  }
0x1ef: {  	v20, _, _ =	vpop (xrf0)  }
0x1f0: {  	s25 =	sadd.s32 $0x1, s25;
	vm0 =	vlt.s32 v20, v16  }
0x1f1: {  	p1 =	seq.s32 s25, $0x18;
	v20 =	vsel vm0, $0x1, v2  }
.Ltmp10:
0x1f2: {  	v20 =	vbroadcast v20, $0xF;
	(pc) =	sbr.rel @p1 .LBB2_22-.Ltmp10, $4  }
0x1f3: {  	_ = 	snop  }
0x1f4: {  	v20 =	vand.u32 $0x1, v20  }
0x1f5: {  	vm15 =	veq.s32 v20, $0x1  }
0x1f6: {  	v17 =	vsel vm15, v17, v19  }
.LBB2_13:
.Ltmp11:
0x1f7: {  	(pc) =	sbr.rel @p0 .LBB2_21-.Ltmp11, $3  }
0x1f8: {  	_ =	sdelay $0x1  }
0x1f9: {  	s26 =	sshrl.u32 s17, s25  }
0x1fa: {  	v20 =	vimm.s32 $0x0;
	v19 =	vor.u32 s26, v17  }
0x1fb: {  	s26 =	simm.s32 $0x0  }
0x1fc: {  	v21 =	vor.u32 s26, v0;
	_ =	sdelay $0x2  }
0x1fd: {  	p2 =	seq.s32 s24, $0x1  }
.Ltmp12:
0x1fe: {  	_ = 	snop;
	(pc) =	sbr.rel @p2 .LBB2_15-.Ltmp12, $2  }
0x1ff: {  	v26 =	vld.idx.msk [tilespmem:v21+s16+$0x0], $0xffff;
	_ =	sdelay $0x2  }
0x200: {  	v20 =	vimm.s32 $0x0;
	s28 =	simm.s32 $0x10;
	p1 =	por $0x0, $0x0;
	s26 =	sadd.s32 $0xFFFFFFFF, s24  }
0x201: {  	v23 =	vor.u32 s28, v0;
	p2 =	seq.s32 s26, $0x1  }
.Ltmp13:
0x202: {  	_ = 	snop;
	(pc) =	sbr.rel @p2 .LBB2_17-.Ltmp13, $2  }
0x203: {  	_ =	sdelay $0x2  }
0x204: {  	s26 =	sadd.s32 $0xFFFFFFFF, s26;
	s28 =	simm.s32 $0x20;
	p1 =	por $0x1, $0x1;
	v22 =	vimm.s32 $0x0;
	v25 =	vand.u32 $0xFFFFFF, v26;
	v24 =	vld.idx.msk [tilespmem:v23+s16+$0x0], $0xffff  }
.LBB2_18:
0x205: {  	p2 =	seq.s32 s26, $0x1;
	s26 =	sadd.s32 $0xFFFFFFFF, s26;
	vm0 =	vge.s32 v25, v19;
	vm1 =	vlt.s32 v21, v18;
	v21 =	vmovc v23;
	v23 =	vor.u32 s28, v0  }
.Ltmp14:
0x206: {  	vm0 =	vmand vm1, vm0;
	(pc) =	sbr.rel @!p2 .LBB2_18-.Ltmp14, $3  }
0x207: {  	v25 =	vsel vm0, $0x1, v2  }
0x208: {  	v22 =	vadd.s32 v25, v22;
	_ =	sdelay $0x1  }
0x209: {  	s28 =	sadd.s32 $0x10, s28;
	v25 =	vand.u32 $0xFFFFFF, v24;
	v24 =	vld.idx.msk [tilespmem:v23+s16+$0x0], $0xffff  }
.Ltmp15:
0x20a: {  	_ = 	snop;
	(pc) =	sbr.rel .LBB2_20-.Ltmp15, $2  }
0x20b: {  	_ =	sdelay $0x2  }
0x20c: {  	v27 =	vmov v21;
	v21 =	vmov v23;
	v26 =	vmov v24  }
.LBB2_17:
.Ltmp16:
0x20d: {  	_ = 	snop;
	(pc) =	sbr.rel .LBB2_20-.Ltmp16, $2  }
0x20e: {  	_ =	sdelay $0x2  }
0x20f: {  	v27 =	vmovc v21;
	v21 =	vmov v23;
	v22 =	vimm.s32 $0x0;
	v26 =	vmov v24  }
.LBB2_22:
0x210: {  	s24 =	sshll.u32 s23, $0x1  }
0x211: {  	v16 =	vmov s24  }
0x212: {  	s25 =	simm.s32 $0x0;
	v16 =	vbroadcast v16, $0x0  }
0x213: {  	v18 =	vmov s25  }
0x214: {  	s26 =	sadd.s32 $0x2, s24;
	v18 =	vshrl.u32 v18, $0x7  }
0x215: {  	v15 =	vshll.u32 v15, $0x18;
	s28 =	sand.u32 $0x18, s26;
	s26 =	sshll.u32 s26, $0x4;
	v18 =	vshll.u32 v18, $0x7  }
0x216: {  	v15 =	vor.u32 v15, v17;
	s28 =	sor.u32 s4, s28;
	s26 =	sand.u32 $0x60, s26;
	v17 =	vbroadcast v18, $0x0  }
0x217: {  	v15 =	vxor.u32 $0x80000000, v15;
	s28 =	sshll.u32 s28, $0xB;
	s26 =	sadd.s32 s2, s26  }
0x218: {  	s26 =	sadd.s32 s28, s26;
	[tilespmem:v16+s18+$0x0] =	vst.idx.msk $0x1, v15;
	v15 =	vor.u32 v10, v17  }
0x219: {  	v16 =	vor.u32 v0, v17;
	[tilespmem:s25], [sflag:$0x1] =	stream.strided.gather [hbm4b:s26+s10], $0x4000, s11, s10, $0x38;
	[tilespmem:$0xD200] =	vst v63  }
0x21a: {  	v18 =	vor.u32 v4, v17;
	_ =	swait.ge [sflag:s19], $0x4000  }
0x21b: {  	v19 =	vor.u32 v5, v17;
	[sflag:s19] =	ssyncset.done $0x0  }
0x21c: {  	v20 =	vor.u32 v6, v17;
	[sflag:s19] =	ssyncadd.s32 $0xFFFFC000  }
0x21d: {  	v21 =	vor.u32 v7, v17;
	v15 =	vld.idx.msk [tilespmem:v15+s12+$0x0], $0xffff  }
0x21e: {  	v22 =	vor.u32 v8, v17;
	v16 =	vld.idx.msk [tilespmem:v16+s12+$0x0], $0xffff  }
0x21f: {  	v17 =	vor.u32 v9, v17;
	v18 =	vld.idx.msk [tilespmem:v18+s12+$0x0], $0xffff  }
0x220: {  	v19 =	vld.idx.msk [tilespmem:v19+s12+$0x0], $0xffff  }
0x221: {  	v20 =	vld.idx.msk [tilespmem:v20+s12+$0x0], $0xffff  }
0x222: {  	v21 =	vld.idx.msk [tilespmem:v21+s12+$0x0], $0xffff  }
0x223: {  	v22 =	vld.idx.msk [tilespmem:v22+s12+$0x0], $0xffff  }
0x224: {  	v17 =	vld.idx.msk [tilespmem:v17+s12+$0x0], $0xffff;
	_ =	sdelay $0x1  }
0x225: {  	v15 =	vshrl.u32 v15, $0x18  }
0x226: {  	v16 =	vshrl.u32 v16, $0x18;
	v18 =	vshrl.u32 v18, $0x18;
	v19 =	vshrl.u32 v19, $0x18  }
0x227: {  	v20 =	vshrl.u32 v20, $0x18;
	v21 =	vshrl.u32 v21, $0x18;
	v22 =	vshrl.u32 v22, $0x18  }
0x228: {  	v17 =	vshrl.u32 v17, $0x18;
	v23 =	vxor.u32 v0, v15;
	v15 =	vand.u32 $0x80, v15  }
0x229: {  	s31 =	simm.s32 $0x80;
	v24 =	vxor.u32 v0, v16;
	v23 =	vand.u32 $0x7F, v23;
	v15 =	vor.u32 v1, v15  }
0x22a: {  	v16 =	vand.u32 $0x80, v16;
	v15 =	vor.u32 v23, v15;
	v23 =	vmov s31  }
0x22b: {  	v25 =	vxor.u32 v0, v18;
	v18 =	vand.u32 $0x80, v18;
	v23 =	vshrl.u32 v23, $0x7  }
0x22c: {  	v26 =	vxor.u32 v0, v19;
	v19 =	vand.u32 $0x80, v19;
	v23 =	vshll.u32 v23, $0x7  }
0x22d: {  	v27 =	vxor.u32 v0, v20;
	v20 =	vand.u32 $0x80, v20;
	v23 =	vbroadcast v23, $0x0  }
0x22e: {  	v36 =	vxor.u32 v0, v22;
	v22 =	vand.u32 $0x80, v22;
	v37 =	vxor.u32 v0, v17  }
0x22f: {  	v17 =	vand.u32 $0x80, v17;
	v24 =	vand.u32 $0x7F, v24;
	v30 =	vor.u32 v10, v23  }
0x230: {  	v18 =	vor.u32 v1, v18;
	v26 =	vand.u32 $0x7F, v26;
	v28 =	vor.u32 v0, v23  }
0x231: {  	v19 =	vor.u32 v1, v19;
	v27 =	vand.u32 $0x7F, v27;
	v29 =	vor.u32 v4, v23  }
0x232: {  	v20 =	vor.u32 v1, v20;
	v22 =	vor.u32 v1, v22;
	v31 =	vor.u32 v5, v23  }
0x233: {  	v62 =	vand.u32 $0x7F, v37;
	v32 =	vor.u32 v6, v23;
	v33 =	vor.u32 v7, v23;
	[tilespmem:v15+s9+$0x0] =	vst.idx.add.s32.msk $0xffff, v3  }
0x234: {  	v34 =	vor.u32 v8, v23;
	v15 =	vor.u32 v1, v16;
	v16 =	vand.u32 $0x7F, v25;
	v25 =	vld.idx.msk [tilespmem:v30+s12+$0x0], $0xffff  }
0x235: {  	v35 =	vor.u32 v9, v23;
	v23 =	vxor.u32 v0, v21;
	v21 =	vand.u32 $0x80, v21;
	v28 =	vld.idx.msk [tilespmem:v28+s12+$0x0], $0xffff  }
0x236: {  	v21 =	vor.u32 v1, v21;
	v63 =	vor.u32 v24, v15;
	v18 =	vor.u32 v16, v18;
	v38 =	vld.idx.msk [tilespmem:v29+s12+$0x0], $0xffff  }
0x237: {  	v16 =	vor.u32 v1, v17;
	v15 =	vor.u32 v26, v19;
	v17 =	vor.u32 v27, v20;
	v31 =	vld.idx.msk [tilespmem:v31+s12+$0x0], $0xffff  }
0x238: {  	v16 =	vor.u32 v62, v16;
	v30 =	vand.u32 $0x7F, v23;
	v29 =	vand.u32 $0x7F, v36;
	v23 =	vld.idx.msk [tilespmem:v32+s12+$0x0], $0xffff  }
0x239: {  	v24 =	vld.idx.msk [tilespmem:v33+s12+$0x0], $0xffff;
	v21 =	vor.u32 v30, v21;
	v19 =	vor.u32 v29, v22;
	v20 =	vshrl.u32 v25, $0x18  }
0x23a: {  	v25 =	vld.idx.msk [tilespmem:v34+s12+$0x0], $0xffff;
	v29 =	vshrl.u32 v28, $0x18;
	v22 =	vxor.u32 v0, v20;
	v20 =	vand.u32 $0x80, v20  }
0x23b: {  	v26 =	vld.idx.msk [tilespmem:v35+s12+$0x0], $0xffff;
	v28 =	vshrl.u32 v38, $0x18;
	v22 =	vand.u32 $0x7F, v22;
	v30 =	vor.u32 v1, v20  }
0x23c: {  	s25 =	simm.s32 $0x8;
	s26 =	simm.s32 $0x100;
	[tilespmem:v63+s9+$0x0] =	vst.idx.add.s32.msk $0xffff, v3;
	v27 =	vshrl.u32 v31, $0x18;
	v20 =	vxor.u32 v0, v29;
	v22 =	vor.u32 v22, v30  }
.LBB2_23:
0x23d: {  	v30 =	vmov s26;
	s25 =	sadd.s32 $0x8, s25;
	v29 =	vand.u32 $0x80, v29;
	v23 =	vshrl.u32 v23, $0x18;
	[tilespmem:v18+s9+$0x0] =	vst.idx.add.s32.msk $0xffff, v3  }
0x23e: {  	v24 =	vshrl.u32 v24, $0x18;
	v18 =	vshrl.u32 v30, $0x7;
	p0 =	slt.u32 s25, $0x3F8;
	v30 =	vxor.u32 v0, v28;
	[tilespmem:v15+s9+$0x0] =	vst.idx.add.s32.msk $0xffff, v3  }
0x23f: {  	v25 =	vshrl.u32 v25, $0x18;
	v15 =	vshll.u32 v18, $0x7;
	v18 =	vand.u32 $0x80, v28;
	[tilespmem:v17+s9+$0x0] =	vst.idx.add.s32.msk $0xffff, v3  }
0x240: {  	v17 =	vxor.u32 v0, v27;
	v26 =	vshrl.u32 v26, $0x18;
	v15 =	vbroadcast v15, $0x0;
	[tilespmem:v21+s9+$0x0] =	vst.idx.add.s32.msk $0xffff, v3  }
0x241: {  	v21 =	vand.u32 $0x80, v27;
	v27 =	vxor.u32 v0, v23;
	v23 =	vand.u32 $0x80, v23;
	[tilespmem:v22+s9+$0x0] =	vst.idx.add.s32.msk $0xffff, v3  }
0x242: {  	v22 =	vor.u32 v0, v15;
	v28 =	vor.u32 v4, v15;
	v31 =	vor.u32 v10, v15  }
0x243: {  	v32 =	vor.u32 v5, v15;
	v33 =	vor.u32 v6, v15;
	v34 =	vor.u32 v7, v15  }
0x244: {  	v35 =	vor.u32 v8, v15;
	v36 =	vor.u32 v9, v15;
	v15 =	vxor.u32 v0, v24  }
0x245: {  	v37 =	vxor.u32 v0, v25;
	v25 =	vand.u32 $0x80, v25;
	v24 =	vand.u32 $0x80, v24;
	[tilespmem:v19+s9+$0x0] =	vst.idx.add.s32.msk $0xffff, v3  }
0x246: {  	v19 =	vand.u32 $0x7F, v20;
	v20 =	vxor.u32 v0, v26;
	v26 =	vand.u32 $0x80, v26;
	[tilespmem:v16+s9+$0x0] =	vst.idx.add.s32.msk $0xffff, v3  }
0x247: {  	v29 =	vor.u32 v1, v29;
	v30 =	vand.u32 $0x7F, v30;
	v18 =	vor.u32 v1, v18;
	v16 =	vld.idx.msk [tilespmem:v31+s12+$0x0], $0xffff  }
0x248: {  	v17 =	vand.u32 $0x7F, v17;
	v21 =	vor.u32 v1, v21;
	v27 =	vand.u32 $0x7F, v27;
	v22 =	vld.idx.msk [tilespmem:v22+s12+$0x0], $0xffff  }
0x249: {  	v38 =	vand.u32 $0x7F, v15;
	v39 =	vor.u32 v1, v24;
	v31 =	vor.u32 v1, v23;
	v28 =	vld.idx.msk [tilespmem:v28+s12+$0x0], $0xffff  }
0x24a: {  	v37 =	vand.u32 $0x7F, v37;
	v40 =	vor.u32 v1, v25;
	v20 =	vand.u32 $0x7F, v20;
	v32 =	vld.idx.msk [tilespmem:v32+s12+$0x0], $0xffff  }
0x24b: {  	v18 =	vor.u32 v30, v18;
	v26 =	vor.u32 v1, v26;
	v23 =	vld.idx.msk [tilespmem:v33+s12+$0x0], $0xffff;
	v33 =	vor.u32 v19, v29  }
.Ltmp17:
0x24c: {  	v15 =	vor.u32 v17, v21;
	v21 =	vor.u32 v38, v39;
	v17 =	vor.u32 v27, v31;
	v24 =	vld.idx.msk [tilespmem:v34+s12+$0x0], $0xffff;
	(pc) =	sbr.rel @p0 .LBB2_23-.Ltmp17, $4  }
0x24d: {  	v19 =	vor.u32 v37, v40;
	v27 =	vshrl.u32 v16, $0x18;
	v16 =	vor.u32 v20, v26;
	v25 =	vld.idx.msk [tilespmem:v35+s12+$0x0], $0xffff  }
0x24e: {  	v29 =	vshrl.u32 v22, $0x18;
	v20 =	vxor.u32 v0, v27;
	v22 =	vand.u32 $0x80, v27;
	v26 =	vld.idx.msk [tilespmem:v36+s12+$0x0], $0xffff  }
0x24f: {  	v28 =	vshrl.u32 v28, $0x18;
	v30 =	vand.u32 $0x7F, v20;
	v22 =	vor.u32 v1, v22  }
0x250: {  	s26 =	sadd.s32 $0x80, s26;
	v20 =	vxor.u32 v0, v29;
	v27 =	vshrl.u32 v32, $0x18;
	v22 =	vor.u32 v30, v22;
	[tilespmem:v33+s9+$0x0] =	vst.idx.add.s32.msk $0xffff, v3  }
0x251: {  	v29 =	vand.u32 $0x80, v29;
	v23 =	vshrl.u32 v23, $0x18  }
0x252: {  	v30 =	vxor.u32 v0, v28;
	v24 =	vshrl.u32 v24, $0x18;
	v28 =	vand.u32 $0x80, v28  }
0x253: {  	v31 =	vxor.u32 v0, v27;
	v27 =	vand.u32 $0x80, v27;
	v20 =	vand.u32 $0x7F, v20  }
0x254: {  	v25 =	vshrl.u32 v25, $0x18;
	v32 =	vxor.u32 v0, v23;
	v23 =	vand.u32 $0x80, v23  }
0x255: {  	v33 =	vxor.u32 v0, v24;
	v24 =	vand.u32 $0x80, v24;
	v29 =	vor.u32 v1, v29  }
0x256: {  	s25 =	simm.s32 $0x10;
	s26 =	simm.s32 $0x0;
	[tilespmem:v15+s9+$0x0] =	vst.idx.add.s32.msk $0xffff, v3;
	v30 =	vand.u32 $0x7F, v30;
	v28 =	vor.u32 v1, v28;
	v31 =	vand.u32 $0x7F, v31  }
0x257: {  	[tilespmem:v17+s9+$0x0] =	vst.idx.add.s32.msk $0xffff, v3;
	v27 =	vor.u32 v1, v27;
	v15 =	vmov s25;
	v17 =	vor.u32 s26, v0  }
0x258: {  	v26 =	vshrl.u32 v26, $0x18;
	v34 =	vxor.u32 v0, v25;
	v25 =	vand.u32 $0x80, v25  }
0x259: {  	v32 =	vand.u32 $0x7F, v32;
	v23 =	vor.u32 v1, v23;
	v33 =	vand.u32 $0x7F, v33  }
0x25a: {  	v24 =	vor.u32 v1, v24;
	v29 =	vor.u32 v20, v29;
	v28 =	vor.u32 v30, v28  }
0x25b: {  	v30 =	vor.u32 $0x100, v15;
	v60 =	vor.u32 $0xB00, v15;
	v47 =	vor.u32 $0xF00, v15  }
0x25c: {  	vm13 =	vlt.u32 v15, $0x80;
	v35 =	vxor.u32 v0, v26;
	v26 =	vand.u32 $0x80, v26  }
0x25d: {  	v34 =	vand.u32 $0x7F, v34;
	v25 =	vor.u32 v1, v25;
	v23 =	vor.u32 v32, v23  }
0x25e: {  	v24 =	vor.u32 v33, v24;
	v30 =	vand.u32 $0x180, v30;
	v49 =	vsel vm13, $0x80, v11  }
0x25f: {  	[tilespmem:v18+s9+$0x0] =	vst.idx.add.s32.msk $0xffff, v3;
	v18 =	vand.u32 $0x7F, v35;
	v20 =	vor.u32 v1, v26;
	v26 =	vor.u32 v31, v27  }
0x260: {  	v25 =	vor.u32 v34, v25;
	v27 =	vor.u32 v18, v20;
	v18 =	vmov s26  }
0x261: {  	[tilespmem:v21+s9+$0x0] =	vst.idx.add.s32.msk $0xffff, v3;
	v20 =	vor.u32 s25, v0;
	v31 =	vor.u32 $0xD00, v18;
	v21 =	vor.u32 $0xE00, v18  }
0x262: {  	[tilespmem:v22+s9+$0x0] =	vst.idx.add.s32.msk $0xffff, v3;
	v55 =	vor.u32 $0xF00, v18;
	v56 =	vor.u32 $0xA00, v18;
	v22 =	vor.u32 $0xB00, v18  }
0x263: {  	[tilespmem:v19+s9+$0x0] =	vst.idx.add.s32.msk $0xffff, v3;
	v57 =	vor.u32 $0xC00, v18;
	v58 =	vor.u32 $0x700, v18;
	v19 =	vor.u32 $0x800, v18  }
0x264: {  	[tilespmem:v16+s9+$0x0] =	vst.idx.add.s32.msk $0xffff, v3;
	v36 =	vor.u32 $0x900, v18;
	v37 =	vor.u32 $0x400, v18;
	v16 =	vor.u32 $0x500, v18  }
0x265: {  	v38 =	vor.u32 $0x600, v18;
	v39 =	vor.u32 $0x100, v18;
	v40 =	vor.u32 $0x300, v18;
	[tilespmem:v29+s9+$0x0] =	vst.idx.add.s32.msk $0xffff, v3  }
0x266: {  	v41 =	vor.u32 $0x200, v18;
	v29 =	vand.u32 $0x6F, v17;
	[tilespmem:v28+s9+$0x0] =	vst.idx.add.s32.msk $0xffff, v3;
	v16 =	vand.u32 $0x580, v16  }
0x267: {  	v28 =	vand.u32 $0x180, v39;
	v59 =	vand.u32 $0x280, v41;
	[tilespmem:v23+s9+$0x0] =	vst.idx.add.s32.msk $0xffff, v3;
	v16 =	vor.u32 v16, v29  }
0x268: {  	v21 =	vand.u32 $0xE80, v21;
	[tilespmem:v26+s9+$0x0] =	vst.idx.add.s32.msk $0xffff, v3;
	v26 =	vor.u32 v28, v29;
	v16 =	vxor.u32 $0x5, v16  }
0x269: {  	[tilespmem:v24+s9+$0x0] =	vst.idx.add.s32.msk $0xffff, v3;
	v28 =	vor.u32 v59, v29;
	v23 =	vxor.u32 $0x1, v26;
	v26 =	vand.u32 $0x380, v40  }
0x26a: {  	[tilespmem:v25+s9+$0x0] =	vst.idx.add.s32.msk $0xffff, v3;
	v28 =	vxor.u32 $0x2, v28;
	v24 =	vor.u32 v26, v29;
	v26 =	vand.u32 $0x480, v37  }
0x26b: {  	v19 =	vand.u32 $0x880, v19;
	[tilespmem:v27+s9+$0x0] =	vst.idx.add.s32.msk $0xffff, v3;
	v24 =	vxor.u32 $0x3, v24;
	v25 =	vor.u32 v26, v29  }
0x26c: {  	v19 =	vor.u32 v19, v29;
	v27 =	vld.idx.msk [tilespmem:v17+s9+$0x0], $0xffff;
	v26 =	vand.u32 $0x680, v38;
	v25 =	vxor.u32 $0x4, v25  }
0x26d: {  	v35 =	vand.u32 $0x780, v58;
	v19 =	vxor.u32 $0x8, v19;
	v26 =	vor.u32 v26, v29;
	v16 =	vld.idx.msk [tilespmem:v16+s9+$0x0], $0xffff  }
0x26e: {  	v22 =	vand.u32 $0xB80, v22;
	v35 =	vor.u32 v35, v29;
	v26 =	vxor.u32 $0x6, v26;
	v23 =	vld.idx.msk [tilespmem:v23+s9+$0x0], $0xffff  }
0x26f: {  	v36 =	vand.u32 $0x980, v36;
	v22 =	vor.u32 v22, v29;
	v35 =	vxor.u32 $0x7, v35;
	v28 =	vld.idx.msk [tilespmem:v28+s9+$0x0], $0xffff  }
0x270: {  	v33 =	vand.u32 $0xA80, v56;
	v36 =	vor.u32 v36, v29;
	v22 =	vxor.u32 $0xB, v22;
	v24 =	vld.idx.msk [tilespmem:v24+s9+$0x0], $0xffff  }
0x271: {  	v34 =	vand.u32 $0xC80, v57;
	v33 =	vor.u32 v33, v29;
	v36 =	vxor.u32 $0x9, v36;
	v25 =	vld.idx.msk [tilespmem:v25+s9+$0x0], $0xffff  }
0x272: {  	v31 =	vand.u32 $0xD80, v31;
	v34 =	vor.u32 v34, v29;
	v33 =	vxor.u32 $0xA, v33;
	v19 =	vld.idx.msk [tilespmem:v19+s9+$0x0], $0xffff  }
0x273: {  	v31 =	vor.u32 v31, v29;
	v34 =	vxor.u32 $0xC, v34;
	v26 =	vld.idx.msk [tilespmem:v26+s9+$0x0], $0xffff;
	v23 =	vadd.s32 v27, v23  }
0x274: {  	v21 =	vor.u32 v21, v29;
	v27 =	vld.idx.msk [tilespmem:v35+s9+$0x0], $0xffff;
	v23 =	vadd.s32 v28, v23;
	v28 =	vxor.u32 $0xD, v31  }
0x275: {  	v32 =	vand.u32 $0xF80, v55;
	v21 =	vxor.u32 $0xE, v21;
	v22 =	vld.idx.msk [tilespmem:v22+s9+$0x0], $0xffff;
	v23 =	vadd.s32 v24, v23  }
0x276: {  	vm0 =	vlt.u32 v18, $0x80;
	v29 =	vor.u32 v32, v29;
	v24 =	vld.idx.msk [tilespmem:v36+s9+$0x0], $0xffff;
	v23 =	vadd.s32 v25, v23  }
0x277: {  	v29 =	vxor.u32 $0xF, v29;
	v25 =	vld.idx.msk [tilespmem:v33+s9+$0x0], $0xffff;
	v16 =	vadd.s32 v16, v23;
	v23 =	vand.u32 $0x7F, v20  }
0x278: {  	v31 =	vor.u32 $0x200, v15;
	v16 =	vadd.s32 v26, v16;
	v26 =	vld.idx.msk [tilespmem:v34+s9+$0x0], $0xffff;
	v30 =	vor.u32 v30, v23  }
0x279: {  	v31 =	vand.u32 $0x280, v31;
	v16 =	vadd.s32 v27, v16;
	v27 =	vld.idx.msk [tilespmem:v28+s9+$0x0], $0xffff;
	v28 =	vxor.u32 $0x1, v30  }
0x27a: {  	v30 =	vor.u32 $0x300, v15;
	v16 =	vadd.s32 v19, v16;
	v19 =	vld.idx.msk [tilespmem:v21+s9+$0x0], $0xffff;
	v21 =	vor.u32 v31, v23  }
0x27b: {  	v30 =	vand.u32 $0x380, v30;
	v16 =	vadd.s32 v24, v16;
	v21 =	vxor.u32 $0x2, v21  }
0x27c: {  	v24 =	vld.idx.msk [tilespmem:v29+s9+$0x0], $0xffff;
	v29 =	vor.u32 $0x400, v15;
	v16 =	vadd.s32 v25, v16;
	v25 =	vor.u32 v30, v23  }
0x27d: {  	v29 =	vand.u32 $0x480, v29;
	v30 =	vor.u32 $0x900, v15;
	v16 =	vadd.s32 v22, v16  }
0x27e: {  	v22 =	vxor.u32 $0x3, v25;
	v25 =	vor.u32 $0x500, v15;
	v16 =	vadd.s32 v26, v16  }
0x27f: {  	v26 =	vor.u32 v29, v23;
	v25 =	vand.u32 $0x580, v25;
	v29 =	vor.u32 $0x600, v15  }
0x280: {  	v16 =	vadd.s32 v27, v16;
	v27 =	vld.idx.msk [tilespmem:v20+s9+$0x0], $0xffff;
	v26 =	vxor.u32 $0x4, v26;
	v25 =	vor.u32 v25, v23  }
0x281: {  	v16 =	vadd.s32 v19, v16;
	v19 =	vld.idx.msk [tilespmem:v28+s9+$0x0], $0xffff;
	v28 =	vand.u32 $0x680, v29;
	v29 =	vor.u32 $0x800, v15  }
0x282: {  	v21 =	vld.idx.msk [tilespmem:v21+s9+$0x0], $0xffff;
	v16 =	vadd.s32 v24, v16;
	v24 =	vxor.u32 $0x5, v25;
	v25 =	vor.u32 $0x700, v15  }
0x283: {  	p0 =	por $0x1, $0x1;
	s25 =	simm.s32 $0xF;
	s26 =	simm.s32 $0x8;
	v28 =	vor.u32 v28, v23;
	v29 =	vand.u32 $0x880, v29;
	(xrf0) =	vadd.scan.msk.s32 $0xffff, v16;
	v25 =	vand.u32 $0x780, v25;
	v22 =	vld.idx.msk [tilespmem:v22+s9+$0x0], $0xffff  }
0x284: {  	s25 =	smov.u32 @p0 s26;
	v28 =	vxor.u32 $0x6, v28;
	v18 =	vor.u32 v25, v23;
	v25 =	vsel vm0, $0x80, v11  }
0x285: {  	v17 =	vxor.u32 v17, v25;
	v25 =	vld.idx.msk [tilespmem:v26+s9+$0x0], $0xffff;
	v26 =	vxor.u32 $0x7, v18;
	v18 =	vmov s25  }
0x286: {  	v19 =	vadd.s32 v27, v19;
	v27 =	vor.u32 v29, v23;
	v29 =	vand.u32 $0x980, v30  }
0x287: {  	v24 =	vld.idx.msk [tilespmem:v24+s9+$0x0], $0xffff;
	v21 =	vadd.s32 v21, v19;
	v27 =	vxor.u32 $0x8, v27;
	v19 =	vor.u32 $0xA00, v15  }
0x288: {  	v29 =	vor.u32 v29, v23;
	v31 =	vand.u32 $0xA80, v19;
	v21 =	vadd.s32 v22, v21  }
0x289: {  	v28 =	vld.idx.msk [tilespmem:v28+s9+$0x0], $0xffff;
	v61 =	vxor.u32 $0x9, v29;
	v29 =	vand.u32 $0xB80, v60;
	v30, _, _ =	vpop (xrf0);
	v22 =	vor.u32 v31, v23  }
0x28a: {  	v19 =	vbroadcast v30, $0xF;
	v30 =	vor.u32 $0xC00, v15;
	v21 =	vadd.s32 v25, v21  }
0x28b: {  	v25 =	vxor.u32 $0xA, v22;
	v22 =	vor.u32 v29, v23;
	v29 =	vand.u32 $0xC80, v30  }
0x28c: {  	s26 =	simm.s32 $0x20;
	v30 =	vor.u32 $0xD00, v15;
	v21 =	vadd.s32 v24, v21;
	v24 =	vxor.u32 $0xB, v22  }
0x28d: {  	s28 =	simm.s32 $0x50;
	[tilespmem:v17+s14+$0x0] =	vst.idx.msk $0xffff, v16;
	v22 =	vor.u32 v29, v23;
	v29 =	vand.u32 $0xD80, v30;
	v30 =	vmov s26  }
0x28e: {  	[tilespmem:v18+s15+$0x0] =	vst.idx.msk $0x1, v19;
	v19 =	vmov s28;
	v18 =	vor.u32 s28, v0;
	v21 =	vadd.s32 v28, v21  }
0x28f: {  	v22 =	vxor.u32 $0xC, v22;
	v28 =	vor.u32 $0xE00, v15;
	v31 =	vor.u32 v29, v23  }
0x290: {  	v29 =	vor.u32 s26, v0;
	v62 =	vor.u32 $0x100, v30;
	v44 =	vor.u32 $0x200, v30  }
0x291: {  	v45 =	vld.idx.msk [tilespmem:v27+s9+$0x0], $0xffff;
	v27 =	vor.u32 $0x300, v30;
	v52 =	vor.u32 $0xD00, v30;
	v53 =	vor.u32 $0xE00, v30  }
0x292: {  	v54 =	vor.u32 $0xF00, v30;
	v55 =	vor.u32 $0xA00, v30;
	v56 =	vor.u32 $0xB00, v30  }
0x293: {  	v42 =	vor.u32 $0xC00, v30;
	v43 =	vor.u32 $0x700, v30;
	v57 =	vor.u32 $0x800, v30  }
0x294: {  	v58 =	vor.u32 $0x400, v30;
	v59 =	vor.u32 $0x600, v30;
	vm14 =	vlt.u32 v30, $0x80  }
0x295: {  	v63 =	vand.u32 $0x6F, v29;
	v32 =	vand.u32 $0x180, v62;
	v35 =	vand.u32 $0x280, v44  }
0x296: {  	v26 =	vld.idx.msk [tilespmem:v26+s9+$0x0], $0xffff;
	v27 =	vand.u32 $0x380, v27;
	v46 =	vand.u32 $0xE80, v28;
	v28 =	vxor.u32 $0xD, v31  }
0x297: {  	v31 =	vand.u32 $0xF80, v47;
	v44 =	vor.u32 $0x900, v30;
	v39 =	vand.u32 $0xF80, v54  }
0x298: {  	v38 =	vand.u32 $0xE80, v53;
	v43 =	vand.u32 $0x780, v43;
	v40 =	vand.u32 $0xA80, v55  }
0x299: {  	v41 =	vand.u32 $0xB80, v56;
	v42 =	vand.u32 $0xC80, v42;
	v32 =	vor.u32 v32, v63  }
0x29a: {  	s25 =	simm.s32 $0xE;
	s26 =	simm.s32 $0x9;
	v37 =	vand.u32 $0xD80, v52;
	v35 =	vor.u32 v35, v63;
	v32 =	vxor.u32 $0x1, v32  }
0x29b: {  	s25 =	smov.u32 @p0 s26;
	v27 =	vor.u32 v27, v63;
	v21 =	vadd.s32 v26, v21;
	v35 =	vxor.u32 $0x2, v35  }
0x29c: {  	v26 =	vor.u32 v46, v23;
	v23 =	vor.u32 v31, v23;
	v15 =	vmov s25  }
0x29d: {  	v33 =	vld.idx.msk [tilespmem:v61+s9+$0x0], $0xffff;
	v43 =	vor.u32 v43, v63;
	v44 =	vand.u32 $0x980, v44;
	v40 =	vor.u32 v40, v63  }
0x29e: {  	v41 =	vor.u32 v41, v63;
	v42 =	vor.u32 v42, v63;
	v37 =	vor.u32 v37, v63;
	v31 =	vld.idx.msk [tilespmem:v29+s9+$0x0], $0xffff  }
0x29f: {  	v38 =	vor.u32 v38, v63;
	v34 =	vor.u32 v39, v63;
	v48 =	vxor.u32 $0x3, v27;
	v32 =	vld.idx.msk [tilespmem:v32+s9+$0x0], $0xffff  }
0x2a0: {  	v27 =	vxor.u32 $0xE, v26;
	v26 =	vxor.u32 $0xF, v23;
	v43 =	vxor.u32 $0x7, v43;
	v35 =	vld.idx.msk [tilespmem:v35+s9+$0x0], $0xffff  }
0x2a1: {  	v44 =	vor.u32 v44, v63;
	v40 =	vxor.u32 $0xA, v40;
	v41 =	vxor.u32 $0xB, v41  }
0x2a2: {  	p0 =	por $0x1, $0x1;
	s26 =	simm.s32 $0xA;
	s25 =	simm.s32 $0xD;
	v42 =	vxor.u32 $0xC, v42;
	v37 =	vxor.u32 $0xD, v37;
	v38 =	vxor.u32 $0xE, v38  }
0x2a3: {  	v25 =	vld.idx.msk [tilespmem:v25+s9+$0x0], $0xffff;
	v34 =	vxor.u32 $0xF, v34;
	s25 =	smov.u32 @p0 s26;
	v21 =	vadd.s32 v45, v21;
	v45 =	vor.u32 $0x500, v30  }
0x2a4: {  	v44 =	vxor.u32 $0x9, v44;
	v46 =	vmov s25;
	v31 =	vadd.s32 v31, v32  }
0x2a5: {  	v21 =	vadd.s32 v33, v21;
	v31 =	vadd.s32 v35, v31;
	v35 =	vand.u32 $0x480, v58  }
0x2a6: {  	v45 =	vand.u32 $0x580, v45;
	v33 =	vand.u32 $0x680, v59;
	v35 =	vor.u32 v35, v63  }
0x2a7: {  	v45 =	vor.u32 v45, v63;
	v33 =	vor.u32 v33, v63;
	v35 =	vxor.u32 $0x4, v35  }
0x2a8: {  	s30 =	simm.s32 $0x30;
	v24 =	vld.idx.msk [tilespmem:v24+s9+$0x0], $0xffff;
	v23 =	vadd.s32 v25, v21;
	v25 =	vxor.u32 v20, v49;
	v45 =	vxor.u32 $0x5, v45  }
0x2a9: {  	v22 =	vld.idx.msk [tilespmem:v22+s9+$0x0], $0xffff;
	v20 =	vmov s30;
	v33 =	vxor.u32 $0x6, v33;
	v32 =	vand.u32 $0x880, v57  }
0x2aa: {  	v21 =	vor.u32 s30, v0;
	v50 =	vld.idx.msk [tilespmem:v48+s9+$0x0], $0xffff;
	v51 =	vor.u32 $0x100, v20;
	v32 =	vor.u32 v32, v63  }
0x2ab: {  	v62 =	vld.idx.msk [tilespmem:v40+s9+$0x0], $0xffff;
	v40 =	vand.u32 $0x7F, v21;
	v53 =	vor.u32 $0x400, v20;
	v32 =	vxor.u32 $0x8, v32  }
0x2ac: {  	v55 =	vor.u32 $0x500, v20;
	vm15 =	vlt.u32 v20, $0x80;
	v61 =	vand.u32 $0x180, v51;
	v35 =	vld.idx.msk [tilespmem:v35+s9+$0x0], $0xffff  }
0x2ad: {  	v54 =	vand.u32 $0x480, v53;
	v39 =	vand.u32 $0x580, v55;
	v23 =	vadd.s32 v24, v23;
	v45 =	vld.idx.msk [tilespmem:v45+s9+$0x0], $0xffff  }
0x2ae: {  	v48 =	vor.u32 v61, v40;
	v36 =	vor.u32 v54, v40;
	v61 =	vor.u32 $0x800, v20;
	v33 =	vld.idx.msk [tilespmem:v33+s9+$0x0], $0xffff  }
0x2af: {  	v43 =	vld.idx.msk [tilespmem:v43+s9+$0x0], $0xffff;
	v54 =	vor.u32 $0xC00, v20;
	v22 =	vadd.s32 v22, v23;
	v23 =	vsel vm15, $0x80, v11  }
0x2b0: {  	v36 =	vxor.u32 $0x4, v36;
	v57 =	vor.u32 $0x600, v20;
	v31 =	vadd.s32 v50, v31;
	v32 =	vld.idx.msk [tilespmem:v32+s9+$0x0], $0xffff  }
0x2b1: {  	v60 =	vld.idx.msk [tilespmem:v44+s9+$0x0], $0xffff;
	v58 =	vor.u32 v39, v40;
	v39 =	vand.u32 $0x880, v61;
	v31 =	vadd.s32 v35, v31  }
0x2b2: {  	v61 =	vor.u32 $0xF00, v20;
	v63 =	vor.u32 $0x200, v20;
	v31 =	vadd.s32 v45, v31  }
0x2b3: {  	v41 =	vld.idx.msk [tilespmem:v41+s9+$0x0], $0xffff;
	v50 =	vor.u32 $0x300, v20;
	v59 =	vxor.u32 $0x5, v58;
	v31 =	vadd.s32 v33, v31  }
0x2b4: {  	v42 =	vld.idx.msk [tilespmem:v42+s9+$0x0], $0xffff;
	v39 =	vor.u32 v39, v40;
	v58 =	vor.u32 $0xD00, v20;
	v31 =	vadd.s32 v43, v31  }
0x2b5: {  	v37 =	vld.idx.msk [tilespmem:v37+s9+$0x0], $0xffff;
	v49 =	vand.u32 $0x280, v63;
	v52 =	vand.u32 $0x380, v50;
	v31 =	vadd.s32 v32, v31  }
0x2b6: {  	v38 =	vld.idx.msk [tilespmem:v38+s9+$0x0], $0xffff;
	v63 =	vsel vm14, $0x80, v11;
	v50 =	vor.u32 $0xB00, v20;
	v31 =	vadd.s32 v60, v31  }
0x2b7: {  	v28 =	vld.idx.msk [tilespmem:v28+s9+$0x0], $0xffff;
	v51 =	vor.u32 v49, v40;
	v33 =	vxor.u32 $0x1, v48;
	v31 =	vadd.s32 v62, v31  }
0x2b8: {  	v34 =	vld.idx.msk [tilespmem:v34+s9+$0x0], $0xffff;
	v35 =	vor.u32 v52, v40;
	v32 =	vxor.u32 $0x2, v51;
	v31 =	vadd.s32 v41, v31  }
0x2b9: {  	v27 =	vld.idx.msk [tilespmem:v27+s9+$0x0], $0xffff;
	v29 =	vxor.u32 v29, v63;
	v35 =	vxor.u32 $0x3, v35;
	v31 =	vadd.s32 v42, v31  }
0x2ba: {  	v26 =	vld.idx.msk [tilespmem:v26+s9+$0x0], $0xffff;
	v60 =	vor.u32 $0x700, v20;
	v31 =	vadd.s32 v37, v31;
	v37 =	vand.u32 $0x680, v57  }
0x2bb: {  	v56 =	vld.idx.msk [tilespmem:v21+s9+$0x0], $0xffff;
	v31 =	vadd.s32 v38, v31;
	v37 =	vor.u32 v37, v40;
	v38 =	vand.u32 $0x780, v60  }
0x2bc: {  	v49 =	vor.u32 $0xA00, v20;
	v33 =	vld.idx.msk [tilespmem:v33+s9+$0x0], $0xffff;
	v30 =	vxor.u32 $0x6, v37;
	v62 =	vor.u32 v38, v40  }
0x2bd: {  	v53 =	vand.u32 $0xB80, v50;
	v45 =	vor.u32 $0x900, v20;
	v32 =	vld.idx.msk [tilespmem:v32+s9+$0x0], $0xffff;
	v37 =	vxor.u32 $0x7, v62  }
0x2be: {  	v47 =	vand.u32 $0x980, v45;
	v48 =	vxor.u32 $0x8, v39;
	v39 =	vand.u32 $0xA80, v49;
	v35 =	vld.idx.msk [tilespmem:v35+s9+$0x0], $0xffff  }
0x2bf: {  	v36 =	vld.idx.msk [tilespmem:v36+s9+$0x0], $0xffff;
	v63 =	vand.u32 $0xF80, v61;
	v39 =	vor.u32 v39, v40;
	v41 =	vor.u32 v47, v40  }
0x2c0: {  	v52 =	vxor.u32 $0x9, v41;
	v41 =	vand.u32 $0xD80, v58;
	v31 =	vadd.s32 v34, v31;
	v34 =	vld.idx.msk [tilespmem:v59+s9+$0x0], $0xffff  }
0x2c1: {  	v55 =	vxor.u32 $0xA, v39;
	v41 =	vor.u32 v41, v40;
	v33 =	vadd.s32 v56, v33;
	v30 =	vld.idx.msk [tilespmem:v30+s9+$0x0], $0xffff  }
0x2c2: {  	v60 =	vor.u32 $0xE00, v20;
	v20 =	vadd.s32 v28, v22;
	v32 =	vadd.s32 v32, v33;
	v37 =	vld.idx.msk [tilespmem:v37+s9+$0x0], $0xffff  }
0x2c3: {  	v57 =	vand.u32 $0xC80, v54;
	v20 =	vadd.s32 v27, v20;
	(xrf0) =	vadd.scan.msk.s32 $0xffff, v31;
	v33 =	vld.idx.msk [tilespmem:v48+s9+$0x0], $0xffff;
	v32 =	vadd.s32 v35, v32  }
0x2c4: {  	v56 =	vor.u32 v53, v40;
	v62 =	vxor.u32 $0xD, v41;
	v32 =	vadd.s32 v36, v32  }
0x2c5: {  	v39 =	vxor.u32 $0xB, v56;
	v32 =	vadd.s32 v34, v32;
	v34 =	vor.u32 v57, v40  }
0x2c6: {  	v35 =	vld.idx.msk [tilespmem:v52+s9+$0x0], $0xffff;
	v59 =	vxor.u32 $0xC, v34;
	v34 =	vand.u32 $0xE80, v60;
	v30 =	vadd.s32 v30, v32  }
0x2c7: {  	s26 =	simm.s32 $0xC;
	s25 =	simm.s32 $0xB;
	v28 =	vadd.s32 v26, v20;
	v36 =	vld.idx.msk [tilespmem:v55+s9+$0x0], $0xffff;
	v34 =	vor.u32 v34, v40;
	v30 =	vadd.s32 v37, v30  }
0x2c8: {  	s26 =	smov.u32 @p0 s25;
	v34 =	vxor.u32 $0xE, v34;
	v24 =	vadd.s32 v33, v30;
	v30 =	vor.u32 v63, v40  }
0x2c9: {  	s31 =	simm.s32 $0x40;
	v16 =	vmov s26;
	v17 =	vxor.u32 v21, v23;
	v51, _, _ =	vpop (xrf0);
	(xrf0) =	vadd.scan.msk.s32 $0xffff, v28;
	v30 =	vxor.u32 $0xF, v30  }
0x2ca: {  	v27 =	vmov s31;
	[tilespmem:v29+s14+$0x0] =	vst.idx.msk $0xffff, v31;
	v26 =	vor.u32 s31, v0;
	v29 =	vor.u32 $0x100, v19;
	v20 =	vld.idx.msk [tilespmem:v39+s9+$0x0], $0xffff  }
0x2cb: {  	v31 =	vor.u32 $0xD00, v27;
	v38 =	vor.u32 $0xE00, v27;
	v21 =	vld.idx.msk [tilespmem:v59+s9+$0x0], $0xffff;
	v22 =	vadd.s32 v35, v24  }
0x2cc: {  	v39 =	vor.u32 $0xF00, v27;
	v43 =	vbroadcast v51, $0xF;
	v24 =	vadd.s32 v36, v22;
	v22 =	vld.idx.msk [tilespmem:v62+s9+$0x0], $0xffff  }
0x2cd: {  	[tilespmem:v25+s14+$0x0] =	vst.idx.msk $0xffff, v28;
	v32 =	vor.u32 $0xC00, v27;
	v37 =	vor.u32 $0x700, v27;
	v33 =	vor.u32 $0xB00, v27;
	v23 =	vld.idx.msk [tilespmem:v34+s9+$0x0], $0xffff  }
0x2ce: {  	s29 =	simm.s32 $0x6;
	s25 =	simm.s32 $0x4;
	s26 =	simm.s32 $0xC;
	[tilespmem:v46+s15+$0x0] =	vst.idx.msk $0x1, v43;
	v35 =	vor.u32 $0x900, v27;
	v34 =	vor.u32 $0xA00, v27;
	v36 =	vor.u32 $0x800, v27;
	v25 =	vld.idx.msk [tilespmem:v30+s9+$0x0], $0xffff  }
.LBB2_25:
0x2cf: {  	p0 =	slt.u32 s29, $0xE;
	v40 =	vor.u32 $0x400, v27;
	v41 =	vor.u32 $0x500, v27;
	v42 =	vor.u32 $0x600, v27;
	v30 =	vld.idx.msk [tilespmem:v18+s9+$0x0], $0xffff;
	v28, _, _ =	vpop (xrf0)  }
0x2d0: {  	v43 =	vor.u32 $0x100, v27;
	v44 =	vand.u32 $0x6F, v26;
	v45 =	vor.u32 $0x300, v27  }
0x2d1: {  	v46 =	vor.u32 $0x200, v27;
	v39 =	vand.u32 $0xF80, v39;
	v43 =	vand.u32 $0x180, v43  }
0x2d2: {  	v38 =	vand.u32 $0xE80, v38;
	v46 =	vand.u32 $0x280, v46;
	v43 =	vor.u32 v43, v44  }
0x2d3: {  	v45 =	vand.u32 $0x380, v45;
	v46 =	vor.u32 v46, v44;
	v43 =	vxor.u32 $0x1, v43  }
0x2d4: {  	v40 =	vand.u32 $0x480, v40;
	v45 =	vor.u32 v45, v44;
	v46 =	vxor.u32 $0x2, v46  }
0x2d5: {  	v41 =	vand.u32 $0x580, v41;
	v40 =	vor.u32 v40, v44;
	v45 =	vxor.u32 $0x3, v45  }
0x2d6: {  	v42 =	vand.u32 $0x680, v42;
	v41 =	vor.u32 v41, v44;
	v40 =	vxor.u32 $0x4, v40  }
0x2d7: {  	v37 =	vand.u32 $0x780, v37;
	v42 =	vor.u32 v42, v44;
	v41 =	vxor.u32 $0x5, v41;
	v47 =	vld.idx.msk [tilespmem:v26+s9+$0x0], $0xffff  }
0x2d8: {  	v36 =	vand.u32 $0x880, v36;
	v37 =	vor.u32 v37, v44;
	v42 =	vxor.u32 $0x6, v42;
	v43 =	vld.idx.msk [tilespmem:v43+s9+$0x0], $0xffff  }
0x2d9: {  	v35 =	vand.u32 $0x980, v35;
	v36 =	vor.u32 v36, v44;
	v37 =	vxor.u32 $0x7, v37;
	v46 =	vld.idx.msk [tilespmem:v46+s9+$0x0], $0xffff  }
0x2da: {  	v34 =	vand.u32 $0xA80, v34;
	v35 =	vor.u32 v35, v44;
	v36 =	vxor.u32 $0x8, v36;
	v45 =	vld.idx.msk [tilespmem:v45+s9+$0x0], $0xffff  }
0x2db: {  	v33 =	vand.u32 $0xB80, v33;
	v34 =	vor.u32 v34, v44;
	v35 =	vxor.u32 $0x9, v35;
	v40 =	vld.idx.msk [tilespmem:v40+s9+$0x0], $0xffff  }
0x2dc: {  	v32 =	vand.u32 $0xC80, v32;
	v33 =	vor.u32 v33, v44;
	v34 =	vxor.u32 $0xA, v34;
	v41 =	vld.idx.msk [tilespmem:v41+s9+$0x0], $0xffff  }
0x2dd: {  	v31 =	vand.u32 $0xD80, v31;
	v32 =	vor.u32 v32, v44;
	v33 =	vxor.u32 $0xB, v33;
	v42 =	vld.idx.msk [tilespmem:v42+s9+$0x0], $0xffff  }
0x2de: {  	v31 =	vor.u32 v31, v44;
	v32 =	vxor.u32 $0xC, v32;
	v43 =	vadd.s32 v47, v43;
	v37 =	vld.idx.msk [tilespmem:v37+s9+$0x0], $0xffff  }
0x2df: {  	v38 =	vor.u32 v38, v44;
	v31 =	vxor.u32 $0xD, v31;
	v43 =	vadd.s32 v46, v43;
	v36 =	vld.idx.msk [tilespmem:v36+s9+$0x0], $0xffff  }
0x2e0: {  	v39 =	vor.u32 v39, v44;
	v38 =	vxor.u32 $0xE, v38;
	v43 =	vadd.s32 v45, v43;
	v35 =	vld.idx.msk [tilespmem:v35+s9+$0x0], $0xffff  }
0x2e1: {  	v39 =	vxor.u32 $0xF, v39;
	v40 =	vadd.s32 v40, v43;
	v43 =	vand.u32 $0x180, v29;
	v34 =	vld.idx.msk [tilespmem:v34+s9+$0x0], $0xffff  }
0x2e2: {  	v29 =	vand.u32 $0x7F, v18;
	v40 =	vadd.s32 v41, v40;
	v41 =	vor.u32 $0x200, v19;
	v33 =	vld.idx.msk [tilespmem:v33+s9+$0x0], $0xffff  }
0x2e3: {  	v40 =	vadd.s32 v42, v40;
	v42 =	vor.u32 v43, v29;
	v41 =	vand.u32 $0x280, v41;
	v32 =	vld.idx.msk [tilespmem:v32+s9+$0x0], $0xffff  }
0x2e4: {  	v37 =	vadd.s32 v37, v40;
	v40 =	vxor.u32 $0x1, v42;
	v42 =	vor.u32 $0x300, v19;
	v31 =	vld.idx.msk [tilespmem:v31+s9+$0x0], $0xffff  }
0x2e5: {  	v36 =	vadd.s32 v36, v37;
	v37 =	vld.idx.msk [tilespmem:v38+s9+$0x0], $0xffff;
	v38 =	vor.u32 v41, v29;
	v41 =	vand.u32 $0x380, v42  }
0x2e6: {  	v35 =	vadd.s32 v35, v36;
	v36 =	vld.idx.msk [tilespmem:v39+s9+$0x0], $0xffff;
	v38 =	vxor.u32 $0x2, v38;
	v39 =	vor.u32 $0x400, v19  }
0x2e7: {  	v34 =	vadd.s32 v34, v35;
	v35 =	vor.u32 v41, v29;
	v39 =	vand.u32 $0x480, v39  }
0x2e8: {  	v33 =	vadd.s32 v33, v34;
	v34 =	vxor.u32 $0x3, v35;
	v35 =	vor.u32 $0x500, v19  }
0x2e9: {  	v32 =	vadd.s32 v32, v33;
	v39 =	vor.u32 v39, v29;
	v35 =	vand.u32 $0x580, v35;
	v33 =	vld.idx.msk [tilespmem:v40+s9+$0x0], $0xffff  }
0x2ea: {  	v31 =	vadd.s32 v31, v32;
	v32 =	vxor.u32 $0x4, v39;
	v39 =	vor.u32 $0x600, v19  }
0x2eb: {  	v35 =	vor.u32 v35, v29;
	v31 =	vadd.s32 v37, v31;
	v37 =	vld.idx.msk [tilespmem:v38+s9+$0x0], $0xffff;
	v38 =	vand.u32 $0x680, v39  }
0x2ec: {  	v35 =	vxor.u32 $0x5, v35;
	v31 =	vadd.s32 v36, v31;
	v36 =	vor.u32 $0x700, v19  }
0x2ed: {  	v39 =	vor.u32 $0x800, v19;
	v38 =	vor.u32 v38, v29;
	v36 =	vand.u32 $0x780, v36;
	v34 =	vld.idx.msk [tilespmem:v34+s9+$0x0], $0xffff;
	(xrf0) =	vadd.scan.msk.s32 $0xffff, v31  }
0x2ee: {  	vm0 =	vlt.u32 v27, $0x80;
	s31 =	sadd.s32 $0x9, s25;
	s26 =	sadd.s32 $0xFFFFFFFE, s26;
	p1 =	slt.u32 s25, $0x8;
	v27 =	vxor.u32 $0x6, v38;
	v36 =	vor.u32 v36, v29  }
0x2ef: {  	s25 =	sadd.s32 $0x8, s25;
	s0 =	sadd.s32 $0x1, s26;
	s30 =	smov.u32 s26;
	v40 =	vor.u32 $0x900, v19;
	v39 =	vand.u32 $0x880, v39;
	v38 =	vsel vm0, $0x80, v11;
	v32 =	vld.idx.msk [tilespmem:v32+s9+$0x0], $0xffff  }
0x2f0: {  	s0 =	smov.u32 @p1 s25;
	s30 =	smov.u32 @p1 s31;
	s25 =	smov.u32 s29;
	v26 =	vxor.u32 v26, v38;
	v30 =	vadd.s32 v30, v33;
	v33 =	vxor.u32 $0x7, v36  }
0x2f1: {  	v36 =	vmov s0;
	v38 =	vor.u32 v39, v29;
	v39 =	vand.u32 $0x980, v40;
	v35 =	vld.idx.msk [tilespmem:v35+s9+$0x0], $0xffff  }
0x2f2: {  	v30 =	vadd.s32 v37, v30;
	v37 =	vxor.u32 $0x8, v38;
	v38 =	vor.u32 $0xA00, v19  }
0x2f3: {  	v40 =	vor.u32 $0xB00, v19;
	v39 =	vor.u32 v39, v29;
	v38 =	vand.u32 $0xA80, v38;
	v27 =	vld.idx.msk [tilespmem:v27+s9+$0x0], $0xffff;
	v41, _, _ =	vpop (xrf0)  }
0x2f4: {  	v30 =	vadd.s32 v34, v30;
	v34 =	vxor.u32 $0x9, v39;
	v41 =	vbroadcast v41, $0xF  }
0x2f5: {  	[tilespmem:v26+s14+$0x0] =	vst.idx.msk $0xffff, v31;
	v26 =	vld.idx.msk [tilespmem:v33+s9+$0x0], $0xffff;
	v31 =	vor.u32 v38, v29;
	v33 =	vand.u32 $0xB80, v40;
	v38 =	vor.u32 $0xC00, v19  }
0x2f6: {  	v30 =	vadd.s32 v32, v30;
	[tilespmem:v36+s15+$0x0] =	vst.idx.msk $0x1, v41;
	v31 =	vxor.u32 $0xA, v31;
	v32 =	vor.u32 v33, v29  }
0x2f7: {  	v30 =	vadd.s32 v35, v30;
	v35 =	vand.u32 $0xC80, v38;
	v36 =	vor.u32 $0xD00, v19;
	v33 =	vld.idx.msk [tilespmem:v37+s9+$0x0], $0xffff  }
0x2f8: {  	v32 =	vxor.u32 $0xB, v32;
	v35 =	vor.u32 v35, v29;
	v36 =	vand.u32 $0xD80, v36  }
0x2f9: {  	v27 =	vadd.s32 v27, v30;
	v30 =	vld.idx.msk [tilespmem:v34+s9+$0x0], $0xffff;
	v34 =	vxor.u32 $0xC, v35;
	v35 =	vor.u32 $0xE00, v19  }
0x2fa: {  	v37 =	vor.u32 $0xF00, v19;
	v36 =	vor.u32 v36, v29;
	v35 =	vand.u32 $0xE80, v35  }
0x2fb: {  	v26 =	vadd.s32 v26, v27;
	v27 =	vld.idx.msk [tilespmem:v31+s9+$0x0], $0xffff;
	v31 =	vxor.u32 $0xD, v36;
	v35 =	vor.u32 v35, v29  }
0x2fc: {  	v24 =	vadd.s32 v20, v24;
	v36 =	vand.u32 $0xF80, v37;
	v35 =	vxor.u32 $0xE, v35  }
0x2fd: {  	v24 =	vadd.s32 v21, v24;
	v26 =	vadd.s32 v33, v26;
	v29 =	vor.u32 v36, v29;
	v20 =	vld.idx.msk [tilespmem:v32+s9+$0x0], $0xffff  }
0x2fe: {  	vm0 =	vlt.u32 v19, $0x80;
	v19 =	vadd.s32 v22, v24;
	v32 =	vxor.u32 $0xF, v29;
	v21 =	vld.idx.msk [tilespmem:v34+s9+$0x0], $0xffff  }
0x2ff: {  	v28 =	vbroadcast v28, $0xF;
	v19 =	vadd.s32 v23, v19;
	v24 =	vadd.s32 v30, v26  }
0x300: {  	v25 =	vadd.s32 v25, v19;
	v26 =	vsel vm0, $0x80, v11;
	v30 =	vmov s30;
	v22 =	vld.idx.msk [tilespmem:v31+s9+$0x0], $0xffff  }
0x301: {  	s28 =	sadd.s32 $0x20, s28;
	v26 =	vxor.u32 v18, v26;
	v24 =	vadd.s32 v27, v24;
	v23 =	vld.idx.msk [tilespmem:v35+s9+$0x0], $0xffff;
	(xrf0) =	vadd.scan.msk.s32 $0xffff, v25  }
.Ltmp18:
0x302: {  	s0 =	sadd.s32 $0xFFFFFFF0, s28;
	v19 =	vmov s28;
	v18 =	vor.u32 s28, v0;
	[tilespmem:v17+s14+$0x0] =	vst.idx.msk $0xffff, v25;
	v17 =	vmov v26;
	(pc) =	sbr.rel @p0 .LBB2_25-.Ltmp18, $4  }
0x303: {  	v29 =	vor.u32 $0x100, v19;
	v27 =	vmov s0;
	v26 =	vor.u32 s0, v0;
	v25 =	vld.idx.msk [tilespmem:v32+s9+$0x0], $0xffff;
	[tilespmem:v15+s15+$0x0] =	vst.idx.msk $0x1, v28;
	v15 =	vmovc v16;
	v16 =	vmovc v30  }
0x304: {  	v31 =	vor.u32 $0xD00, v27;
	v38 =	vor.u32 $0xE00, v27;
	v39 =	vor.u32 $0xF00, v27  }
0x305: {  	v34 =	vor.u32 $0xA00, v27;
	v33 =	vor.u32 $0xB00, v27;
	v32 =	vor.u32 $0xC00, v27  }
0x306: {  	s29 =	sadd.s32 $0x2, s29;
	v37 =	vor.u32 $0x700, v27;
	v36 =	vor.u32 $0x800, v27;
	v35 =	vor.u32 $0x900, v27  }
0x307: {  	v28 =	vor.u32 $0x400, v27  }
0x308: {  	v30 =	vor.u32 $0x500, v27;
	v40 =	vor.u32 $0x600, v27;
	v41 =	vor.u32 $0x100, v27  }
0x309: {  	v42 =	vand.u32 $0x6F, v26;
	v43 =	vor.u32 $0x300, v27;
	v44 =	vor.u32 $0x200, v27  }
0x30a: {  	v39 =	vand.u32 $0xF80, v39;
	v38 =	vand.u32 $0xE80, v38;
	v37 =	vand.u32 $0x780, v37  }
0x30b: {  	v36 =	vand.u32 $0x880, v36;
	v35 =	vand.u32 $0x980, v35;
	v34 =	vand.u32 $0xA80, v34  }
0x30c: {  	v33 =	vand.u32 $0xB80, v33;
	v32 =	vand.u32 $0xC80, v32;
	v31 =	vand.u32 $0xD80, v31  }
0x30d: {  	v29 =	vand.u32 $0x180, v29;
	v51 =	vor.u32 $0x200, v19;
	v53 =	vor.u32 $0x300, v19  }
0x30e: {  	v56 =	vor.u32 $0x400, v19;
	v59 =	vor.u32 $0x500, v19;
	v41 =	vand.u32 $0x180, v41  }
0x30f: {  	v60 =	vor.u32 $0x600, v19;
	v44 =	vand.u32 $0x280, v44;
	v41 =	vor.u32 v41, v42  }
0x310: {  	v43 =	vand.u32 $0x380, v43;
	v44 =	vor.u32 v44, v42;
	v41 =	vxor.u32 $0x1, v41  }
0x311: {  	v28 =	vand.u32 $0x480, v28;
	v43 =	vor.u32 v43, v42;
	v44 =	vxor.u32 $0x2, v44  }
0x312: {  	v61 =	vor.u32 $0x700, v19;
	v28 =	vor.u32 v28, v42;
	v43 =	vxor.u32 $0x3, v43  }
0x313: {  	v62 =	vor.u32 $0x800, v19;
	v30 =	vand.u32 $0x580, v30;
	v28 =	vxor.u32 $0x4, v28  }
0x314: {  	v45 =	vld.idx.msk [tilespmem:v26+s9+$0x0], $0xffff;
	v63 =	vor.u32 $0x900, v19;
	v46 =	vor.u32 $0xD00, v19;
	v30 =	vor.u32 v30, v42  }
0x315: {  	v47 =	vor.u32 $0xE00, v19;
	v40 =	vand.u32 $0x680, v40;
	v30 =	vxor.u32 $0x5, v30;
	v41 =	vld.idx.msk [tilespmem:v41+s9+$0x0], $0xffff  }
0x316: {  	v37 =	vor.u32 v37, v42;
	v36 =	vor.u32 v36, v42;
	v35 =	vor.u32 v35, v42;
	v44 =	vld.idx.msk [tilespmem:v44+s9+$0x0], $0xffff  }
0x317: {  	v34 =	vor.u32 v34, v42;
	v33 =	vor.u32 v33, v42;
	v40 =	vor.u32 v40, v42;
	v43 =	vld.idx.msk [tilespmem:v43+s9+$0x0], $0xffff  }
0x318: {  	v32 =	vor.u32 v32, v42;
	v31 =	vor.u32 v31, v42;
	v40 =	vxor.u32 $0x6, v40;
	v28 =	vld.idx.msk [tilespmem:v28+s9+$0x0], $0xffff  }
0x319: {  	v38 =	vor.u32 v38, v42;
	v39 =	vor.u32 v39, v42;
	v37 =	vxor.u32 $0x7, v37  }
0x31a: {  	v52 =	vand.u32 $0x280, v51;
	v36 =	vxor.u32 $0x8, v36;
	v30 =	vld.idx.msk [tilespmem:v30+s9+$0x0], $0xffff;
	v41 =	vadd.s32 v45, v41  }
0x31b: {  	v54 =	vand.u32 $0x380, v53;
	v35 =	vxor.u32 $0x9, v35;
	v41 =	vadd.s32 v44, v41  }
0x31c: {  	v58 =	vand.u32 $0x480, v56;
	v50 =	vand.u32 $0x980, v63;
	v41 =	vadd.s32 v43, v41  }
0x31d: {  	v34 =	vxor.u32 $0xA, v34;
	v40 =	vld.idx.msk [tilespmem:v40+s9+$0x0], $0xffff;
	v28 =	vadd.s32 v28, v41;
	v41 =	vand.u32 $0x7F, v18  }
0x31e: {  	v51 =	vor.u32 $0xA00, v19;
	v33 =	vxor.u32 $0xB, v33;
	v37 =	vld.idx.msk [tilespmem:v37+s9+$0x0], $0xffff;
	v29 =	vor.u32 v29, v41  }
0x31f: {  	v36 =	vld.idx.msk [tilespmem:v36+s9+$0x0], $0xffff;
	v28 =	vadd.s32 v30, v28;
	v30 =	vor.u32 v52, v41;
	v29 =	vxor.u32 $0x1, v29  }
0x320: {  	v46 =	vand.u32 $0xD80, v46;
	v47 =	vand.u32 $0xE80, v47;
	v35 =	vld.idx.msk [tilespmem:v35+s9+$0x0], $0xffff;
	v30 =	vxor.u32 $0x2, v30  }
0x321: {  	v57 =	vld.idx.msk [tilespmem:v18+s9+$0x0], $0xffff;
	v32 =	vxor.u32 $0xC, v32;
	v31 =	vxor.u32 $0xD, v31;
	v38 =	vxor.u32 $0xE, v38  }
0x322: {  	v39 =	vxor.u32 $0xF, v39;
	v42 =	vand.u32 $0x680, v60;
	v34 =	vld.idx.msk [tilespmem:v34+s9+$0x0], $0xffff;
	v28 =	vadd.s32 v40, v28  }
0x323: {  	v33 =	vld.idx.msk [tilespmem:v33+s9+$0x0], $0xffff;
	v44 =	vand.u32 $0x880, v62;
	v55 =	vor.u32 v54, v41;
	v28 =	vadd.s32 v37, v28  }
0x324: {  	v43 =	vand.u32 $0x780, v61;
	v37 =	vxor.u32 $0x3, v55;
	v28 =	vadd.s32 v36, v28;
	v29 =	vld.idx.msk [tilespmem:v29+s9+$0x0], $0xffff  }
0x325: {  	v36 =	vand.u32 $0x580, v59;
	v28 =	vadd.s32 v35, v28;
	v35 =	vor.u32 v58, v41;
	v30 =	vld.idx.msk [tilespmem:v30+s9+$0x0], $0xffff  }
0x326: {  	v32 =	vld.idx.msk [tilespmem:v32+s9+$0x0], $0xffff;
	v42 =	vor.u32 v42, v41;
	v36 =	vor.u32 v36, v41;
	v35 =	vxor.u32 $0x4, v35  }
0x327: {  	v31 =	vld.idx.msk [tilespmem:v31+s9+$0x0], $0xffff;
	v43 =	vor.u32 v43, v41;
	v49 =	vor.u32 v44, v41;
	v36 =	vxor.u32 $0x5, v36  }
0x328: {  	v38 =	vld.idx.msk [tilespmem:v38+s9+$0x0], $0xffff;
	v44 =	vor.u32 v50, v41;
	v52 =	vor.u32 $0xB00, v19;
	v42 =	vxor.u32 $0x6, v42  }
0x329: {  	v39 =	vld.idx.msk [tilespmem:v39+s9+$0x0], $0xffff;
	v48 =	vxor.u32 $0x7, v43;
	v43 =	vxor.u32 $0x8, v49;
	v29 =	vadd.s32 v57, v29  }
0x32a: {  	v53 =	vxor.u32 $0x9, v44;
	v37 =	vld.idx.msk [tilespmem:v37+s9+$0x0], $0xffff;
	v29 =	vadd.s32 v30, v29;
	v30 =	vand.u32 $0xA80, v51  }
0x32b: {  	v54 =	vand.u32 $0xB80, v52;
	v55 =	vor.u32 $0xC00, v19;
	v35 =	vld.idx.msk [tilespmem:v35+s9+$0x0], $0xffff;
	v30 =	vor.u32 v30, v41  }
0x32c: {  	v44 =	vor.u32 v54, v41;
	v45 =	vand.u32 $0xC80, v55;
	v36 =	vld.idx.msk [tilespmem:v36+s9+$0x0], $0xffff;
	v30 =	vxor.u32 $0xA, v30  }
0x32d: {  	v46 =	vor.u32 v46, v41;
	v44 =	vxor.u32 $0xB, v44;
	v45 =	vor.u32 v45, v41;
	v42 =	vld.idx.msk [tilespmem:v42+s9+$0x0], $0xffff  }
0x32e: {  	v47 =	vor.u32 v47, v41;
	v45 =	vxor.u32 $0xC, v45;
	v40 =	vld.idx.msk [tilespmem:v48+s9+$0x0], $0xffff;
	v48 =	vor.u32 $0xF00, v19  }
0x32f: {  	v46 =	vxor.u32 $0xD, v46;
	v43 =	vld.idx.msk [tilespmem:v43+s9+$0x0], $0xffff;
	v48 =	vand.u32 $0xF80, v48;
	v29 =	vadd.s32 v37, v29  }
0x330: {  	v56 =	vld.idx.msk [tilespmem:v53+s9+$0x0], $0xffff;
	v57 =	vxor.u32 $0xE, v47;
	v41 =	vor.u32 v48, v41;
	v29 =	vadd.s32 v35, v29  }
0x331: {  	v28 =	vadd.s32 v34, v28;
	v58 =	vxor.u32 $0xF, v41;
	v29 =	vadd.s32 v36, v29;
	v30 =	vld.idx.msk [tilespmem:v30+s9+$0x0], $0xffff  }
0x332: {  	v28 =	vadd.s32 v33, v28;
	v59 =	vld.idx.msk [tilespmem:v44+s9+$0x0], $0xffff;
	v29 =	vadd.s32 v42, v29  }
0x333: {  	v28 =	vadd.s32 v32, v28;
	v60 =	vld.idx.msk [tilespmem:v45+s9+$0x0], $0xffff;
	v29 =	vadd.s32 v40, v29  }
0x334: {  	v61 =	vld.idx.msk [tilespmem:v46+s9+$0x0], $0xffff;
	v28 =	vadd.s32 v31, v28;
	v29 =	vadd.s32 v43, v29  }
0x335: {  	v28 =	vadd.s32 v38, v28;
	v62 =	vld.idx.msk [tilespmem:v57+s9+$0x0], $0xffff;
	v29 =	vadd.s32 v56, v29  }
0x336: {  	v20 =	vadd.s32 v20, v24;
	v28 =	vadd.s32 v39, v28;
	v63 =	vld.idx.msk [tilespmem:v58+s9+$0x0], $0xffff;
	v24 =	vadd.s32 v30, v29  }
0x337: {  	v20 =	vadd.s32 v21, v20;
	(xrf0) =	vadd.scan.msk.s32 $0xffff, v28;
	v21 =	vadd.s32 v59, v24  }
0x338: {  	vm0 =	vlt.u32 v27, $0x80;
	s0 =	sadd.s32 $0xFFFFFFFE, s26;
	v20 =	vadd.s32 v22, v20;
	v21 =	vadd.s32 v60, v21  }
0x339: {  	p0 =	slt.u32 s25, $0x8;
	s28 =	sadd.s32 $0x8, s25;
	s26 =	sadd.s32 $0x1, s0;
	v22 =	vsel vm0, $0x80, v11;
	v20 =	vadd.s32 v23, v20;
	v21 =	vadd.s32 v61, v21  }
0x33a: {  	s26 =	smov.u32 @p0 s28;
	v22 =	vxor.u32 v26, v22;
	v20 =	vadd.s32 v25, v20;
	v21 =	vadd.s32 v62, v21  }
0x33b: {  	v23 =	vmov s26;
	(xrf0) =	vadd.scan.msk.s32 $0xffff, v20;
	v21 =	vadd.s32 v63, v21  }
0x33c: {  	vm11 =	vlt.u32 v19, $0x80;
	v24, _, _ =	vpop (xrf0);
	(xrf0) =	vadd.scan.msk.s32 $0xffff, v21  }
0x33d: {  	v25 =	vsel vm11, $0x80, v11;
	v19, _, _ =	vpop (xrf0)  }
0x33e: {  	s25 =	sadd.s32 $0x9, s25;
	v18 =	vxor.u32 v18, v25;
	v19 =	vbroadcast v19, $0xF  }
0x33f: {  	s0 =	smov.u32 @p0 s25;
	[tilespmem:v22+s14+$0x0] =	vst.idx.msk $0xffff, v28  }
0x340: {  	v22 =	vmov s0;
	[tilespmem:v23+s15+$0x0] =	vst.idx.msk $0x1, v19;
	v19 =	vbroadcast v24, $0xF  }
0x341: {  	[tilespmem:v17+s14+$0x0] =	vst.idx.msk $0xffff, v20;
	v17, _, _ =	vpop (xrf0)  }
0x342: {  	[tilespmem:v15+s15+$0x0] =	vst.idx.msk $0x1, v19;
	v15 =	vbroadcast v17, $0xF;
	v17, _, _ =	vpop (xrf0)  }
0x343: {  	[tilespmem:v18+s14+$0x0] =	vst.idx.msk $0xffff, v21;
	v17 =	vbroadcast v17, $0xF  }
0x344: {  	[tilespmem:v16+s15+$0x0] =	vst.idx.msk $0x1, v15  }
0x345: {  	[tilespmem:v22+s15+$0x0] =	vst.idx.msk $0x1, v17  }
0x346: {  	v15 =	vld [tilespmem:$0xD100];
	_ =	sdelay $0x4  }
0x347: {  	v15 =	vperm.xlane v15, v12;
	_ =	sdelay $0x1  }
0x348: {  	(xrf0) =	vadd.scan.msk.s32 $0xffff, v15;
	_ =	sdelay $0x5  }
0x349: {  	v16, _, _ =	vpop (xrf0)  }
0x34a: {  	vm12 =	vgt.s32 v16, $0x1FFF  }
0x34b: {  	v17 =	vmpcnt.ones.xlane vm12;
	_ =	sdelay $0x1  }
0x34c: {  	v20 =	vshll.u32 v17, $0x4  }
0x34d: {  	v18 =	vadd.s32 v13, v20;
	_ =	sdelay $0x4  }
0x34e: {  	v18 =	vld.idx.msk [tilespmem:v18+s14+$0x0], $0xffff  }
0x34f: {  	v17 =	vsub.s32 $0x10, v17  }
0x350: {  	v15 =	vsub.s32 v16, v15;
	vm13 =	veq.s32 v17, v0  }
0x351: {  	v15 =	vnsel vm13, $0x0, v15  }
0x352: {  	(xrf0) =	vadd.scan.msk.s32 $0xffff, v15  }
0x353: {  	v17 =	vperm.xlane v18, v12;
	_ =	sdelay $0x1  }
0x354: {  	(xrf0) =	vadd.scan.msk.s32 $0xffff, v17;
	_ =	sdelay $0x2  }
0x355: {  	v15, _, _ =	vpop (xrf0)  }
0x356: {  	v16 =	vsub.s32 $0x2000, v15  }
0x357: {  	v15 =	vbroadcast v16, $0xF  }
0x358: {  	v18, _, _ =	vpop (xrf0)  }
0x359: {  	vm14 =	vge.s32 v18, v15  }
0x35a: {  	v19 =	vmpcnt.ones.xlane vm14;
	_ =	sdelay $0x1  }
0x35b: {  	v15 =	vadd.s32 v19, v20  }
0x35c: {  	v15 =	vadd.s32 $0xFFFFFFEF, v15  }
0x35d: {  	vm15 =	vlt.s32 v15, $0x80  }
0x35e: {  	v20 =	vsel vm15, $0xFF, v14  }
0x35f: {  	v20 =	vxor.u32 v15, v20  }
0x360: {  	v21 =	vxor.u32 v0, v20;
	v22 =	vor.u32 v1, v20  }
0x361: {  	v22 =	vand.u32 $0xFFFFFF80, v22;
	v21 =	vand.u32 $0x7F, v21  }
0x362: {  	v21 =	vor.u32 v21, v22;
	_ =	sdelay $0x1  }
0x363: {  	s31 =	simm.s32 $0x0  }
0x364: {  	s25 =	simm.s32 $0x7;
	v24 =	vor.u32 s31, v1  }
0x365: {  	v27 =	vor.u32 s25, v1;
	s26 =	simm.s32 $0x6  }
0x366: {  	s28 =	simm.s32 $0x5;
	v23 =	vld.idx.msk [tilespmem:v21+s9+$0x0], $0xffff;
	v21 =	vor.u32 s26, v1  }
0x367: {  	s29 =	simm.s32 $0x4;
	v22 =	vor.u32 s28, v1  }
0x368: {  	s30 =	simm.s32 $0x3;
	v25 =	vor.u32 s29, v1  }
0x369: {  	v26 =	vor.u32 s30, v1;
	s31 =	simm.s32 $0x2;
	[tilespmem:v24+s9+$0x0] =	vst.idx.msk $0xffff, v2  }
0x36a: {  	s25 =	simm.s32 $0x8;
	s26 =	simm.s32 $0x1;
	v24 =	vor.u32 s31, v1;
	[tilespmem:v27+s9+$0x0] =	vst.idx.msk $0xffff, v2  }
.LBB2_27:
0x36b: {  	p0 =	slt.u32 s25, $0xF8;
	v27 =	vor.u32 s26, v1;
	[tilespmem:v21+s9+$0x0] =	vst.idx.msk $0xffff, v2  }
0x36c: {  	v28 =	vor.u32 s25, v1;
	s0 =	sadd.s32 $0x7, s25;
	[tilespmem:v22+s9+$0x0] =	vst.idx.msk $0xffff, v2  }
0x36d: {  	s26 =	sadd.s32 $0x6, s25;
	v29 =	vor.u32 s0, v1;
	[tilespmem:v25+s9+$0x0] =	vst.idx.msk $0xffff, v2  }
.Ltmp19:
0x36e: {  	s0 =	sadd.s32 $0x5, s25;
	v21 =	vor.u32 s26, v1;
	[tilespmem:v26+s9+$0x0] =	vst.idx.msk $0xffff, v2;
	(pc) =	sbr.rel @p0 .LBB2_27-.Ltmp19, $4  }
0x36f: {  	s26 =	sadd.s32 $0x4, s25;
	v22 =	vor.u32 s0, v1;
	[tilespmem:v24+s9+$0x0] =	vst.idx.msk $0xffff, v2  }
0x370: {  	s0 =	sadd.s32 $0x3, s25;
	v25 =	vor.u32 s26, v1;
	[tilespmem:v27+s9+$0x0] =	vst.idx.msk $0xffff, v2  }
0x371: {  	s28 =	sadd.s32 $0x2, s25;
	v26 =	vor.u32 s0, v1;
	[tilespmem:v28+s9+$0x0] =	vst.idx.msk $0xffff, v2  }
0x372: {  	s26 =	sadd.s32 $0x1, s25;
	s25 =	sadd.s32 $0x8, s25;
	v24 =	vor.u32 s28, v1;
	[tilespmem:v29+s9+$0x0] =	vst.idx.msk $0xffff, v2  }
0x373: {  	s0 =	simm.s32 $0x0  }
0x374: {  	v27 =	vmov s0  }
0x375: {  	v27 =	vshrl.u32 v27, $0x7  }
0x376: {  	v27 =	vshll.u32 v27, $0x7  }
0x377: {  	v27 =	vbroadcast v27, $0x0  }
0x378: {  	v28 =	vor.u32 s26, v1;
	[tilespmem:v21+s9+$0x0] =	vst.idx.msk $0xffff, v2  }
0x379: {  	[tilespmem:v22+s9+$0x0] =	vst.idx.msk $0xffff, v2;
	v21 =	vor.u32 v10, v27  }
0x37a: {  	[tilespmem:v25+s9+$0x0] =	vst.idx.msk $0xffff, v2;
	v22 =	vor.u32 v9, v27  }
0x37b: {  	[tilespmem:v26+s9+$0x0] =	vst.idx.msk $0xffff, v2;
	v25 =	vor.u32 v8, v27  }
0x37c: {  	[tilespmem:v24+s9+$0x0] =	vst.idx.msk $0xffff, v2;
	v24 =	vor.u32 v7, v27  }
0x37d: {  	(xrf0) =	vadd.scan.msk.s32 $0xffff, v23;
	[tilespmem:v28+s9+$0x0] =	vst.idx.msk $0xffff, v2;
	v26 =	vor.u32 v6, v27  }
0x37e: {  	s31 =	simm.s32 $0x80;
	v28 =	vor.u32 v0, v27;
	v30 =	vld.idx.msk [tilespmem:v21+s12+$0x0], $0xffff  }
0x37f: {  	v31 =	vor.u32 v4, v27;
	v33 =	vld.idx.msk [tilespmem:v22+s12+$0x0], $0xffff;
	v21 =	vmov s31  }
0x380: {  	v35 =	vor.u32 v5, v27;
	v32 =	vld.idx.msk [tilespmem:v25+s12+$0x0], $0xffff;
	v21 =	vshrl.u32 v21, $0x7  }
0x381: {  	v34 =	vld.idx.msk [tilespmem:v24+s12+$0x0], $0xffff  }
0x382: {  	vm0 =	vgt.s32 v20, $0x7F;
	v29 =	vld.idx.msk [tilespmem:v26+s12+$0x0], $0xffff;
	v25 =	vshll.u32 v21, $0x7  }
0x383: {  	v22 =	vsel vm0, $0xFFFFFFFF, v2;
	v24 =	vld.idx.msk [tilespmem:v28+s12+$0x0], $0xffff;
	v43 =	vbroadcast v25, $0x0;
	v21, _, _ =	vpop (xrf0)  }
0x384: {  	v25 =	vld.idx.msk [tilespmem:v31+s12+$0x0], $0xffff;
	v23 =	vsub.s32 v21, v23;
	v27 =	vxor.u32 v22, v30;
	v28 =	vxor.u32 v22, v33  }
0x385: {  	v26 =	vld.idx.msk [tilespmem:v35+s12+$0x0], $0xffff;
	v45 =	vor.u32 v8, v43;
	v38 =	vor.u32 v9, v43;
	v37 =	vor.u32 v10, v43  }
0x386: {  	v36 =	vor.u32 v4, v43;
	v40 =	vor.u32 v6, v43;
	v42 =	vor.u32 v7, v43  }
0x387: {  	v41 =	vor.u32 v0, v43;
	v44 =	vshrl.u32 v33, $0x18;
	v46 =	vshrl.u32 v30, $0x18  }
0x388: {  	v30 =	vshrl.u32 v24, $0x18;
	v57 =	vshrl.u32 v34, $0x18;
	v39 =	vshrl.u32 v32, $0x18  }
0x389: {  	v58 =	vshrl.u32 v29, $0x18;
	vm5 =	veq.s32 v30, v20;
	v30 =	vshrl.u32 v25, $0x18  }
0x38a: {  	v31 =	vsel vm5, $0x1, v2;
	vm6 =	veq.s32 v30, v20;
	v30 =	vshrl.u32 v26, $0x18  }
0x38b: {  	v31 =	vadd.s32 v31, v23;
	v47 =	vsel vm6, $0x1, v2;
	vm0 =	veq.s32 v30, v20  }
0x38c: {  	vm1 =	veq.s32 v58, v20;
	v30 =	vadd.s32 v47, v31;
	v59 =	vsel vm0, $0x1, v2  }
0x38d: {  	vm2 =	veq.s32 v57, v20;
	v60 =	vsel vm1, $0x1, v2;
	v33 =	vadd.s32 v59, v30  }
0x38e: {  	vm3 =	veq.s32 v39, v20;
	v61 =	vsel vm2, $0x1, v2;
	v35 =	vadd.s32 v60, v33  }
0x38f: {  	vm4 =	veq.s32 v44, v20;
	v62 =	vsel vm3, $0x1, v2;
	v37 =	vld.idx.msk [tilespmem:v37+s12+$0x0], $0xffff;
	v39 =	vadd.s32 v61, v35  }
0x390: {  	vm7 =	veq.s32 v46, v20;
	v63 =	vsel vm4, $0x1, v2;
	v38 =	vld.idx.msk [tilespmem:v38+s12+$0x0], $0xffff;
	v44 =	vadd.s32 v62, v39  }
0x391: {  	s25 =	simm.s32 $0x8;
	s26 =	simm.s32 $0x100;
	v46 =	vor.u32 v5, v43;
	v43 =	vld.idx.msk [tilespmem:v45+s12+$0x0], $0xffff;
	v47 =	vsel vm7, $0x1, v2;
	v45 =	vadd.s32 v63, v44  }
.LBB2_29:
0x392: {  	v48 =	vmov s26;
	v50 =	vxor.u32 v22, v24  }
0x393: {  	v49 =	vld.idx.msk [tilespmem:v42+s12+$0x0], $0xffff;
	v47 =	vadd.s32 v47, v45;
	vm8 =	vmmov vm5;
	vm9 =	vmmov vm6  }
0x394: {  	v51 =	vxor.u32 v22, v25;
	v52 =	vxor.u32 v22, v26;
	v24 =	vshrl.u32 v48, $0x7;
	v48 =	vld.idx.msk [tilespmem:v40+s12+$0x0], $0xffff  }
0x395: {  	v53 =	vxor.u32 v22, v29;
	v54 =	vxor.u32 v22, v34;
	v25 =	vshll.u32 v24, $0x7;
	v24 =	vld.idx.msk [tilespmem:v41+s12+$0x0], $0xffff  }
0x396: {  	v56 =	vxor.u32 v22, v32;
	v29 =	vxor.u32 v22, v37;
	v55 =	vbroadcast v25, $0x0;
	v25 =	vld.idx.msk [tilespmem:v36+s12+$0x0], $0xffff  }
0x397: {  	v26 =	vld.idx.msk [tilespmem:v46+s12+$0x0], $0xffff;
	v46 =	vxor.u32 v22, v38;
	[tilespmem:v45+s16+$0x0] =	vst.idx.msk vm7, v27;
	v27 =	vmov v29  }
0x398: {  	v32 =	vmovc v43;
	v45 =	vor.u32 v8, v55;
	v57 =	vor.u32 v9, v55;
	v58 =	vor.u32 v10, v55  }
0x399: {  	s25 =	sadd.s32 $0x8, s25;
	v36 =	vor.u32 v4, v55;
	v40 =	vor.u32 v6, v55;
	v42 =	vor.u32 v7, v55;
	v34 =	vmovc v49  }
0x39a: {  	p0 =	slt.u32 s25, $0x3F8;
	v38 =	vshrl.u32 v38, $0x18;
	v43 =	vshrl.u32 v37, $0x18;
	v41 =	vor.u32 v0, v55;
	v29 =	vmovc v48;
	[tilespmem:v44+s16+$0x0] =	vst.idx.msk vm4, v28  }
0x39b: {  	v48 =	vshrl.u32 v32, $0x18;
	v37 =	vshrl.u32 v24, $0x18;
	v44 =	vshrl.u32 v34, $0x18;
	v28 =	vmovc v46;
	[tilespmem:v39+s16+$0x0] =	vst.idx.msk vm3, v56  }
0x39c: {  	vm5 =	veq.s32 v37, v20;
	v37 =	vshrl.u32 v25, $0x18;
	v39 =	vshrl.u32 v29, $0x18;
	[tilespmem:v35+s16+$0x0] =	vst.idx.msk vm2, v54  }
0x39d: {  	v35 =	vsel vm5, $0x1, v2;
	vm6 =	veq.s32 v37, v20;
	v37 =	vshrl.u32 v26, $0x18;
	[tilespmem:v33+s16+$0x0] =	vst.idx.msk vm1, v53  }
0x39e: {  	v46 =	vadd.s32 v35, v47;
	v33 =	vsel vm6, $0x1, v2;
	[tilespmem:v30+s16+$0x0] =	vst.idx.msk vm0, v52;
	vm0 =	veq.s32 v37, v20  }
0x39f: {  	vm1 =	veq.s32 v39, v20;
	v30 =	vadd.s32 v33, v46;
	v33 =	vsel vm0, $0x1, v2;
	[tilespmem:v31+s16+$0x0] =	vst.idx.msk vm9, v51  }
.Ltmp20:
0x3a0: {  	vm2 =	veq.s32 v44, v20;
	v37 =	vsel vm1, $0x1, v2;
	v33 =	vadd.s32 v33, v30;
	[tilespmem:v23+s16+$0x0] =	vst.idx.msk vm8, v50;
	(pc) =	sbr.rel @p0 .LBB2_29-.Ltmp20, $4  }
0x3a1: {  	vm3 =	veq.s32 v48, v20;
	v39 =	vsel vm2, $0x1, v2;
	v31 =	vmovc v46;
	v23 =	vmovc v47;
	v35 =	vadd.s32 v37, v33  }
0x3a2: {  	vm4 =	veq.s32 v38, v20;
	v44 =	vsel vm3, $0x1, v2;
	v37 =	vld.idx.msk [tilespmem:v58+s12+$0x0], $0xffff;
	v39 =	vadd.s32 v39, v35  }
0x3a3: {  	vm7 =	veq.s32 v43, v20;
	v47 =	vsel vm4, $0x1, v2;
	v38 =	vld.idx.msk [tilespmem:v57+s12+$0x0], $0xffff;
	v44 =	vadd.s32 v44, v39  }
0x3a4: {  	s26 =	sadd.s32 $0x80, s26;
	v46 =	vor.u32 v5, v55;
	v43 =	vld.idx.msk [tilespmem:v45+s12+$0x0], $0xffff;
	v45 =	vadd.s32 v47, v44;
	v47 =	vsel vm7, $0x1, v2  }
0x3a5: {  	_ =	sdelay $0x3  }
0x3a6: {  	v42 =	vld.idx.msk [tilespmem:v42+s12+$0x0], $0xffff  }
0x3a7: {  	v40 =	vld.idx.msk [tilespmem:v40+s12+$0x0], $0xffff  }
0x3a8: {  	v41 =	vld.idx.msk [tilespmem:v41+s12+$0x0], $0xffff  }
0x3a9: {  	v36 =	vld.idx.msk [tilespmem:v36+s12+$0x0], $0xffff;
	v47 =	vadd.s32 v47, v45;
	(v2sf) =	vpush v21, $0xF  }
0x3aa: {  	vm8 =	vmmov vm5;
	v46 =	vld.idx.msk [tilespmem:v46+s12+$0x0], $0xffff;
	vm10 =	vmmov vm6;
	v34 =	vxor.u32 v22, v34  }
0x3ab: {  	v32 =	vxor.u32 v22, v32;
	v29 =	vxor.u32 v22, v29;
	v26 =	vxor.u32 v22, v26  }
0x3ac: {  	v25 =	vxor.u32 v22, v25;
	v19 =	vsub.s32 $0x10, v19;
	v48 =	vshrl.u32 v38, $0x18  }
0x3ad: {  	v52 =	vshrl.u32 v43, $0x18;
	v50 =	vshrl.u32 v41, $0x18;
	v51 =	vshrl.u32 v42, $0x18  }
0x3ae: {  	v62 =	vshrl.u32 v36, $0x18;
	v53 =	vshrl.u32 v40, $0x18;
	vm9 =	veq.s32 v50, v20  }
0x3af: {  	v63 =	vshrl.u32 v46, $0x18;
	vm12 =	veq.s32 v62, v20;
	v54 =	vsel vm9, $0x1, v2  }
0x3b0: {  	vm5 =	veq.s32 v63, v20;
	v56 =	vsel vm12, $0x1, v2;
	v54 =	vadd.s32 v54, v47  }
0x3b1: {  	[tilespmem:v45+s16+$0x0] =	vst.idx.msk vm7, v27;
	vm6 =	veq.s32 v53, v20;
	v57 =	vsel vm5, $0x1, v2;
	v50 =	vadd.s32 v56, v54  }
0x3b2: {  	[tilespmem:v44+s16+$0x0] =	vst.idx.msk vm4, v28;
	vm11 =	veq.s32 v51, v20;
	v58 =	vsel vm6, $0x1, v2;
	v53 =	vadd.s32 v57, v50  }
0x3b3: {  	[tilespmem:v39+s16+$0x0] =	vst.idx.msk vm3, v32;
	vm7 =	veq.s32 v52, v20;
	v60 =	vsel vm11, $0x1, v2;
	v59 =	vadd.s32 v58, v53  }
0x3b4: {  	[tilespmem:v35+s16+$0x0] =	vst.idx.msk vm2, v34;
	vm4 =	veq.s32 v48, v20;
	v62 =	vsel vm7, $0x1, v2;
	v61 =	vadd.s32 v60, v59  }
0x3b5: {  	v17 =	vsub.s32 v18, v17;
	[tilespmem:v33+s16+$0x0] =	vst.idx.msk vm1, v29;
	v49 =	vshrl.u32 v37, $0x18;
	v63 =	vadd.s32 v62, v61  }
0x3b6: {  	[tilespmem:v30+s16+$0x0] =	vst.idx.msk vm0, v26;
	vm13 =	veq.s32 v19, v0;
	vm15 =	veq.s32 v49, v20;
	v20 =	vsel vm4, $0x1, v2  }
0x3b7: {  	v24 =	vxor.u32 v22, v24;
	v17 =	vnsel vm13, $0x0, v17;
	[tilespmem:v31+s16+$0x0] =	vst.idx.msk vm10, v25;
	v20 =	vadd.s32 v20, v63  }
0x3b8: {  	(xrf0) =	vadd.scan.msk.s32 $0xffff, v17;
	v17 =	vxor.u32 v22, v43;
	[tilespmem:v23+s16+$0x0] =	vst.idx.msk vm8, v24;
	s0 =	spop (v2sf)  }
0x3b9: {  	v19 =	vxor.u32 v22, v38;
	s0 =	sadd.s32 $0xF, s0;
	[tilespmem:v61+s16+$0x0] =	vst.idx.msk vm7, v17  }
0x3ba: {  	s25 =	sand.u32 $0xF, s0;
	v17 =	vxor.u32 v22, v40;
	[tilespmem:v63+s16+$0x0] =	vst.idx.msk vm4, v19  }
0x3bb: {  	v18 =	vxor.u32 v22, v37;
	s31 =	sshra.s32 s0, $0x1F;
	p1 =	slt.s32 s0, $0x1;
	p0 =	sne.s32 s25, $0x0;
	[tilespmem:v53+s16+$0x0] =	vst.idx.msk vm6, v17  }
.Ltmp21:
0x3bc: {  	s25 =	sshrl.u32 s31, $0x1C;
	[tilespmem:v20+s16+$0x0] =	vst.idx.msk vm15, v18;
	v18 =	vxor.u32 v22, v42;
	p0 =	por !p1, !p0;
	(pc) =	sbr.rel .LBB2_31-.Ltmp21, $4  }
0x3bd: {  	s0 =	sadd.s32 s25, s0;
	s25 =	simm.s32 $0x1;
	[tilespmem:v59+s16+$0x0] =	vst.idx.msk vm11, v18;
	v18 =	vxor.u32 v22, v46;
	p0 =	por !p0, !p0  }
0x3be: {  	s0 =	sshra.s32 s0, $0x4;
	[tilespmem:v50+s16+$0x0] =	vst.idx.msk vm5, v18;
	s25 =	simm.s32 @!p0 $0x0;
	v18 =	vxor.u32 v22, v41  }
0x3bf: {  	vm14 =	vmmov vm12;
	v17 =	vxor.u32 v22, v36;
	v19, _, _ =	vpop (xrf0);
	s25 =	ssub.s32 s0, s25;
	[tilespmem:v47+s16+$0x0] =	vst.idx.msk vm9, v18;
	v18 =	vbroadcast v21, $0xF  }
0x3c0: {  	s26 =	simm.s32 $0x0;
	vm15 =	vmmov vm9;
	[tilespmem:v54+s16+$0x0] =	vst.idx.msk vm12, v17;
	v17 =	vimm.s32 $0x0;
	v16 =	vsub.s32 v16, v19;
	p0 =	slt.s32 s25, $0x1  }
.LBB2_33:
0x3c1: {  	v22 =	vimm.s32 $0x0  }
.LBB2_38:
0x3c2: {  	vm0 =	vge.s32 @p1 v25, v19;
	vm1 =	vlt.s32 @p1 v27, v18  }
0x3c3: {  	v23 =	vand.u32 $0xFFFFFF, v26;
	vm0 =	vmand @p1 vm1, vm0  }
0x3c4: {  	vm15 =	vlt.s32 v21, v18;
	vm14 =	vge.s32 v23, v19;
	v24 =	vsel @p1 vm0, $0x1, v2  }
0x3c5: {  	vm0 =	vmand vm15, vm14;
	v21 =	vadd.s32 @p1 v24, v22  }
0x3c6: {  	v20 =	vpsel p1, v21, v20;
	v21 =	vsel vm0, $0x1, v2  }
0x3c7: {  	v20 =	vadd.s32 v21, v20  }
.LBB2_39:
0x3c8: {  	(xrf0) =	vadd.scan.msk.s32 $0xffff, v20;
	_ =	sdelay $0x5  }
0x3c9: {  	v20, _, _ =	vpop (xrf0)  }
0x3ca: {  	s26 =	sadd.s32 $0x1, s26;
	vm0 =	vlt.s32 v20, v16  }
0x3cb: {  	p1 =	seq.s32 s26, $0x18;
	v20 =	vsel vm0, $0x1, v2  }
.Ltmp22:
0x3cc: {  	v20 =	vbroadcast v20, $0xF;
	(pc) =	sbr.rel @p1 .LBB2_40-.Ltmp22, $4  }
0x3cd: {  	_ = 	snop  }
0x3ce: {  	v20 =	vand.u32 $0x1, v20  }
0x3cf: {  	vm15 =	veq.s32 v20, $0x1  }
0x3d0: {  	v17 =	vsel vm15, v17, v19  }
.LBB2_31:
.Ltmp23:
0x3d1: {  	(pc) =	sbr.rel @p0 .LBB2_39-.Ltmp23, $3  }
0x3d2: {  	_ =	sdelay $0x1  }
0x3d3: {  	s0 =	sshrl.u32 s17, s26  }
0x3d4: {  	v20 =	vimm.s32 $0x0;
	v19 =	vor.u32 s0, v17  }
0x3d5: {  	s28 =	simm.s32 $0x0  }
0x3d6: {  	v21 =	vor.u32 s28, v0;
	_ =	sdelay $0x2  }
0x3d7: {  	p2 =	seq.s32 s25, $0x1  }
.Ltmp24:
0x3d8: {  	_ = 	snop;
	(pc) =	sbr.rel @p2 .LBB2_33-.Ltmp24, $2  }
0x3d9: {  	v26 =	vld.idx.msk [tilespmem:v21+s16+$0x0], $0xffff;
	_ =	sdelay $0x2  }
0x3da: {  	v20 =	vimm.s32 $0x0;
	s29 =	simm.s32 $0x10;
	p1 =	por $0x0, $0x0;
	s28 =	sadd.s32 $0xFFFFFFFF, s25  }
0x3db: {  	v23 =	vor.u32 s29, v0;
	p2 =	seq.s32 s28, $0x1  }
.Ltmp25:
0x3dc: {  	_ = 	snop;
	(pc) =	sbr.rel @p2 .LBB2_35-.Ltmp25, $2  }
0x3dd: {  	_ =	sdelay $0x2  }
0x3de: {  	s28 =	sadd.s32 $0xFFFFFFFF, s28;
	s29 =	simm.s32 $0x20;
	p1 =	por $0x1, $0x1;
	v22 =	vimm.s32 $0x0;
	v25 =	vand.u32 $0xFFFFFF, v26;
	v24 =	vld.idx.msk [tilespmem:v23+s16+$0x0], $0xffff  }
.LBB2_36:
0x3df: {  	p2 =	seq.s32 s28, $0x1;
	s28 =	sadd.s32 $0xFFFFFFFF, s28;
	vm0 =	vge.s32 v25, v19;
	vm1 =	vlt.s32 v21, v18;
	v21 =	vmovc v23;
	v23 =	vor.u32 s29, v0  }
.Ltmp26:
0x3e0: {  	vm0 =	vmand vm1, vm0;
	(pc) =	sbr.rel @!p2 .LBB2_36-.Ltmp26, $3  }
0x3e1: {  	v25 =	vsel vm0, $0x1, v2  }
0x3e2: {  	v22 =	vadd.s32 v25, v22;
	_ =	sdelay $0x1  }
0x3e3: {  	s29 =	sadd.s32 $0x10, s29;
	v25 =	vand.u32 $0xFFFFFF, v24;
	v24 =	vld.idx.msk [tilespmem:v23+s16+$0x0], $0xffff  }
.Ltmp27:
0x3e4: {  	_ = 	snop;
	(pc) =	sbr.rel .LBB2_38-.Ltmp27, $2  }
0x3e5: {  	_ =	sdelay $0x2  }
0x3e6: {  	v27 =	vmov v21;
	v21 =	vmov v23;
	v26 =	vmov v24  }
.LBB2_35:
.Ltmp28:
0x3e7: {  	_ = 	snop;
	(pc) =	sbr.rel .LBB2_38-.Ltmp28, $2  }
0x3e8: {  	_ =	sdelay $0x2  }
0x3e9: {  	v27 =	vmovc v21;
	v21 =	vmov v23;
	v22 =	vimm.s32 $0x0;
	v26 =	vmov v24  }
.LBB2_42:
0x3ea: {  	_ =	sfence.sel $0x180000  }
0x3eb: {  	[bflag:$0x0] =	sbarrier.arrive $0xFFFF  }
0x3ec: {  	_ =	strace $0x90000047  }
0x3ed: {  	[bflag:$0x2] =	sbarrier.arrive $0xFFFF  }
0x3ee: {  	p0 =	sne.s32 s1, $0x0;
	s0 =	rddreg [dreg:$0x2]  }
0x3ef: {  	s0 =	sadd.s32 @!p0 $0x100000, s0  }
0x3f0: {  	[sflag:s0] =	ssyncadd.tile.s32 @!p0 $0x1;
	_ =	shalt  }
.Lfunc_end2:
_tile_overlayer_lowered:
.L_overlay_start_2:
0x3f1: {  	(tag) =	ssettag $0x2  }
0x3f2: {  	s0 =	rddreg [dreg:$0x0];
	s2 =	stileid.u32  }
0x3f3: {  	s1 =	rddreg [dreg:$0x1];
	p0 =	sne.s32 s2, $0x0  }
0x3f4: {  	s3 =	rddreg [dreg:$0x2];
	[bflag:$0x3] =	sbarrier.arrive $0xFFFF;
	s2 =	simm.s32 @!p0 $0x1C03  }
0x3f5: {  	[timem:s3], [sflag:s2] =	dma.local @!p0 [hbm:s0], s1  }
0x3f6: {  	s0 =	simm.s32 @!p0 $0x3  }
0x3f7: {  	_ =	swait.ge @!p0 [sflag:s0], s1  }
0x3f8: {  	s1 =	ssub.s32 @!p0 $0x0, s1;
	[sflag:s0] =	ssyncset.done @!p0 $0x0  }
0x3f9: {  	[sflag:s0] =	ssyncadd.s32 @!p0 s1  }
0x3fa: {  	[bflag:$0x3] =	sbarrier.arrive $0xFFFF  }
0x3fb: {  	_ =	shalt  }

</sc_bundles>
